<compile_context>
chip_gen: v7x
topology: tpu7x:2x2x1
jax: 0.10.2.dev20260603
libtpu: 0.0.44.dev20260713+nightly
codegen_flags: <defaults>
</compile_context>

<pallas_src>
import functools

import jax
import jax.numpy as jnp
from jax import lax
from jax.experimental import pallas as pl
from jax.experimental.pallas import tpu as pltpu
from jax.experimental.pallas import tpu_sc as plsc

N_T, N_C, N_E = 50000, 10000, 10000
F_IN, H, GH, OUT = 128, 256, 64, 2
NE = 200000
EPS = 1e-5

NCORE, NSUB = 2, 16
CHUNK = 128
NCHUNK = 98
EPT = CHUNK * NCHUNK
EP = EPT * NSUB
PAD = EP - NE
ACC = 10112
STRIPE = ACC // NSUB
TRASH = ACC - 1
HALF = H // 2

RB = 2000

_f32 = jnp.float32



def _fill(buf, val):
    def row(i, carry):
        for j in range(HALF // 16):
            buf[i, pl.ds(j * 16, 16)] = jnp.full((16,), val, _f32)
        return carry

    lax.fori_loop(0, CHUNK, row, 0)


def _seg_body(tab0, tab1, src0, dst0, src1, dst1, dcat,
              sum0, sum1, cnt,
              idx_v, dst_v, rows_v, zbuf_v, ones_v, acc_sh, sem):
    c = lax.axis_index("c")
    s = lax.axis_index("s")
    _fill(zbuf_v, 0.0)
    _fill(ones_v, 1.0)

    def zero_acc():
        def zstripe(j, carry):
            row = pl.multiple_of(s * STRIPE + j * CHUNK, 8)
            pltpu.sync_copy(zbuf_v, acc_sh.at[pl.ds(row, CHUNK)])
            return carry

        lax.fori_loop(0, STRIPE // CHUNK, zstripe, 0)
        rem = STRIPE - (STRIPE // CHUNK) * CHUNK
        if rem:
            row = pl.multiple_of(s * STRIPE + (STRIPE // CHUNK) * CHUNK, 8)
            pltpu.sync_copy(zbuf_v.at[pl.ds(0, rem)],
                            acc_sh.at[pl.ds(row, rem)])

    def flush(out_ref):
        row = pl.multiple_of(s * STRIPE, 8)
        orow = pl.multiple_of(c * ACC + s * STRIPE, 8)
        pltpu.sync_copy(acc_sh.at[pl.ds(row, STRIPE)],
                        out_ref.at[pl.ds(orow, STRIPE)])

    for tab, srcf, dstf, sumo in ((tab0, src0, dst0, sum0),
                                  (tab1, src1, dst1, sum1)):
        zero_acc()
        plsc.subcore_barrier()
        base_s = c * EP + s * EPT
        base_d = s * EPT

        def chunk(j, carry):
            off_s = pl.multiple_of(base_s + j * CHUNK, CHUNK)
            off_d = pl.multiple_of(base_d + j * CHUNK, CHUNK)
            pltpu.sync_copy(srcf.at[pl.ds(off_s, CHUNK)], idx_v)
            pltpu.sync_copy(dstf.at[pl.ds(off_d, CHUNK)], dst_v)
            pltpu.async_copy(tab.at[idx_v], rows_v, sem).wait()
            pltpu.sync_copy(rows_v, acc_sh.at[dst_v], add=True)
            return carry

        lax.fori_loop(0, NCHUNK, chunk, 0)
        plsc.subcore_barrier()
        flush(sumo)
        plsc.subcore_barrier()

    zero_acc()
    plsc.subcore_barrier()
    base_d = c * EP + s * EPT

    def cchunk(j, carry):
        off_d = pl.multiple_of(base_d + j * CHUNK, CHUNK)
        pltpu.sync_copy(dcat.at[pl.ds(off_d, CHUNK)], dst_v)
        pltpu.sync_copy(ones_v, acc_sh.at[dst_v], add=True)
        return carry

    lax.fori_loop(0, NCHUNK, cchunk, 0)
    plsc.subcore_barrier()
    flush(cnt)


def _make_seg():
    mesh = plsc.VectorSubcoreMesh(core_axis_name="c", subcore_axis_name="s",
                                  num_cores=NCORE, num_subcores=NSUB)
    return pl.kernel(
        _seg_body,
        out_type=[
            jax.ShapeDtypeStruct((NCORE * ACC, HALF), _f32),
            jax.ShapeDtypeStruct((NCORE * ACC, HALF), _f32),
            jax.ShapeDtypeStruct((NCORE * ACC, HALF), _f32),
        ],
        mesh=mesh,
        scratch_types=[
            pltpu.VMEM((CHUNK,), jnp.int32),
            pltpu.VMEM((CHUNK,), jnp.int32),
            pltpu.VMEM((CHUNK, HALF), _f32),
            pltpu.VMEM((CHUNK, HALF), _f32),
            pltpu.VMEM((CHUNK, HALF), _f32),
            pltpu.VMEM_SHARED((ACC, HALF), _f32),
            pltpu.SemaphoreType.DMA,
        ],
    )



def _full(shape):
    return pl.BlockSpec(shape, lambda i: (0, 0))


def _rows(width, off=0):
    return pl.BlockSpec((RB, width), lambda i: (i + off, 0))


def _mm0_body(x_ref, w_ref, b_ref, o_ref):
    o_ref[...] = jnp.dot(x_ref[...], w_ref[...],
                         preferred_element_type=_f32) + b_ref[...]


def _mean(lo_ref, hi_ref, cnt_ref):
    r = 1.0 / jnp.maximum(cnt_ref[...][:, 0:1], 1.0)
    return lo_ref[...] * r, hi_ref[...] * r


def _halfmat(lo, hi, w_ref):
    w = w_ref[...]
    return (jnp.dot(lo, w[:HALF], preferred_element_type=_f32)
            + jnp.dot(hi, w[HALF:], preferred_element_type=_f32))


def _mid_body(suc_lo, suc_hi, cuc, she_lo, she_hi, che,
              wluc, bluc, wlhe, blhe, gc_out, ge_out):
    lo, hi = _mean(suc_lo, suc_hi, cuc)
    gc_out[...] = jax.nn.relu(_halfmat(lo, hi, wluc) + bluc[...])
    lo, hi = _mean(she_lo, she_hi, che)
    ge_out[...] = jax.nn.relu(_halfmat(lo, hi, wlhe) + blhe[...])


def _gru(x, wr, wz, wn, br, bz, bni, bnh):
    r = jax.nn.sigmoid(jnp.dot(x, wr[...], preferred_element_type=_f32) + br[...])
    z = jax.nn.sigmoid(jnp.dot(x, wz[...], preferred_element_type=_f32) + bz[...])
    n = jnp.tanh(jnp.dot(x, wn[...], preferred_element_type=_f32)
                 + bni[...] + r * bnh[...])
    return (1.0 - z) * n


N_DW = 42


def _chain(xt, corr, w, o_ref):
    (wg1, bg1, wg2, bg2, bngg, bngb,
     g0wr, g0wz, g0wn, g0br, g0bz, g0bni, g0bnh,
     g1wr, g1wz, g1wn, g1br, g1bz, g1bni, g1bnh,
     fcgw, fcgb, wl1, bl1, bnlg, bnlb,
     l0wr, l0wz, l0wn, l0br, l0bz, l0bni, l0bnh,
     fclw, fclb,
     fc1a, fc1b, fc1bias, bncg, bncb, fc2w, fc2b) = w

    gt1 = jax.nn.relu(jnp.dot(xt, wg1[...], preferred_element_type=_f32) + bg1[...])
    gt2 = jnp.dot(gt1, wg2[...], preferred_element_type=_f32) + bg2[...]
    if corr is not None:
        gt2 = gt2 + corr
    t = jax.nn.relu(gt2) * bngg[...] + bngb[...]
    h1 = _gru(t, g0wr, g0wz, g0wn, g0br, g0bz, g0bni, g0bnh)
    h2 = _gru(h1, g1wr, g1wz, g1wn, g1br, g1bz, g1bni, g1bnh)
    gf = jax.nn.relu(jnp.dot(h2, fcgw[...], preferred_element_type=_f32) + fcgb[...])
    ltv = jax.nn.relu(jnp.dot(xt, wl1[...], preferred_element_type=_f32) + bl1[...])
    ltv = ltv * bnlg[...] + bnlb[...]
    hl = _gru(ltv, l0wr, l0wz, l0wn, l0br, l0bz, l0bni, l0bnh)
    lf = jax.nn.relu(jnp.dot(hl, fclw[...], preferred_element_type=_f32) + fclb[...])
    cc = (jnp.dot(gf, fc1a[...], preferred_element_type=_f32)
          + jnp.dot(lf, fc1b[...], preferred_element_type=_f32) + fc1bias[...])
    cc = jax.nn.relu(cc * bncg[...] + bncb[...])
    o_ref[...] = jnp.dot(cc, fc2w[...], preferred_element_type=_f32) + fc2b[...]


def _head_body(xt_ref, sub_lo, sub_hi, cub, sbt_lo, sbt_hi, cbt,
               wlub, wlbt, *rest):
    w, o_ref = rest[:N_DW], rest[N_DW]
    lo, hi = _mean(sub_lo, sub_hi, cub)
    corr = _halfmat(lo, hi, wlub)
    lo, hi = _mean(sbt_lo, sbt_hi, cbt)
    corr = corr + _halfmat(lo, hi, wlbt)
    _chain(xt_ref[...], corr, w, o_ref)


def _tail_body(x_ref, w0_ref, b0_ref, *rest):
    w, o_ref = rest[:N_DW], rest[N_DW]
    xt = jnp.dot(x_ref[...], w0_ref[...], preferred_element_type=_f32) + b0_ref[...]
    _chain(xt, None, w, o_ref)



def _row2(v):
    return v.reshape(1, -1)


def _gru_w(p):
    wih = p['W_ih']
    return (wih[:GH].T, wih[GH:2 * GH].T, wih[2 * GH:].T,
            _row2(p['b_ih'][:GH] + p['b_hh'][:GH]),
            _row2(p['b_ih'][GH:2 * GH] + p['b_hh'][GH:2 * GH]),
            _row2(p['b_ih'][2 * GH:]), _row2(p['b_hh'][2 * GH:]))


def _prep_edges(ei):
    src = jnp.concatenate([ei[0], jnp.zeros((PAD,), jnp.int32)])
    src2 = jnp.concatenate([src, src + N_C])
    dst = jnp.concatenate([ei[1], jnp.full((PAD,), TRASH, jnp.int32)])
    return src2, dst, dst


def _stack_halves(a):
    return jnp.concatenate([a[:, :HALF], a[:, HALF:]], axis=0)


def kernel(x_transaction, edge_index_uses_card, edge_index_used_by,
           edge_index_has_email, edge_index_belongs_to, params):
    p = params
    bnscale = 1.0 / jnp.sqrt(jnp.float32(1.0 + EPS))

    w0 = p['lin_W']
    b0 = _row2(p['lin_b'])
    wg1 = p['g1']['ub']['Wr'] + p['g1']['bt']['Wr']
    bg1 = _row2(p['g1']['ub']['bl'] + p['g1']['bt']['bl'])
    wg2 = p['g2']['ub']['Wr'] + p['g2']['bt']['Wr']
    bg2 = _row2(p['g2']['ub']['bl'] + p['g2']['bt']['bl'])
    wl1 = p['l1']['ub']['Wr'] + p['l1']['bt']['Wr']
    bl1 = _row2(p['l1']['ub']['bl'] + p['l1']['bt']['bl'])
    wluc, bluc = p['g1']['uc']['Wl'], _row2(p['g1']['uc']['bl'])
    wlhe, blhe = p['g1']['he']['Wl'], _row2(p['g1']['he']['bl'])
    wlub, wlbt = p['g2']['ub']['Wl'], p['g2']['bt']['Wl']
    fc1 = p['fc1_W']
    dense_w = ((wg1, bg1, wg2, bg2,
                _row2(p['bn_g_g'] * bnscale), _row2(p['bn_g_b']))
               + _gru_w(p['gru_g0']) + _gru_w(p['gru_g1'])
               + (p['fc_g_W'], _row2(p['fc_g_b']), wl1, bl1,
                  _row2(p['bn_l_g'] * bnscale), _row2(p['bn_l_b']))
               + _gru_w(p['gru_l0'])
               + (p['fc_l_W'], _row2(p['fc_l_b']),
                  fc1[:HALF], fc1[HALF:], _row2(p['fc1_b']),
                  _row2(p['bn_c_g'] * bnscale), _row2(p['bn_c_b']),
                  p['fc2_W'], _row2(p['fc2_b'])))
    dense_specs = tuple(_full(v.shape) for v in dense_w)

    xt_head = pl.pallas_call(
        _mm0_body,
        grid=(N_C // RB,),
        in_specs=[_rows(F_IN), _full((F_IN, H)), _full((1, H))],
        out_specs=_rows(H),
        out_shape=jax.ShapeDtypeStruct((N_C, H), _f32),
    )(x_transaction[:N_C], w0, b0)
    a_st = _stack_halves(xt_head)

    seg = _make_seg()
    suc, duc, duc1 = _prep_edges(edge_index_uses_card)
    she, dhe, dhe1 = _prep_edges(edge_index_has_email)
    sub, dub, dub1 = _prep_edges(edge_index_used_by)
    sbt, dbt, dbt1 = _prep_edges(edge_index_belongs_to)
    sum_uc, sum_he, cnt1 = seg(a_st, a_st, suc, duc, she, dhe,
                               jnp.concatenate([duc1, dhe1], axis=0))

    gc1, ge1 = pl.pallas_call(
        _mid_body,
        grid=(N_C // RB,),
        in_specs=[_rows(HALF), _rows(HALF), _rows(HALF),
                  _rows(HALF), _rows(HALF), _rows(HALF),
                  _full((H, H)), _full((1, H)), _full((H, H)), _full((1, H))],
        out_specs=[_rows(H), _rows(H)],
        out_shape=[jax.ShapeDtypeStruct((N_C, H), _f32),
                   jax.ShapeDtypeStruct((N_E, H), _f32)],
    )(sum_uc[:N_C], sum_uc[ACC:ACC + N_C], cnt1[:N_C],
      sum_he[:N_C], sum_he[ACC:ACC + N_C], cnt1[ACC:ACC + N_C],
      wluc, bluc, wlhe, blhe)

    sum_ub, sum_bt, cnt2 = seg(_stack_halves(gc1), _stack_halves(ge1),
                               sub, dub, sbt, dbt,
                               jnp.concatenate([dub1, dbt1], axis=0))

    out_head = pl.pallas_call(
        _head_body,
        grid=(N_C // RB,),
        in_specs=[_rows(H),
                  _rows(HALF), _rows(HALF), _rows(HALF),
                  _rows(HALF), _rows(HALF), _rows(HALF),
                  _full((H, H)), _full((H, H))] + list(dense_specs),
        out_specs=_rows(OUT),
        out_shape=jax.ShapeDtypeStruct((N_C, OUT), _f32),
    )(xt_head, sum_ub[:N_C], sum_ub[ACC:ACC + N_C], cnt2[:N_C],
      sum_bt[:N_C], sum_bt[ACC:ACC + N_C], cnt2[ACC:ACC + N_C],
      wlub, wlbt, *dense_w)

    n_tail = N_T - N_C
    out_tail = pl.pallas_call(
        _tail_body,
        grid=(n_tail // RB,),
        in_specs=[_rows(F_IN, off=N_C // RB), _full((F_IN, H)), _full((1, H))]
                 + list(dense_specs),
        out_specs=_rows(OUT),
        out_shape=jax.ShapeDtypeStruct((n_tail, OUT), _f32),
    )(x_transaction, w0, b0, *dense_w)

    return jnp.concatenate([out_head, out_tail], axis=0)

# --- scband reference (transcript-rebuilt; emitter-appended) ---
"""Pipeline reference for scband-ergcn-25211458027580 (READ-ONLY COPY).

The authoritative reference and input builder live on the scoring server;
editing this copy changes nothing except your own understanding.
"""

import jax, jax.numpy as jnp
import numpy as np

N_T, N_C, N_E = 50000, 10000, 10000
F_IN, H, GH, OUT = 128, 256, 64, 2
NE = 200000
EPS = 1e-5

def _p(key, shape, scale=0.02):
    return jax.random.normal(key, shape, dtype=jnp.float32) * scale

def _sage_params(key):
    k1, k2 = jax.random.split(key)
    return {'Wl': _p(k1, (H, H)), 'bl': jnp.zeros((H,), jnp.float32), 'Wr': _p(k2, (H, H))}

def _hetero_params(key):
    ks = jax.random.split(key, 4)
    return {r: _sage_params(k) for r, k in zip(('uc', 'ub', 'he', 'bt'), ks)}

def _gru_params(key, in_dim, hid):
    k1, k2 = jax.random.split(key)
    return {'W_ih': _p(k1, (3 * hid, in_dim)), 'W_hh': _p(k2, (3 * hid, hid)), 'b_ih': jnp.zeros((3 * hid,), jnp.float32), 'b_hh': jnp.zeros((3 * hid,), jnp.float32)}

def make_params(key):
    ks = jax.random.split(key, 16)
    p = {}
    p['lin_W'] = _p(ks[0], (F_IN, H)); p['lin_b'] = jnp.zeros((H,), jnp.float32)
    p['g1'] = _hetero_params(ks[1]); p['g2'] = _hetero_params(ks[2]); p['l1'] = _hetero_params(ks[3])
    p['gru_g0'] = _gru_params(ks[4], H, GH); p['gru_g1'] = _gru_params(ks[5], GH, GH); p['gru_l0'] = _gru_params(ks[6], H, GH)
    p['fc_g_W'] = _p(ks[7], (GH, H // 2)); p['fc_g_b'] = jnp.zeros((H // 2,), jnp.float32)
    p['fc_l_W'] = _p(ks[8], (GH, H // 2)); p['fc_l_b'] = jnp.zeros((H // 2,), jnp.float32)
    p['fc1_W'] = _p(ks[9], (H, H // 2)); p['fc1_b'] = jnp.zeros((H // 2,), jnp.float32)
    p['fc2_W'] = _p(ks[10], (H // 2, OUT)); p['fc2_b'] = jnp.zeros((OUT,), jnp.float32)
    p['bn_g_g'] = jnp.ones((H,), jnp.float32); p['bn_g_b'] = jnp.zeros((H,), jnp.float32)
    p['bn_l_g'] = jnp.ones((H,), jnp.float32); p['bn_l_b'] = jnp.zeros((H,), jnp.float32)
    p['bn_c_g'] = jnp.ones((H // 2,), jnp.float32); p['bn_c_b'] = jnp.zeros((H // 2,), jnp.float32)
    return p

def setup_inputs(seed: int = 0):
    key = jax.random.key(seed)
    ks = jax.random.split(key, 6)
    inp = {}
    inp['x_transaction'] = jax.random.normal(ks[0], (N_T, F_IN), dtype=jnp.float32)
    inp['edge_index_uses_card'] = jax.random.randint(ks[1], (2, NE), 0, 10000, dtype=jnp.int32)
    inp['edge_index_used_by'] = jax.random.randint(ks[2], (2, NE), 0, 10000, dtype=jnp.int32)
    inp['edge_index_has_email'] = jax.random.randint(ks[3], (2, NE), 0, 10000, dtype=jnp.int32)
    inp['edge_index_belongs_to'] = jax.random.randint(ks[4], (2, NE), 0, 10000, dtype=jnp.int32)
    inp['params'] = make_params(ks[5])
    return inp

def _sage(x_src, x_dst, ei, p, num_dst):
    src, dst = ei[0], ei[1]
    msgs = jnp.take(x_src, src, axis=0)
    s = jax.ops.segment_sum(msgs, dst, num_segments=num_dst)
    cnt = jax.ops.segment_sum(jnp.ones((ei.shape[1],), jnp.float32), dst, num_segments=num_dst)
    mean = s / jnp.maximum(cnt, 1.0)[:, None]
    return mean @ p['Wl'] + p['bl'] + x_dst @ p['Wr']

def _hetero(xt, xc, xe, ei, p):
    out_t = _sage(xc, xt, ei['ub'], p['ub'], N_T) + _sage(xe, xt, ei['bt'], p['bt'], N_T)
    out_c = _sage(xt, xc, ei['uc'], p['uc'], N_C)
    out_e = _sage(xt, xe, ei['he'], p['he'], N_E)
    return out_t, out_c, out_e

def _gru_cell(x, h, p):
    gi = x @ p['W_ih'].T + p['b_ih']
    gh = h @ p['W_hh'].T + p['b_hh']
    i_r, i_z, i_n = jnp.split(gi, 3, axis=1)
    h_r, h_z, h_n = jnp.split(gh, 3, axis=1)
    r = jax.nn.sigmoid(i_r + h_r)
    z = jax.nn.sigmoid(i_z + h_z)
    n = jnp.tanh(i_n + r * h_n)
    return (1.0 - z) * n + z * h

def _bn(x, g, b):
    return x / jnp.sqrt(1.0 + EPS) * g + b

def _forward(x_transaction, params, ei):
    xt = x_transaction @ params['lin_W'] + params['lin_b']
    xc = jnp.zeros((N_C, H), jnp.float32)
    xe = jnp.zeros((N_E, H), jnp.float32)
    gt, gc, ge = _hetero(xt, xc, xe, ei, params['g1'])
    gt, gc, ge = jax.nn.relu(gt), jax.nn.relu(gc), jax.nn.relu(ge)
    gt, gc, ge = _hetero(gt, gc, ge, ei, params['g2'])
    gt = jax.nn.relu(gt)
    gt = _bn(gt, params['bn_g_g'], params['bn_g_b'])
    h0 = jnp.zeros((gt.shape[0], GH), jnp.float32)
    h1 = _gru_cell(gt, h0, params['gru_g0'])
    h2 = _gru_cell(h1, h0, params['gru_g1'])
    gf = jax.nn.relu(h2 @ params['fc_g_W'] + params['fc_g_b'])
    lt, lc, le = _hetero(xt, xc, xe, ei, params['l1'])
    lt = jax.nn.relu(lt)
    lt = _bn(lt, params['bn_l_g'], params['bn_l_b'])
    hl = _gru_cell(lt, h0, params['gru_l0'])
    lf = jax.nn.relu(hl @ params['fc_l_W'] + params['fc_l_b'])
    comb = jnp.concatenate([gf, lf], axis=1)
    c = comb @ params['fc1_W'] + params['fc1_b']
    c = _bn(c, params['bn_c_g'], params['bn_c_b'])
    c = jax.nn.relu(c)
    out = c @ params['fc2_W'] + params['fc2_b']
    if out.shape[-1] == 1:
        out = jnp.squeeze(out, axis=-1)
    return out

def reference(x_transaction, edge_index_uses_card, edge_index_used_by, edge_index_has_email, edge_index_belongs_to, params):
    ei = {'uc': edge_index_uses_card, 'ub': edge_index_used_by, 'he': edge_index_has_email, 'bt': edge_index_belongs_to}
    return _forward(x_transaction, params, ei)

if __name__ == "__main__":
    import jax
    _d = setup_inputs()
    print(jax.jit(kernel)(*tuple(_d.values())))

</pallas_src>

<mosaic_0001>
#map = affine_map<(d0, d1) -> (0, 0)>
#map1 = affine_map<(d0, d1) -> (0)>
module attributes {stable_mosaic.version = 14 : i64} {
  func.func @_seg_body(%arg0: i32, %arg1: i32, %arg2: memref<20000x128xf32, #tpu.memory_space<hbm>>, %arg3: memref<20000x128xf32, #tpu.memory_space<hbm>>, %arg4: memref<401408xi32, #tpu.memory_space<hbm>>, %arg5: memref<200704xi32, #tpu.memory_space<hbm>>, %arg6: memref<401408xi32, #tpu.memory_space<hbm>>, %arg7: memref<200704xi32, #tpu.memory_space<hbm>>, %arg8: memref<401408xi32, #tpu.memory_space<hbm>>, %arg9: memref<20224x128xf32, #tpu.memory_space<hbm>>, %arg10: memref<20224x128xf32, #tpu.memory_space<hbm>>, %arg11: memref<20224x128xf32, #tpu.memory_space<hbm>>, %arg12: memref<128xi32, #tpu.memory_space<vmem>>, %arg13: memref<128xi32, #tpu.memory_space<vmem>>, %arg14: memref<128x128xf32, #tpu.memory_space<vmem>>, %arg15: memref<128x128xf32, #tpu.memory_space<vmem>>, %arg16: memref<128x128xf32, #tpu.memory_space<vmem>>, %arg17: memref<10112x128xf32, #tpu.memory_space<vmem_shared>>, %arg18: memref<!tpu.dma_semaphore, #tpu.memory_space<semaphore_mem>>) attributes {dimension_semantics = [#tpu.dimension_semantics<core_parallel>, #tpu.dimension_semantics<subcore_parallel>], iteration_bounds = array<i64: 2, 16>, scalar_prefetch = 0 : i64, scratch_operands = 7 : i64, tpu.core_type = #tpu.core_type<sc_vector_subcore>, window_params = [{transform_indices = #map}, {transform_indices = #map}, {transform_indices = #map1}, {transform_indices = #map1}, {transform_indices = #map1}, {transform_indices = #map1}, {transform_indices = #map1}, {transform_indices = #map}, {transform_indices = #map}, {transform_indices = #map}]} {
    %scan3A = arith.constant 0 : i32
    %scan3A_0 = arith.constant 0 : i32
    %scan3A_1 = arith.constant 128 : i32
    %scan3A_2 = arith.addi %scan3A_0, %scan3A_1 : i32
    %scan3A_3 = arith.constant 1 : i32
    scf.for %scan3A_112 = %scan3A_0 to %scan3A_2 step %scan3A_3  : i32 {
      %broadcast_in_dim3A = arith.constant 0.000000e+00 : f32
      %broadcast_in_dim3A_113 = vector.broadcast %broadcast_in_dim3A : f32 to vector<16xf32>
      %swap3A = arith.index_cast %scan3A_112 : i32 to index
      %swap3A_114 = arith.constant 0 : index
      %swap3A_115 = tpu.vector_load %arg15[%swap3A, %swap3A_114] {strides = array<i32>} : memref<128x128xf32, #tpu.memory_space<vmem>>, vector<1x16xf32>,
      %swap3A_116 = vector.shape_cast %swap3A_115 : vector<1x16xf32> to vector<16xf32>
      %swap3A_117 = vector.shape_cast %broadcast_in_dim3A_113 : vector<16xf32> to vector<1x16xf32>
      tpu.vector_store %arg15[%swap3A, %swap3A_114], %swap3A_117 {strides = array<i32>} : memref<128x128xf32, #tpu.memory_space<vmem>>, vector<1x16xf32>,
      %broadcast_in_dim3A_118 = arith.constant 0.000000e+00 : f32
      %broadcast_in_dim3A_119 = vector.broadcast %broadcast_in_dim3A_118 : f32 to vector<16xf32>
      %swap3A_120 = arith.index_cast %scan3A_112 : i32 to index
      %swap3A_121 = arith.constant 16 : index
      %swap3A_122 = tpu.vector_load %arg15[%swap3A_120, %swap3A_121] {strides = array<i32>} : memref<128x128xf32, #tpu.memory_space<vmem>>, vector<1x16xf32>,
      %swap3A_123 = vector.shape_cast %swap3A_122 : vector<1x16xf32> to vector<16xf32>
      %swap3A_124 = vector.shape_cast %broadcast_in_dim3A_119 : vector<16xf32> to vector<1x16xf32>
      tpu.vector_store %arg15[%swap3A_120, %swap3A_121], %swap3A_124 {strides = array<i32>} : memref<128x128xf32, #tpu.memory_space<vmem>>, vector<1x16xf32>,
      %broadcast_in_dim3A_125 = arith.constant 0.000000e+00 : f32
      %broadcast_in_dim3A_126 = vector.broadcast %broadcast_in_dim3A_125 : f32 to vector<16xf32>
      %swap3A_127 = arith.index_cast %scan3A_112 : i32 to index
      %swap3A_128 = arith.constant 32 : index
      %swap3A_129 = tpu.vector_load %arg15[%swap3A_127, %swap3A_128] {strides = array<i32>} : memref<128x128xf32, #tpu.memory_space<vmem>>, vector<1x16xf32>,
      %swap3A_130 = vector.shape_cast %swap3A_129 : vector<1x16xf32> to vector<16xf32>
      %swap3A_131 = vector.shape_cast %broadcast_in_dim3A_126 : vector<16xf32> to vector<1x16xf32>
      tpu.vector_store %arg15[%swap3A_127, %swap3A_128], %swap3A_131 {strides = array<i32>} : memref<128x128xf32, #tpu.memory_space<vmem>>, vector<1x16xf32>,
      %broadcast_in_dim3A_132 = arith.constant 0.000000e+00 : f32
      %broadcast_in_dim3A_133 = vector.broadcast %broadcast_in_dim3A_132 : f32 to vector<16xf32>
      %swap3A_134 = arith.index_cast %scan3A_112 : i32 to index
      %swap3A_135 = arith.constant 48 : index
      %swap3A_136 = tpu.vector_load %arg15[%swap3A_134, %swap3A_135] {strides = array<i32>} : memref<128x128xf32, #tpu.memory_space<vmem>>, vector<1x16xf32>,
      %swap3A_137 = vector.shape_cast %swap3A_136 : vector<1x16xf32> to vector<16xf32>
      %swap3A_138 = vector.shape_cast %broadcast_in_dim3A_133 : vector<16xf32> to vector<1x16xf32>
      tpu.vector_store %arg15[%swap3A_134, %swap3A_135], %swap3A_138 {strides = array<i32>} : memref<128x128xf32, #tpu.memory_space<vmem>>, vector<1x16xf32>,
      %broadcast_in_dim3A_139 = arith.constant 0.000000e+00 : f32
      %broadcast_in_dim3A_140 = vector.broadcast %broadcast_in_dim3A_139 : f32 to vector<16xf32>
      %swap3A_141 = arith.index_cast %scan3A_112 : i32 to index
      %swap3A_142 = arith.constant 64 : index
      %swap3A_143 = tpu.vector_load %arg15[%swap3A_141, %swap3A_142] {strides = array<i32>} : memref<128x128xf32, #tpu.memory_space<vmem>>, vector<1x16xf32>,
      %swap3A_144 = vector.shape_cast %swap3A_143 : vector<1x16xf32> to vector<16xf32>
      %swap3A_145 = vector.shape_cast %broadcast_in_dim3A_140 : vector<16xf32> to vector<1x16xf32>
      tpu.vector_store %arg15[%swap3A_141, %swap3A_142], %swap3A_145 {strides = array<i32>} : memref<128x128xf32, #tpu.memory_space<vmem>>, vector<1x16xf32>,
      %broadcast_in_dim3A_146 = arith.constant 0.000000e+00 : f32
      %broadcast_in_dim3A_147 = vector.broadcast %broadcast_in_dim3A_146 : f32 to vector<16xf32>
      %swap3A_148 = arith.index_cast %scan3A_112 : i32 to index
      %swap3A_149 = arith.constant 80 : index
      %swap3A_150 = tpu.vector_load %arg15[%swap3A_148, %swap3A_149] {strides = array<i32>} : memref<128x128xf32, #tpu.memory_space<vmem>>, vector<1x16xf32>,
      %swap3A_151 = vector.shape_cast %swap3A_150 : vector<1x16xf32> to vector<16xf32>
      %swap3A_152 = vector.shape_cast %broadcast_in_dim3A_147 : vector<16xf32> to vector<1x16xf32>
      tpu.vector_store %arg15[%swap3A_148, %swap3A_149], %swap3A_152 {strides = array<i32>} : memref<128x128xf32, #tpu.memory_space<vmem>>, vector<1x16xf32>,
      %broadcast_in_dim3A_153 = arith.constant 0.000000e+00 : f32
      %broadcast_in_dim3A_154 = vector.broadcast %broadcast_in_dim3A_153 : f32 to vector<16xf32>
      %swap3A_155 = arith.index_cast %scan3A_112 : i32 to index
      %swap3A_156 = arith.constant 96 : index
      %swap3A_157 = tpu.vector_load %arg15[%swap3A_155, %swap3A_156] {strides = array<i32>} : memref<128x128xf32, #tpu.memory_space<vmem>>, vector<1x16xf32>,
      %swap3A_158 = vector.shape_cast %swap3A_157 : vector<1x16xf32> to vector<16xf32>
      %swap3A_159 = vector.shape_cast %broadcast_in_dim3A_154 : vector<16xf32> to vector<1x16xf32>
      tpu.vector_store %arg15[%swap3A_155, %swap3A_156], %swap3A_159 {strides = array<i32>} : memref<128x128xf32, #tpu.memory_space<vmem>>, vector<1x16xf32>,
      %broadcast_in_dim3A_160 = arith.constant 0.000000e+00 : f32
      %broadcast_in_dim3A_161 = vector.broadcast %broadcast_in_dim3A_160 : f32 to vector<16xf32>
      %swap3A_162 = arith.index_cast %scan3A_112 : i32 to index
      %swap3A_163 = arith.constant 112 : index
      %swap3A_164 = tpu.vector_load %arg15[%swap3A_162, %swap3A_163] {strides = array<i32>} : memref<128x128xf32, #tpu.memory_space<vmem>>, vector<1x16xf32>,
      %swap3A_165 = vector.shape_cast %swap3A_164 : vector<1x16xf32> to vector<16xf32>
      %swap3A_166 = vector.shape_cast %broadcast_in_dim3A_161 : vector<16xf32> to vector<1x16xf32>
      tpu.vector_store %arg15[%swap3A_162, %swap3A_163], %swap3A_166 {strides = array<i32>} : memref<128x128xf32, #tpu.memory_space<vmem>>, vector<1x16xf32>,
    }
    %scan3A_4 = arith.constant 128 : i32
    %scan3A_5 = arith.constant 0 : i32
    %scan3A_6 = arith.constant 0 : i32
    %scan3A_7 = arith.constant 128 : i32
    %scan3A_8 = arith.addi %scan3A_6, %scan3A_7 : i32
    %scan3A_9 = arith.constant 1 : i32
    scf.for %scan3A_112 = %scan3A_6 to %scan3A_8 step %scan3A_9  : i32 {
      %broadcast_in_dim3A = arith.constant 1.000000e+00 : f32
      %broadcast_in_dim3A_113 = vector.broadcast %broadcast_in_dim3A : f32 to vector<16xf32>
      %swap3A = arith.index_cast %scan3A_112 : i32 to index
      %swap3A_114 = arith.constant 0 : index
      %swap3A_115 = tpu.vector_load %arg16[%swap3A, %swap3A_114] {strides = array<i32>} : memref<128x128xf32, #tpu.memory_space<vmem>>, vector<1x16xf32>,
      %swap3A_116 = vector.shape_cast %swap3A_115 : vector<1x16xf32> to vector<16xf32>
      %swap3A_117 = vector.shape_cast %broadcast_in_dim3A_113 : vector<16xf32> to vector<1x16xf32>
      tpu.vector_store %arg16[%swap3A, %swap3A_114], %swap3A_117 {strides = array<i32>} : memref<128x128xf32, #tpu.memory_space<vmem>>, vector<1x16xf32>,
      %broadcast_in_dim3A_118 = arith.constant 1.000000e+00 : f32
      %broadcast_in_dim3A_119 = vector.broadcast %broadcast_in_dim3A_118 : f32 to vector<16xf32>
      %swap3A_120 = arith.index_cast %scan3A_112 : i32 to index
      %swap3A_121 = arith.constant 16 : index
      %swap3A_122 = tpu.vector_load %arg16[%swap3A_120, %swap3A_121] {strides = array<i32>} : memref<128x128xf32, #tpu.memory_space<vmem>>, vector<1x16xf32>,
      %swap3A_123 = vector.shape_cast %swap3A_122 : vector<1x16xf32> to vector<16xf32>
      %swap3A_124 = vector.shape_cast %broadcast_in_dim3A_119 : vector<16xf32> to vector<1x16xf32>
      tpu.vector_store %arg16[%swap3A_120, %swap3A_121], %swap3A_124 {strides = array<i32>} : memref<128x128xf32, #tpu.memory_space<vmem>>, vector<1x16xf32>,
      %broadcast_in_dim3A_125 = arith.constant 1.000000e+00 : f32
      %broadcast_in_dim3A_126 = vector.broadcast %broadcast_in_dim3A_125 : f32 to vector<16xf32>
      %swap3A_127 = arith.index_cast %scan3A_112 : i32 to index
      %swap3A_128 = arith.constant 32 : index
      %swap3A_129 = tpu.vector_load %arg16[%swap3A_127, %swap3A_128] {strides = array<i32>} : memref<128x128xf32, #tpu.memory_space<vmem>>, vector<1x16xf32>,
      %swap3A_130 = vector.shape_cast %swap3A_129 : vector<1x16xf32> to vector<16xf32>
      %swap3A_131 = vector.shape_cast %broadcast_in_dim3A_126 : vector<16xf32> to vector<1x16xf32>
      tpu.vector_store %arg16[%swap3A_127, %swap3A_128], %swap3A_131 {strides = array<i32>} : memref<128x128xf32, #tpu.memory_space<vmem>>, vector<1x16xf32>,
      %broadcast_in_dim3A_132 = arith.constant 1.000000e+00 : f32
      %broadcast_in_dim3A_133 = vector.broadcast %broadcast_in_dim3A_132 : f32 to vector<16xf32>
      %swap3A_134 = arith.index_cast %scan3A_112 : i32 to index
      %swap3A_135 = arith.constant 48 : index
      %swap3A_136 = tpu.vector_load %arg16[%swap3A_134, %swap3A_135] {strides = array<i32>} : memref<128x128xf32, #tpu.memory_space<vmem>>, vector<1x16xf32>,
      %swap3A_137 = vector.shape_cast %swap3A_136 : vector<1x16xf32> to vector<16xf32>
      %swap3A_138 = vector.shape_cast %broadcast_in_dim3A_133 : vector<16xf32> to vector<1x16xf32>
      tpu.vector_store %arg16[%swap3A_134, %swap3A_135], %swap3A_138 {strides = array<i32>} : memref<128x128xf32, #tpu.memory_space<vmem>>, vector<1x16xf32>,
      %broadcast_in_dim3A_139 = arith.constant 1.000000e+00 : f32
      %broadcast_in_dim3A_140 = vector.broadcast %broadcast_in_dim3A_139 : f32 to vector<16xf32>
      %swap3A_141 = arith.index_cast %scan3A_112 : i32 to index
      %swap3A_142 = arith.constant 64 : index
      %swap3A_143 = tpu.vector_load %arg16[%swap3A_141, %swap3A_142] {strides = array<i32>} : memref<128x128xf32, #tpu.memory_space<vmem>>, vector<1x16xf32>,
      %swap3A_144 = vector.shape_cast %swap3A_143 : vector<1x16xf32> to vector<16xf32>
      %swap3A_145 = vector.shape_cast %broadcast_in_dim3A_140 : vector<16xf32> to vector<1x16xf32>
      tpu.vector_store %arg16[%swap3A_141, %swap3A_142], %swap3A_145 {strides = array<i32>} : memref<128x128xf32, #tpu.memory_space<vmem>>, vector<1x16xf32>,
      %broadcast_in_dim3A_146 = arith.constant 1.000000e+00 : f32
      %broadcast_in_dim3A_147 = vector.broadcast %broadcast_in_dim3A_146 : f32 to vector<16xf32>
      %swap3A_148 = arith.index_cast %scan3A_112 : i32 to index
      %swap3A_149 = arith.constant 80 : index
      %swap3A_150 = tpu.vector_load %arg16[%swap3A_148, %swap3A_149] {strides = array<i32>} : memref<128x128xf32, #tpu.memory_space<vmem>>, vector<1x16xf32>,
      %swap3A_151 = vector.shape_cast %swap3A_150 : vector<1x16xf32> to vector<16xf32>
      %swap3A_152 = vector.shape_cast %broadcast_in_dim3A_147 : vector<16xf32> to vector<1x16xf32>
      tpu.vector_store %arg16[%swap3A_148, %swap3A_149], %swap3A_152 {strides = array<i32>} : memref<128x128xf32, #tpu.memory_space<vmem>>, vector<1x16xf32>,
      %broadcast_in_dim3A_153 = arith.constant 1.000000e+00 : f32
      %broadcast_in_dim3A_154 = vector.broadcast %broadcast_in_dim3A_153 : f32 to vector<16xf32>
      %swap3A_155 = arith.index_cast %scan3A_112 : i32 to index
      %swap3A_156 = arith.constant 96 : index
      %swap3A_157 = tpu.vector_load %arg16[%swap3A_155, %swap3A_156] {strides = array<i32>} : memref<128x128xf32, #tpu.memory_space<vmem>>, vector<1x16xf32>,
      %swap3A_158 = vector.shape_cast %swap3A_157 : vector<1x16xf32> to vector<16xf32>
      %swap3A_159 = vector.shape_cast %broadcast_in_dim3A_154 : vector<16xf32> to vector<1x16xf32>
      tpu.vector_store %arg16[%swap3A_155, %swap3A_156], %swap3A_159 {strides = array<i32>} : memref<128x128xf32, #tpu.memory_space<vmem>>, vector<1x16xf32>,
      %broadcast_in_dim3A_160 = arith.constant 1.000000e+00 : f32
      %broadcast_in_dim3A_161 = vector.broadcast %broadcast_in_dim3A_160 : f32 to vector<16xf32>
      %swap3A_162 = arith.index_cast %scan3A_112 : i32 to index
      %swap3A_163 = arith.constant 112 : index
      %swap3A_164 = tpu.vector_load %arg16[%swap3A_162, %swap3A_163] {strides = array<i32>} : memref<128x128xf32, #tpu.memory_space<vmem>>, vector<1x16xf32>,
      %swap3A_165 = vector.shape_cast %swap3A_164 : vector<1x16xf32> to vector<16xf32>
      %swap3A_166 = vector.shape_cast %broadcast_in_dim3A_161 : vector<16xf32> to vector<1x16xf32>
      tpu.vector_store %arg16[%swap3A_162, %swap3A_163], %swap3A_166 {strides = array<i32>} : memref<128x128xf32, #tpu.memory_space<vmem>>, vector<1x16xf32>,
    }
    %scan3A_10 = arith.constant 128 : i32
    %scan3A_11 = arith.constant 0 : i32
    %scan3A_12 = arith.constant 0 : i32
    %scan3A_13 = arith.constant 4 : i32
    %scan3A_14 = arith.addi %scan3A_12, %scan3A_13 : i32
    %scan3A_15 = arith.constant 1 : i32
    scf.for %scan3A_112 = %scan3A_12 to %scan3A_14 step %scan3A_15  : i32 {
      %mul3A_113 = arith.constant 632 : i32
      %mul3A_114 = arith.muli %arg1, %mul3A_113 : i32
      %mul3A_115 = arith.constant 128 : i32
      %mul3A_116 = arith.muli %scan3A_112, %mul3A_115 : i32
      %add3A_117 = arith.addi %mul3A_114, %mul3A_116 : i32
      %multiple_of3A_118 = tpu.assume_multiple %add3A_117, 8 : i32
      "tpu.region"() ({
        %run_scoped3A = tpu.sem_alloc : memref<!tpu.dma_semaphore, #tpu.memory_space<semaphore_mem>>
        %dma_start3A = arith.constant 0 : i32
        %dma_start3A_119 = tpu.memref_slice %arg17[%multiple_of3A_118, %dma_start3A] : memref<10112x128xf32, #tpu.memory_space<vmem_shared>> -> memref<128x128xf32, #tpu.memory_space<vmem_shared>>
        %dma_start3A_120 = arith.constant 0 : i32
        %dma_start3A_121 = tpu.memref_slice %arg17[%multiple_of3A_118, %dma_start3A_120] : memref<10112x128xf32, #tpu.memory_space<vmem_shared>> -> memref<128x128xf32, #tpu.memory_space<vmem_shared>>
        tpu.enqueue_dma source(%arg15 : memref<128x128xf32, #tpu.memory_space<vmem>>) target(%dma_start3A_121 : memref<128x128xf32, #tpu.memory_space<vmem_shared>>) target_semaphore(%run_scoped3A : memref<!tpu.dma_semaphore, #tpu.memory_space<semaphore_mem>>)
        %dma_wait3A = arith.constant 0 : i32
        %dma_wait3A_122 = tpu.memref_slice %arg17[%multiple_of3A_118, %dma_wait3A] : memref<10112x128xf32, #tpu.memory_space<vmem_shared>> -> memref<128x128xf32, #tpu.memory_space<vmem_shared>>
        %dma_wait3A_123 = arith.constant 0 : i32
        %dma_wait3A_124 = tpu.memref_slice %arg17[%multiple_of3A_118, %dma_wait3A_123] : memref<10112x128xf32, #tpu.memory_space<vmem_shared>> -> memref<128x128xf32, #tpu.memory_space<vmem_shared>>
        tpu.wait_dma2 semaphore(%run_scoped3A : memref<!tpu.dma_semaphore, #tpu.memory_space<semaphore_mem>>) src(%arg15 : memref<128x128xf32, #tpu.memory_space<vmem>>) dst(%dma_wait3A_124 : memref<128x128xf32, #tpu.memory_space<vmem_shared>>)
        tpu.yield
      }) : () -> ()
    }
    %scan3A_16 = arith.constant 4 : i32
    %mul3A = arith.constant 632 : i32
    %mul3A_17 = arith.muli %arg1, %mul3A : i32
    %add3A = arith.constant 512 : i32
    %add3A_18 = arith.addi %mul3A_17, %add3A : i32
    %multiple_of3A = tpu.assume_multiple %add3A_18, 8 : i32
    "tpu.region"() ({
      %run_scoped3A = tpu.sem_alloc : memref<!tpu.dma_semaphore, #tpu.memory_space<semaphore_mem>>
      %dma_start3A = arith.constant 0 : i32
      %dma_start3A_112 = arith.constant 0 : i32
      %dma_start3A_113 = tpu.memref_slice %arg15[%dma_start3A, %dma_start3A_112] : memref<128x128xf32, #tpu.memory_space<vmem>> -> memref<120x128xf32, #tpu.memory_space<vmem>>
      %dma_start3A_114 = arith.constant 0 : i32
      %dma_start3A_115 = tpu.memref_slice %arg17[%multiple_of3A, %dma_start3A_114] : memref<10112x128xf32, #tpu.memory_space<vmem_shared>> -> memref<120x128xf32, #tpu.memory_space<vmem_shared>>
      %dma_start3A_116 = arith.constant 0 : i32
      %dma_start3A_117 = tpu.memref_slice %arg17[%multiple_of3A, %dma_start3A_116] : memref<10112x128xf32, #tpu.memory_space<vmem_shared>> -> memref<120x128xf32, #tpu.memory_space<vmem_shared>>
      %dma_start3A_118 = arith.constant 0 : i32
      %dma_start3A_119 = arith.constant 0 : i32
      %dma_start3A_120 = tpu.memref_slice %arg15[%dma_start3A_118, %dma_start3A_119] : memref<128x128xf32, #tpu.memory_space<vmem>> -> memref<120x128xf32, #tpu.memory_space<vmem>>
      tpu.enqueue_dma source(%dma_start3A_120 : memref<120x128xf32, #tpu.memory_space<vmem>>) target(%dma_start3A_117 : memref<120x128xf32, #tpu.memory_space<vmem_shared>>) target_semaphore(%run_scoped3A : memref<!tpu.dma_semaphore, #tpu.memory_space<semaphore_mem>>)
      %dma_wait3A = arith.constant 0 : i32
      %dma_wait3A_121 = arith.constant 0 : i32
      %dma_wait3A_122 = tpu.memref_slice %arg15[%dma_wait3A, %dma_wait3A_121] : memref<128x128xf32, #tpu.memory_space<vmem>> -> memref<120x128xf32, #tpu.memory_space<vmem>>
      %dma_wait3A_123 = arith.constant 0 : i32
      %dma_wait3A_124 = tpu.memref_slice %arg17[%multiple_of3A, %dma_wait3A_123] : memref<10112x128xf32, #tpu.memory_space<vmem_shared>> -> memref<120x128xf32, #tpu.memory_space<vmem_shared>>
      %dma_wait3A_125 = arith.constant 0 : i32
      %dma_wait3A_126 = tpu.memref_slice %arg17[%multiple_of3A, %dma_wait3A_125] : memref<10112x128xf32, #tpu.memory_space<vmem_shared>> -> memref<120x128xf32, #tpu.memory_space<vmem_shared>>
      %dma_wait3A_127 = arith.constant 0 : i32
      %dma_wait3A_128 = arith.constant 0 : i32
      %dma_wait3A_129 = tpu.memref_slice %arg15[%dma_wait3A_127, %dma_wait3A_128] : memref<128x128xf32, #tpu.memory_space<vmem>> -> memref<120x128xf32, #tpu.memory_space<vmem>>
      tpu.wait_dma2 semaphore(%run_scoped3A : memref<!tpu.dma_semaphore, #tpu.memory_space<semaphore_mem>>) src(%dma_wait3A_129 : memref<120x128xf32, #tpu.memory_space<vmem>>) dst(%dma_wait3A_126 : memref<120x128xf32, #tpu.memory_space<vmem_shared>>)
      tpu.yield
    }) : () -> ()
    %barrier3A = arith.constant 0 : index
    tpu.barrier barrier_id(%barrier3A)
    %mul3A_19 = arith.constant 200704 : i32
    %mul3A_20 = arith.muli %arg0, %mul3A_19 : i32
    %mul3A_21 = arith.constant 12544 : i32
    %mul3A_22 = arith.muli %arg1, %mul3A_21 : i32
    %add3A_23 = arith.addi %mul3A_20, %mul3A_22 : i32
    %mul3A_24 = arith.constant 12544 : i32
    %mul3A_25 = arith.muli %arg1, %mul3A_24 : i32
    %scan3A_26 = arith.constant 0 : i32
    %scan3A_27 = arith.constant 0 : i32
    %scan3A_28 = arith.constant 98 : i32
    %scan3A_29 = arith.addi %scan3A_27, %scan3A_28 : i32
    %scan3A_30 = arith.constant 1 : i32
    scf.for %scan3A_112 = %scan3A_27 to %scan3A_29 step %scan3A_30  : i32 {
      %mul3A_113 = arith.constant 128 : i32
      %mul3A_114 = arith.muli %scan3A_112, %mul3A_113 : i32
      %add3A_115 = arith.addi %add3A_23, %mul3A_114 : i32
      %multiple_of3A_116 = tpu.assume_multiple %add3A_115, 128 : i32
      %mul3A_117 = arith.constant 128 : i32
      %mul3A_118 = arith.muli %scan3A_112, %mul3A_117 : i32
      %add3A_119 = arith.addi %mul3A_25, %mul3A_118 : i32
      %multiple_of3A_120 = tpu.assume_multiple %add3A_119, 128 : i32
      "tpu.region"() ({
        %run_scoped3A = tpu.sem_alloc : memref<!tpu.dma_semaphore, #tpu.memory_space<semaphore_mem>>
        %dma_start3A_125 = tpu.memref_slice %arg4[%multiple_of3A_116] : memref<401408xi32, #tpu.memory_space<hbm>> -> memref<128xi32, #tpu.memory_space<hbm>>
        %dma_start3A_126 = tpu.memref_slice %arg4[%multiple_of3A_116] : memref<401408xi32, #tpu.memory_space<hbm>> -> memref<128xi32, #tpu.memory_space<hbm>>
        tpu.enqueue_dma source(%dma_start3A_126 : memref<128xi32, #tpu.memory_space<hbm>>) target(%arg12 : memref<128xi32, #tpu.memory_space<vmem>>) target_semaphore(%run_scoped3A : memref<!tpu.dma_semaphore, #tpu.memory_space<semaphore_mem>>)
        %dma_wait3A_127 = tpu.memref_slice %arg4[%multiple_of3A_116] : memref<401408xi32, #tpu.memory_space<hbm>> -> memref<128xi32, #tpu.memory_space<hbm>>
        %dma_wait3A_128 = tpu.memref_slice %arg4[%multiple_of3A_116] : memref<401408xi32, #tpu.memory_space<hbm>> -> memref<128xi32, #tpu.memory_space<hbm>>
        tpu.wait_dma2 semaphore(%run_scoped3A : memref<!tpu.dma_semaphore, #tpu.memory_space<semaphore_mem>>) src(%dma_wait3A_128 : memref<128xi32, #tpu.memory_space<hbm>>) dst(%arg12 : memref<128xi32, #tpu.memory_space<vmem>>)
        tpu.yield
      }) : () -> ()
      "tpu.region"() ({
        %run_scoped3A = tpu.sem_alloc : memref<!tpu.dma_semaphore, #tpu.memory_space<semaphore_mem>>
        %dma_start3A_125 = tpu.memref_slice %arg5[%multiple_of3A_120] : memref<200704xi32, #tpu.memory_space<hbm>> -> memref<128xi32, #tpu.memory_space<hbm>>
        %dma_start3A_126 = tpu.memref_slice %arg5[%multiple_of3A_120] : memref<200704xi32, #tpu.memory_space<hbm>> -> memref<128xi32, #tpu.memory_space<hbm>>
        tpu.enqueue_dma source(%dma_start3A_126 : memref<128xi32, #tpu.memory_space<hbm>>) target(%arg13 : memref<128xi32, #tpu.memory_space<vmem>>) target_semaphore(%run_scoped3A : memref<!tpu.dma_semaphore, #tpu.memory_space<semaphore_mem>>)
        %dma_wait3A_127 = tpu.memref_slice %arg5[%multiple_of3A_120] : memref<200704xi32, #tpu.memory_space<hbm>> -> memref<128xi32, #tpu.memory_space<hbm>>
        %dma_wait3A_128 = tpu.memref_slice %arg5[%multiple_of3A_120] : memref<200704xi32, #tpu.memory_space<hbm>> -> memref<128xi32, #tpu.memory_space<hbm>>
        tpu.wait_dma2 semaphore(%run_scoped3A : memref<!tpu.dma_semaphore, #tpu.memory_space<semaphore_mem>>) src(%dma_wait3A_128 : memref<128xi32, #tpu.memory_space<hbm>>) dst(%arg13 : memref<128xi32, #tpu.memory_space<vmem>>)
        tpu.yield
      }) : () -> ()
      %dma_start3A = arith.constant 0 : i32
      %dma_start3A_121 = arith.constant 0 : i32
      %dma_start3A_122 = tpu.memref_slice %arg2[%dma_start3A, %dma_start3A_121] : memref<20000x128xf32, #tpu.memory_space<hbm>> -> memref<20000x128xf32, #tpu.memory_space<hbm>>
      tpu.enqueue_indirect_dma source(%dma_start3A_122 : memref<20000x128xf32, #tpu.memory_space<hbm>>) target(%arg14 : memref<128x128xf32, #tpu.memory_space<vmem>>) offsets(%arg12 : memref<128xi32, #tpu.memory_space<vmem>>) semaphore(%arg18 : memref<!tpu.dma_semaphore, #tpu.memory_space<semaphore_mem>>)
      %dma_wait3A = arith.constant 0 : i32
      %dma_wait3A_123 = arith.constant 0 : i32
      %dma_wait3A_124 = tpu.memref_slice %arg2[%dma_wait3A, %dma_wait3A_123] : memref<20000x128xf32, #tpu.memory_space<hbm>> -> memref<20000x128xf32, #tpu.memory_space<hbm>>
      tpu.wait_indirect_dma semaphore(%arg18 : memref<!tpu.dma_semaphore, #tpu.memory_space<semaphore_mem>>) src(%dma_wait3A_124 : memref<20000x128xf32, #tpu.memory_space<hbm>>) dst(%arg14 : memref<128x128xf32, #tpu.memory_space<vmem>>)
      "tpu.region"() ({
        %run_scoped3A = tpu.sem_alloc : memref<!tpu.dma_semaphore, #tpu.memory_space<semaphore_mem>>
        %dma_start3A_125 = arith.constant 0 : i32
        %dma_start3A_126 = arith.constant 0 : i32
        %dma_start3A_127 = tpu.memref_slice %arg17[%dma_start3A_125, %dma_start3A_126] : memref<10112x128xf32, #tpu.memory_space<vmem_shared>> -> memref<10112x128xf32, #tpu.memory_space<vmem_shared>>
        tpu.enqueue_indirect_dma source(%arg14 : memref<128x128xf32, #tpu.memory_space<vmem>>) target(%dma_start3A_127 : memref<10112x128xf32, #tpu.memory_space<vmem_shared>>) offsets(%arg13 : memref<128xi32, #tpu.memory_space<vmem>>) semaphore(%run_scoped3A : memref<!tpu.dma_semaphore, #tpu.memory_space<semaphore_mem>>) {add = true}
        %dma_wait3A_128 = arith.constant 0 : i32
        %dma_wait3A_129 = arith.constant 0 : i32
        %dma_wait3A_130 = tpu.memref_slice %arg17[%dma_wait3A_128, %dma_wait3A_129] : memref<10112x128xf32, #tpu.memory_space<vmem_shared>> -> memref<10112x128xf32, #tpu.memory_space<vmem_shared>>
        tpu.wait_indirect_dma semaphore(%run_scoped3A : memref<!tpu.dma_semaphore, #tpu.memory_space<semaphore_mem>>) src(%arg14 : memref<128x128xf32, #tpu.memory_space<vmem>>) dst(%dma_wait3A_130 : memref<10112x128xf32, #tpu.memory_space<vmem_shared>>)
        tpu.yield
      }) : () -> ()
    }
    %scan3A_31 = arith.constant 98 : i32
    %barrier3A_32 = arith.constant 0 : index
    tpu.barrier barrier_id(%barrier3A_32)
    %mul3A_33 = arith.constant 632 : i32
    %mul3A_34 = arith.muli %arg1, %mul3A_33 : i32
    %multiple_of3A_35 = tpu.assume_multiple %mul3A_34, 8 : i32
    %mul3A_36 = arith.constant 10112 : i32
    %mul3A_37 = arith.muli %arg0, %mul3A_36 : i32
    %mul3A_38 = arith.constant 632 : i32
    %mul3A_39 = arith.muli %arg1, %mul3A_38 : i32
    %add3A_40 = arith.addi %mul3A_37, %mul3A_39 : i32
    %multiple_of3A_41 = tpu.assume_multiple %add3A_40, 8 : i32
    "tpu.region"() ({
      %run_scoped3A = tpu.sem_alloc : memref<!tpu.dma_semaphore, #tpu.memory_space<semaphore_mem>>
      %dma_start3A = arith.constant 0 : i32
      %dma_start3A_112 = tpu.memref_slice %arg9[%multiple_of3A_41, %dma_start3A] : memref<20224x128xf32, #tpu.memory_space<hbm>> -> memref<632x128xf32, #tpu.memory_space<hbm>>
      %dma_start3A_113 = arith.constant 0 : i32
      %dma_start3A_114 = tpu.memref_slice %arg17[%multiple_of3A_35, %dma_start3A_113] : memref<10112x128xf32, #tpu.memory_space<vmem_shared>> -> memref<632x128xf32, #tpu.memory_space<vmem_shared>>
      tpu.enqueue_dma source(%dma_start3A_114 : memref<632x128xf32, #tpu.memory_space<vmem_shared>>) target(%dma_start3A_112 : memref<632x128xf32, #tpu.memory_space<hbm>>) target_semaphore(%run_scoped3A : memref<!tpu.dma_semaphore, #tpu.memory_space<semaphore_mem>>)
      %dma_wait3A = arith.constant 0 : i32
      %dma_wait3A_115 = tpu.memref_slice %arg9[%multiple_of3A_41, %dma_wait3A] : memref<20224x128xf32, #tpu.memory_space<hbm>> -> memref<632x128xf32, #tpu.memory_space<hbm>>
      %dma_wait3A_116 = arith.constant 0 : i32
      %dma_wait3A_117 = tpu.memref_slice %arg17[%multiple_of3A_35, %dma_wait3A_116] : memref<10112x128xf32, #tpu.memory_space<vmem_shared>> -> memref<632x128xf32, #tpu.memory_space<vmem_shared>>
      tpu.wait_dma2 semaphore(%run_scoped3A : memref<!tpu.dma_semaphore, #tpu.memory_space<semaphore_mem>>) src(%dma_wait3A_117 : memref<632x128xf32, #tpu.memory_space<vmem_shared>>) dst(%dma_wait3A_115 : memref<632x128xf32, #tpu.memory_space<hbm>>)
      tpu.yield
    }) : () -> ()
    %barrier3A_42 = arith.constant 0 : index
    tpu.barrier barrier_id(%barrier3A_42)
    %scan3A_43 = arith.constant 0 : i32
    %scan3A_44 = arith.constant 0 : i32
    %scan3A_45 = arith.constant 4 : i32
    %scan3A_46 = arith.addi %scan3A_44, %scan3A_45 : i32
    %scan3A_47 = arith.constant 1 : i32
    scf.for %scan3A_112 = %scan3A_44 to %scan3A_46 step %scan3A_47  : i32 {
      %mul3A_113 = arith.constant 632 : i32
      %mul3A_114 = arith.muli %arg1, %mul3A_113 : i32
      %mul3A_115 = arith.constant 128 : i32
      %mul3A_116 = arith.muli %scan3A_112, %mul3A_115 : i32
      %add3A_117 = arith.addi %mul3A_114, %mul3A_116 : i32
      %multiple_of3A_118 = tpu.assume_multiple %add3A_117, 8 : i32
      "tpu.region"() ({
        %run_scoped3A = tpu.sem_alloc : memref<!tpu.dma_semaphore, #tpu.memory_space<semaphore_mem>>
        %dma_start3A = arith.constant 0 : i32
        %dma_start3A_119 = tpu.memref_slice %arg17[%multiple_of3A_118, %dma_start3A] : memref<10112x128xf32, #tpu.memory_space<vmem_shared>> -> memref<128x128xf32, #tpu.memory_space<vmem_shared>>
        %dma_start3A_120 = arith.constant 0 : i32
        %dma_start3A_121 = tpu.memref_slice %arg17[%multiple_of3A_118, %dma_start3A_120] : memref<10112x128xf32, #tpu.memory_space<vmem_shared>> -> memref<128x128xf32, #tpu.memory_space<vmem_shared>>
        tpu.enqueue_dma source(%arg15 : memref<128x128xf32, #tpu.memory_space<vmem>>) target(%dma_start3A_121 : memref<128x128xf32, #tpu.memory_space<vmem_shared>>) target_semaphore(%run_scoped3A : memref<!tpu.dma_semaphore, #tpu.memory_space<semaphore_mem>>)
        %dma_wait3A = arith.constant 0 : i32
        %dma_wait3A_122 = tpu.memref_slice %arg17[%multiple_of3A_118, %dma_wait3A] : memref<10112x128xf32, #tpu.memory_space<vmem_shared>> -> memref<128x128xf32, #tpu.memory_space<vmem_shared>>
        %dma_wait3A_123 = arith.constant 0 : i32
        %dma_wait3A_124 = tpu.memref_slice %arg17[%multiple_of3A_118, %dma_wait3A_123] : memref<10112x128xf32, #tpu.memory_space<vmem_shared>> -> memref<128x128xf32, #tpu.memory_space<vmem_shared>>
        tpu.wait_dma2 semaphore(%run_scoped3A : memref<!tpu.dma_semaphore, #tpu.memory_space<semaphore_mem>>) src(%arg15 : memref<128x128xf32, #tpu.memory_space<vmem>>) dst(%dma_wait3A_124 : memref<128x128xf32, #tpu.memory_space<vmem_shared>>)
        tpu.yield
      }) : () -> ()
    }
    %scan3A_48 = arith.constant 4 : i32
    %mul3A_49 = arith.constant 632 : i32
    %mul3A_50 = arith.muli %arg1, %mul3A_49 : i32
    %add3A_51 = arith.constant 512 : i32
    %add3A_52 = arith.addi %mul3A_50, %add3A_51 : i32
    %multiple_of3A_53 = tpu.assume_multiple %add3A_52, 8 : i32
    "tpu.region"() ({
      %run_scoped3A = tpu.sem_alloc : memref<!tpu.dma_semaphore, #tpu.memory_space<semaphore_mem>>
      %dma_start3A = arith.constant 0 : i32
      %dma_start3A_112 = arith.constant 0 : i32
      %dma_start3A_113 = tpu.memref_slice %arg15[%dma_start3A, %dma_start3A_112] : memref<128x128xf32, #tpu.memory_space<vmem>> -> memref<120x128xf32, #tpu.memory_space<vmem>>
      %dma_start3A_114 = arith.constant 0 : i32
      %dma_start3A_115 = tpu.memref_slice %arg17[%multiple_of3A_53, %dma_start3A_114] : memref<10112x128xf32, #tpu.memory_space<vmem_shared>> -> memref<120x128xf32, #tpu.memory_space<vmem_shared>>
      %dma_start3A_116 = arith.constant 0 : i32
      %dma_start3A_117 = tpu.memref_slice %arg17[%multiple_of3A_53, %dma_start3A_116] : memref<10112x128xf32, #tpu.memory_space<vmem_shared>> -> memref<120x128xf32, #tpu.memory_space<vmem_shared>>
      %dma_start3A_118 = arith.constant 0 : i32
      %dma_start3A_119 = arith.constant 0 : i32
      %dma_start3A_120 = tpu.memref_slice %arg15[%dma_start3A_118, %dma_start3A_119] : memref<128x128xf32, #tpu.memory_space<vmem>> -> memref<120x128xf32, #tpu.memory_space<vmem>>
      tpu.enqueue_dma source(%dma_start3A_120 : memref<120x128xf32, #tpu.memory_space<vmem>>) target(%dma_start3A_117 : memref<120x128xf32, #tpu.memory_space<vmem_shared>>) target_semaphore(%run_scoped3A : memref<!tpu.dma_semaphore, #tpu.memory_space<semaphore_mem>>)
      %dma_wait3A = arith.constant 0 : i32
      %dma_wait3A_121 = arith.constant 0 : i32
      %dma_wait3A_122 = tpu.memref_slice %arg15[%dma_wait3A, %dma_wait3A_121] : memref<128x128xf32, #tpu.memory_space<vmem>> -> memref<120x128xf32, #tpu.memory_space<vmem>>
      %dma_wait3A_123 = arith.constant 0 : i32
      %dma_wait3A_124 = tpu.memref_slice %arg17[%multiple_of3A_53, %dma_wait3A_123] : memref<10112x128xf32, #tpu.memory_space<vmem_shared>> -> memref<120x128xf32, #tpu.memory_space<vmem_shared>>
      %dma_wait3A_125 = arith.constant 0 : i32
      %dma_wait3A_126 = tpu.memref_slice %arg17[%multiple_of3A_53, %dma_wait3A_125] : memref<10112x128xf32, #tpu.memory_space<vmem_shared>> -> memref<120x128xf32, #tpu.memory_space<vmem_shared>>
      %dma_wait3A_127 = arith.constant 0 : i32
      %dma_wait3A_128 = arith.constant 0 : i32
      %dma_wait3A_129 = tpu.memref_slice %arg15[%dma_wait3A_127, %dma_wait3A_128] : memref<128x128xf32, #tpu.memory_space<vmem>> -> memref<120x128xf32, #tpu.memory_space<vmem>>
      tpu.wait_dma2 semaphore(%run_scoped3A : memref<!tpu.dma_semaphore, #tpu.memory_space<semaphore_mem>>) src(%dma_wait3A_129 : memref<120x128xf32, #tpu.memory_space<vmem>>) dst(%dma_wait3A_126 : memref<120x128xf32, #tpu.memory_space<vmem_shared>>)
      tpu.yield
    }) : () -> ()
    %barrier3A_54 = arith.constant 0 : index
    tpu.barrier barrier_id(%barrier3A_54)
    %mul3A_55 = arith.constant 200704 : i32
    %mul3A_56 = arith.muli %arg0, %mul3A_55 : i32
    %mul3A_57 = arith.constant 12544 : i32
    %mul3A_58 = arith.muli %arg1, %mul3A_57 : i32
    %add3A_59 = arith.addi %mul3A_56, %mul3A_58 : i32
    %mul3A_60 = arith.constant 12544 : i32
    %mul3A_61 = arith.muli %arg1, %mul3A_60 : i32
    %scan3A_62 = arith.constant 0 : i32
    %scan3A_63 = arith.constant 0 : i32
    %scan3A_64 = arith.constant 98 : i32
    %scan3A_65 = arith.addi %scan3A_63, %scan3A_64 : i32
    %scan3A_66 = arith.constant 1 : i32
    scf.for %scan3A_112 = %scan3A_63 to %scan3A_65 step %scan3A_66  : i32 {
      %mul3A_113 = arith.constant 128 : i32
      %mul3A_114 = arith.muli %scan3A_112, %mul3A_113 : i32
      %add3A_115 = arith.addi %add3A_59, %mul3A_114 : i32
      %multiple_of3A_116 = tpu.assume_multiple %add3A_115, 128 : i32
      %mul3A_117 = arith.constant 128 : i32
      %mul3A_118 = arith.muli %scan3A_112, %mul3A_117 : i32
      %add3A_119 = arith.addi %mul3A_61, %mul3A_118 : i32
      %multiple_of3A_120 = tpu.assume_multiple %add3A_119, 128 : i32
      "tpu.region"() ({
        %run_scoped3A = tpu.sem_alloc : memref<!tpu.dma_semaphore, #tpu.memory_space<semaphore_mem>>
        %dma_start3A_125 = tpu.memref_slice %arg6[%multiple_of3A_116] : memref<401408xi32, #tpu.memory_space<hbm>> -> memref<128xi32, #tpu.memory_space<hbm>>
        %dma_start3A_126 = tpu.memref_slice %arg6[%multiple_of3A_116] : memref<401408xi32, #tpu.memory_space<hbm>> -> memref<128xi32, #tpu.memory_space<hbm>>
        tpu.enqueue_dma source(%dma_start3A_126 : memref<128xi32, #tpu.memory_space<hbm>>) target(%arg12 : memref<128xi32, #tpu.memory_space<vmem>>) target_semaphore(%run_scoped3A : memref<!tpu.dma_semaphore, #tpu.memory_space<semaphore_mem>>)
        %dma_wait3A_127 = tpu.memref_slice %arg6[%multiple_of3A_116] : memref<401408xi32, #tpu.memory_space<hbm>> -> memref<128xi32, #tpu.memory_space<hbm>>
        %dma_wait3A_128 = tpu.memref_slice %arg6[%multiple_of3A_116] : memref<401408xi32, #tpu.memory_space<hbm>> -> memref<128xi32, #tpu.memory_space<hbm>>
        tpu.wait_dma2 semaphore(%run_scoped3A : memref<!tpu.dma_semaphore, #tpu.memory_space<semaphore_mem>>) src(%dma_wait3A_128 : memref<128xi32, #tpu.memory_space<hbm>>) dst(%arg12 : memref<128xi32, #tpu.memory_space<vmem>>)
        tpu.yield
      }) : () -> ()
      "tpu.region"() ({
        %run_scoped3A = tpu.sem_alloc : memref<!tpu.dma_semaphore, #tpu.memory_space<semaphore_mem>>
        %dma_start3A_125 = tpu.memref_slice %arg7[%multiple_of3A_120] : memref<200704xi32, #tpu.memory_space<hbm>> -> memref<128xi32, #tpu.memory_space<hbm>>
        %dma_start3A_126 = tpu.memref_slice %arg7[%multiple_of3A_120] : memref<200704xi32, #tpu.memory_space<hbm>> -> memref<128xi32, #tpu.memory_space<hbm>>
        tpu.enqueue_dma source(%dma_start3A_126 : memref<128xi32, #tpu.memory_space<hbm>>) target(%arg13 : memref<128xi32, #tpu.memory_space<vmem>>) target_semaphore(%run_scoped3A : memref<!tpu.dma_semaphore, #tpu.memory_space<semaphore_mem>>)
        %dma_wait3A_127 = tpu.memref_slice %arg7[%multiple_of3A_120] : memref<200704xi32, #tpu.memory_space<hbm>> -> memref<128xi32, #tpu.memory_space<hbm>>
        %dma_wait3A_128 = tpu.memref_slice %arg7[%multiple_of3A_120] : memref<200704xi32, #tpu.memory_space<hbm>> -> memref<128xi32, #tpu.memory_space<hbm>>
        tpu.wait_dma2 semaphore(%run_scoped3A : memref<!tpu.dma_semaphore, #tpu.memory_space<semaphore_mem>>) src(%dma_wait3A_128 : memref<128xi32, #tpu.memory_space<hbm>>) dst(%arg13 : memref<128xi32, #tpu.memory_space<vmem>>)
        tpu.yield
      }) : () -> ()
      %dma_start3A = arith.constant 0 : i32
      %dma_start3A_121 = arith.constant 0 : i32
      %dma_start3A_122 = tpu.memref_slice %arg3[%dma_start3A, %dma_start3A_121] : memref<20000x128xf32, #tpu.memory_space<hbm>> -> memref<20000x128xf32, #tpu.memory_space<hbm>>
      tpu.enqueue_indirect_dma source(%dma_start3A_122 : memref<20000x128xf32, #tpu.memory_space<hbm>>) target(%arg14 : memref<128x128xf32, #tpu.memory_space<vmem>>) offsets(%arg12 : memref<128xi32, #tpu.memory_space<vmem>>) semaphore(%arg18 : memref<!tpu.dma_semaphore, #tpu.memory_space<semaphore_mem>>)
      %dma_wait3A = arith.constant 0 : i32
      %dma_wait3A_123 = arith.constant 0 : i32
      %dma_wait3A_124 = tpu.memref_slice %arg3[%dma_wait3A, %dma_wait3A_123] : memref<20000x128xf32, #tpu.memory_space<hbm>> -> memref<20000x128xf32, #tpu.memory_space<hbm>>
      tpu.wait_indirect_dma semaphore(%arg18 : memref<!tpu.dma_semaphore, #tpu.memory_space<semaphore_mem>>) src(%dma_wait3A_124 : memref<20000x128xf32, #tpu.memory_space<hbm>>) dst(%arg14 : memref<128x128xf32, #tpu.memory_space<vmem>>)
      "tpu.region"() ({
        %run_scoped3A = tpu.sem_alloc : memref<!tpu.dma_semaphore, #tpu.memory_space<semaphore_mem>>
        %dma_start3A_125 = arith.constant 0 : i32
        %dma_start3A_126 = arith.constant 0 : i32
        %dma_start3A_127 = tpu.memref_slice %arg17[%dma_start3A_125, %dma_start3A_126] : memref<10112x128xf32, #tpu.memory_space<vmem_shared>> -> memref<10112x128xf32, #tpu.memory_space<vmem_shared>>
        tpu.enqueue_indirect_dma source(%arg14 : memref<128x128xf32, #tpu.memory_space<vmem>>) target(%dma_start3A_127 : memref<10112x128xf32, #tpu.memory_space<vmem_shared>>) offsets(%arg13 : memref<128xi32, #tpu.memory_space<vmem>>) semaphore(%run_scoped3A : memref<!tpu.dma_semaphore, #tpu.memory_space<semaphore_mem>>) {add = true}
        %dma_wait3A_128 = arith.constant 0 : i32
        %dma_wait3A_129 = arith.constant 0 : i32
        %dma_wait3A_130 = tpu.memref_slice %arg17[%dma_wait3A_128, %dma_wait3A_129] : memref<10112x128xf32, #tpu.memory_space<vmem_shared>> -> memref<10112x128xf32, #tpu.memory_space<vmem_shared>>
        tpu.wait_indirect_dma semaphore(%run_scoped3A : memref<!tpu.dma_semaphore, #tpu.memory_space<semaphore_mem>>) src(%arg14 : memref<128x128xf32, #tpu.memory_space<vmem>>) dst(%dma_wait3A_130 : memref<10112x128xf32, #tpu.memory_space<vmem_shared>>)
        tpu.yield
      }) : () -> ()
    }
    %scan3A_67 = arith.constant 98 : i32
    %barrier3A_68 = arith.constant 0 : index
    tpu.barrier barrier_id(%barrier3A_68)
    %mul3A_69 = arith.constant 632 : i32
    %mul3A_70 = arith.muli %arg1, %mul3A_69 : i32
    %multiple_of3A_71 = tpu.assume_multiple %mul3A_70, 8 : i32
    %mul3A_72 = arith.constant 10112 : i32
    %mul3A_73 = arith.muli %arg0, %mul3A_72 : i32
    %mul3A_74 = arith.constant 632 : i32
    %mul3A_75 = arith.muli %arg1, %mul3A_74 : i32
    %add3A_76 = arith.addi %mul3A_73, %mul3A_75 : i32
    %multiple_of3A_77 = tpu.assume_multiple %add3A_76, 8 : i32
    "tpu.region"() ({
      %run_scoped3A = tpu.sem_alloc : memref<!tpu.dma_semaphore, #tpu.memory_space<semaphore_mem>>
      %dma_start3A = arith.constant 0 : i32
      %dma_start3A_112 = tpu.memref_slice %arg10[%multiple_of3A_77, %dma_start3A] : memref<20224x128xf32, #tpu.memory_space<hbm>> -> memref<632x128xf32, #tpu.memory_space<hbm>>
      %dma_start3A_113 = arith.constant 0 : i32
      %dma_start3A_114 = tpu.memref_slice %arg17[%multiple_of3A_71, %dma_start3A_113] : memref<10112x128xf32, #tpu.memory_space<vmem_shared>> -> memref<632x128xf32, #tpu.memory_space<vmem_shared>>
      tpu.enqueue_dma source(%dma_start3A_114 : memref<632x128xf32, #tpu.memory_space<vmem_shared>>) target(%dma_start3A_112 : memref<632x128xf32, #tpu.memory_space<hbm>>) target_semaphore(%run_scoped3A : memref<!tpu.dma_semaphore, #tpu.memory_space<semaphore_mem>>)
      %dma_wait3A = arith.constant 0 : i32
      %dma_wait3A_115 = tpu.memref_slice %arg10[%multiple_of3A_77, %dma_wait3A] : memref<20224x128xf32, #tpu.memory_space<hbm>> -> memref<632x128xf32, #tpu.memory_space<hbm>>
      %dma_wait3A_116 = arith.constant 0 : i32
      %dma_wait3A_117 = tpu.memref_slice %arg17[%multiple_of3A_71, %dma_wait3A_116] : memref<10112x128xf32, #tpu.memory_space<vmem_shared>> -> memref<632x128xf32, #tpu.memory_space<vmem_shared>>
      tpu.wait_dma2 semaphore(%run_scoped3A : memref<!tpu.dma_semaphore, #tpu.memory_space<semaphore_mem>>) src(%dma_wait3A_117 : memref<632x128xf32, #tpu.memory_space<vmem_shared>>) dst(%dma_wait3A_115 : memref<632x128xf32, #tpu.memory_space<hbm>>)
      tpu.yield
    }) : () -> ()
    %barrier3A_78 = arith.constant 0 : index
    tpu.barrier barrier_id(%barrier3A_78)
    %scan3A_79 = arith.constant 0 : i32
    %scan3A_80 = arith.constant 0 : i32
    %scan3A_81 = arith.constant 4 : i32
    %scan3A_82 = arith.addi %scan3A_80, %scan3A_81 : i32
    %scan3A_83 = arith.constant 1 : i32
    scf.for %scan3A_112 = %scan3A_80 to %scan3A_82 step %scan3A_83  : i32 {
      %mul3A_113 = arith.constant 632 : i32
      %mul3A_114 = arith.muli %arg1, %mul3A_113 : i32
      %mul3A_115 = arith.constant 128 : i32
      %mul3A_116 = arith.muli %scan3A_112, %mul3A_115 : i32
      %add3A_117 = arith.addi %mul3A_114, %mul3A_116 : i32
      %multiple_of3A_118 = tpu.assume_multiple %add3A_117, 8 : i32
      "tpu.region"() ({
        %run_scoped3A = tpu.sem_alloc : memref<!tpu.dma_semaphore, #tpu.memory_space<semaphore_mem>>
        %dma_start3A = arith.constant 0 : i32
        %dma_start3A_119 = tpu.memref_slice %arg17[%multiple_of3A_118, %dma_start3A] : memref<10112x128xf32, #tpu.memory_space<vmem_shared>> -> memref<128x128xf32, #tpu.memory_space<vmem_shared>>
        %dma_start3A_120 = arith.constant 0 : i32
        %dma_start3A_121 = tpu.memref_slice %arg17[%multiple_of3A_118, %dma_start3A_120] : memref<10112x128xf32, #tpu.memory_space<vmem_shared>> -> memref<128x128xf32, #tpu.memory_space<vmem_shared>>
        tpu.enqueue_dma source(%arg15 : memref<128x128xf32, #tpu.memory_space<vmem>>) target(%dma_start3A_121 : memref<128x128xf32, #tpu.memory_space<vmem_shared>>) target_semaphore(%run_scoped3A : memref<!tpu.dma_semaphore, #tpu.memory_space<semaphore_mem>>)
        %dma_wait3A = arith.constant 0 : i32
        %dma_wait3A_122 = tpu.memref_slice %arg17[%multiple_of3A_118, %dma_wait3A] : memref<10112x128xf32, #tpu.memory_space<vmem_shared>> -> memref<128x128xf32, #tpu.memory_space<vmem_shared>>
        %dma_wait3A_123 = arith.constant 0 : i32
        %dma_wait3A_124 = tpu.memref_slice %arg17[%multiple_of3A_118, %dma_wait3A_123] : memref<10112x128xf32, #tpu.memory_space<vmem_shared>> -> memref<128x128xf32, #tpu.memory_space<vmem_shared>>
        tpu.wait_dma2 semaphore(%run_scoped3A : memref<!tpu.dma_semaphore, #tpu.memory_space<semaphore_mem>>) src(%arg15 : memref<128x128xf32, #tpu.memory_space<vmem>>) dst(%dma_wait3A_124 : memref<128x128xf32, #tpu.memory_space<vmem_shared>>)
        tpu.yield
      }) : () -> ()
    }
    %scan3A_84 = arith.constant 4 : i32
    %mul3A_85 = arith.constant 632 : i32
    %mul3A_86 = arith.muli %arg1, %mul3A_85 : i32
    %add3A_87 = arith.constant 512 : i32
    %add3A_88 = arith.addi %mul3A_86, %add3A_87 : i32
    %multiple_of3A_89 = tpu.assume_multiple %add3A_88, 8 : i32
    "tpu.region"() ({
      %run_scoped3A = tpu.sem_alloc : memref<!tpu.dma_semaphore, #tpu.memory_space<semaphore_mem>>
      %dma_start3A = arith.constant 0 : i32
      %dma_start3A_112 = arith.constant 0 : i32
      %dma_start3A_113 = tpu.memref_slice %arg15[%dma_start3A, %dma_start3A_112] : memref<128x128xf32, #tpu.memory_space<vmem>> -> memref<120x128xf32, #tpu.memory_space<vmem>>
      %dma_start3A_114 = arith.constant 0 : i32
      %dma_start3A_115 = tpu.memref_slice %arg17[%multiple_of3A_89, %dma_start3A_114] : memref<10112x128xf32, #tpu.memory_space<vmem_shared>> -> memref<120x128xf32, #tpu.memory_space<vmem_shared>>
      %dma_start3A_116 = arith.constant 0 : i32
      %dma_start3A_117 = tpu.memref_slice %arg17[%multiple_of3A_89, %dma_start3A_116] : memref<10112x128xf32, #tpu.memory_space<vmem_shared>> -> memref<120x128xf32, #tpu.memory_space<vmem_shared>>
      %dma_start3A_118 = arith.constant 0 : i32
      %dma_start3A_119 = arith.constant 0 : i32
      %dma_start3A_120 = tpu.memref_slice %arg15[%dma_start3A_118, %dma_start3A_119] : memref<128x128xf32, #tpu.memory_space<vmem>> -> memref<120x128xf32, #tpu.memory_space<vmem>>
      tpu.enqueue_dma source(%dma_start3A_120 : memref<120x128xf32, #tpu.memory_space<vmem>>) target(%dma_start3A_117 : memref<120x128xf32, #tpu.memory_space<vmem_shared>>) target_semaphore(%run_scoped3A : memref<!tpu.dma_semaphore, #tpu.memory_space<semaphore_mem>>)
      %dma_wait3A = arith.constant 0 : i32
      %dma_wait3A_121 = arith.constant 0 : i32
      %dma_wait3A_122 = tpu.memref_slice %arg15[%dma_wait3A, %dma_wait3A_121] : memref<128x128xf32, #tpu.memory_space<vmem>> -> memref<120x128xf32, #tpu.memory_space<vmem>>
      %dma_wait3A_123 = arith.constant 0 : i32
      %dma_wait3A_124 = tpu.memref_slice %arg17[%multiple_of3A_89, %dma_wait3A_123] : memref<10112x128xf32, #tpu.memory_space<vmem_shared>> -> memref<120x128xf32, #tpu.memory_space<vmem_shared>>
      %dma_wait3A_125 = arith.constant 0 : i32
      %dma_wait3A_126 = tpu.memref_slice %arg17[%multiple_of3A_89, %dma_wait3A_125] : memref<10112x128xf32, #tpu.memory_space<vmem_shared>> -> memref<120x128xf32, #tpu.memory_space<vmem_shared>>
      %dma_wait3A_127 = arith.constant 0 : i32
      %dma_wait3A_128 = arith.constant 0 : i32
      %dma_wait3A_129 = tpu.memref_slice %arg15[%dma_wait3A_127, %dma_wait3A_128] : memref<128x128xf32, #tpu.memory_space<vmem>> -> memref<120x128xf32, #tpu.memory_space<vmem>>
      tpu.wait_dma2 semaphore(%run_scoped3A : memref<!tpu.dma_semaphore, #tpu.memory_space<semaphore_mem>>) src(%dma_wait3A_129 : memref<120x128xf32, #tpu.memory_space<vmem>>) dst(%dma_wait3A_126 : memref<120x128xf32, #tpu.memory_space<vmem_shared>>)
      tpu.yield
    }) : () -> ()
    %barrier3A_90 = arith.constant 0 : index
    tpu.barrier barrier_id(%barrier3A_90)
    %mul3A_91 = arith.constant 200704 : i32
    %mul3A_92 = arith.muli %arg0, %mul3A_91 : i32
    %mul3A_93 = arith.constant 12544 : i32
    %mul3A_94 = arith.muli %arg1, %mul3A_93 : i32
    %add3A_95 = arith.addi %mul3A_92, %mul3A_94 : i32
    %scan3A_96 = arith.constant 0 : i32
    %scan3A_97 = arith.constant 0 : i32
    %scan3A_98 = arith.constant 98 : i32
    %scan3A_99 = arith.addi %scan3A_97, %scan3A_98 : i32
    %scan3A_100 = arith.constant 1 : i32
    scf.for %scan3A_112 = %scan3A_97 to %scan3A_99 step %scan3A_100  : i32 {
      %mul3A_113 = arith.constant 128 : i32
      %mul3A_114 = arith.muli %scan3A_112, %mul3A_113 : i32
      %add3A_115 = arith.addi %add3A_95, %mul3A_114 : i32
      %multiple_of3A_116 = tpu.assume_multiple %add3A_115, 128 : i32
      "tpu.region"() ({
        %run_scoped3A = tpu.sem_alloc : memref<!tpu.dma_semaphore, #tpu.memory_space<semaphore_mem>>
        %dma_start3A = tpu.memref_slice %arg8[%multiple_of3A_116] : memref<401408xi32, #tpu.memory_space<hbm>> -> memref<128xi32, #tpu.memory_space<hbm>>
        %dma_start3A_117 = tpu.memref_slice %arg8[%multiple_of3A_116] : memref<401408xi32, #tpu.memory_space<hbm>> -> memref<128xi32, #tpu.memory_space<hbm>>
        tpu.enqueue_dma source(%dma_start3A_117 : memref<128xi32, #tpu.memory_space<hbm>>) target(%arg13 : memref<128xi32, #tpu.memory_space<vmem>>) target_semaphore(%run_scoped3A : memref<!tpu.dma_semaphore, #tpu.memory_space<semaphore_mem>>)
        %dma_wait3A = tpu.memref_slice %arg8[%multiple_of3A_116] : memref<401408xi32, #tpu.memory_space<hbm>> -> memref<128xi32, #tpu.memory_space<hbm>>
        %dma_wait3A_118 = tpu.memref_slice %arg8[%multiple_of3A_116] : memref<401408xi32, #tpu.memory_space<hbm>> -> memref<128xi32, #tpu.memory_space<hbm>>
        tpu.wait_dma2 semaphore(%run_scoped3A : memref<!tpu.dma_semaphore, #tpu.memory_space<semaphore_mem>>) src(%dma_wait3A_118 : memref<128xi32, #tpu.memory_space<hbm>>) dst(%arg13 : memref<128xi32, #tpu.memory_space<vmem>>)
        tpu.yield
      }) : () -> ()
      "tpu.region"() ({
        %run_scoped3A = tpu.sem_alloc : memref<!tpu.dma_semaphore, #tpu.memory_space<semaphore_mem>>
        %dma_start3A = arith.constant 0 : i32
        %dma_start3A_117 = arith.constant 0 : i32
        %dma_start3A_118 = tpu.memref_slice %arg17[%dma_start3A, %dma_start3A_117] : memref<10112x128xf32, #tpu.memory_space<vmem_shared>> -> memref<10112x128xf32, #tpu.memory_space<vmem_shared>>
        tpu.enqueue_indirect_dma source(%arg16 : memref<128x128xf32, #tpu.memory_space<vmem>>) target(%dma_start3A_118 : memref<10112x128xf32, #tpu.memory_space<vmem_shared>>) offsets(%arg13 : memref<128xi32, #tpu.memory_space<vmem>>) semaphore(%run_scoped3A : memref<!tpu.dma_semaphore, #tpu.memory_space<semaphore_mem>>) {add = true}
        %dma_wait3A = arith.constant 0 : i32
        %dma_wait3A_119 = arith.constant 0 : i32
        %dma_wait3A_120 = tpu.memref_slice %arg17[%dma_wait3A, %dma_wait3A_119] : memref<10112x128xf32, #tpu.memory_space<vmem_shared>> -> memref<10112x128xf32, #tpu.memory_space<vmem_shared>>
        tpu.wait_indirect_dma semaphore(%run_scoped3A : memref<!tpu.dma_semaphore, #tpu.memory_space<semaphore_mem>>) src(%arg16 : memref<128x128xf32, #tpu.memory_space<vmem>>) dst(%dma_wait3A_120 : memref<10112x128xf32, #tpu.memory_space<vmem_shared>>)
        tpu.yield
      }) : () -> ()
    }
    %scan3A_101 = arith.constant 98 : i32
    %barrier3A_102 = arith.constant 0 : index
    tpu.barrier barrier_id(%barrier3A_102)
    %mul3A_103 = arith.constant 632 : i32
    %mul3A_104 = arith.muli %arg1, %mul3A_103 : i32
    %multiple_of3A_105 = tpu.assume_multiple %mul3A_104, 8 : i32
    %mul3A_106 = arith.constant 10112 : i32
    %mul3A_107 = arith.muli %arg0, %mul3A_106 : i32
    %mul3A_108 = arith.constant 632 : i32
    %mul3A_109 = arith.muli %arg1, %mul3A_108 : i32
    %add3A_110 = arith.addi %mul3A_107, %mul3A_109 : i32
    %multiple_of3A_111 = tpu.assume_multiple %add3A_110, 8 : i32
    "tpu.region"() ({
      %run_scoped3A = tpu.sem_alloc : memref<!tpu.dma_semaphore, #tpu.memory_space<semaphore_mem>>
      %dma_start3A = arith.constant 0 : i32
      %dma_start3A_112 = tpu.memref_slice %arg11[%multiple_of3A_111, %dma_start3A] : memref<20224x128xf32, #tpu.memory_space<hbm>> -> memref<632x128xf32, #tpu.memory_space<hbm>>
      %dma_start3A_113 = arith.constant 0 : i32
      %dma_start3A_114 = tpu.memref_slice %arg17[%multiple_of3A_105, %dma_start3A_113] : memref<10112x128xf32, #tpu.memory_space<vmem_shared>> -> memref<632x128xf32, #tpu.memory_space<vmem_shared>>
      tpu.enqueue_dma source(%dma_start3A_114 : memref<632x128xf32, #tpu.memory_space<vmem_shared>>) target(%dma_start3A_112 : memref<632x128xf32, #tpu.memory_space<hbm>>) target_semaphore(%run_scoped3A : memref<!tpu.dma_semaphore, #tpu.memory_space<semaphore_mem>>)
      %dma_wait3A = arith.constant 0 : i32
      %dma_wait3A_115 = tpu.memref_slice %arg11[%multiple_of3A_111, %dma_wait3A] : memref<20224x128xf32, #tpu.memory_space<hbm>> -> memref<632x128xf32, #tpu.memory_space<hbm>>
      %dma_wait3A_116 = arith.constant 0 : i32
      %dma_wait3A_117 = tpu.memref_slice %arg17[%multiple_of3A_105, %dma_wait3A_116] : memref<10112x128xf32, #tpu.memory_space<vmem_shared>> -> memref<632x128xf32, #tpu.memory_space<vmem_shared>>
      tpu.wait_dma2 semaphore(%run_scoped3A : memref<!tpu.dma_semaphore, #tpu.memory_space<semaphore_mem>>) src(%dma_wait3A_117 : memref<632x128xf32, #tpu.memory_space<vmem_shared>>) dst(%dma_wait3A_115 : memref<632x128xf32, #tpu.memory_space<hbm>>)
      tpu.yield
    }) : () -> ()
    return
  }
}

#map = affine_map<(d0, d1) -> (0, 0)>
#map1 = affine_map<(d0, d1) -> (0)>
module attributes {stable_mosaic.version = 14 : i64} {
  func.func @_seg_body(%arg0: i32, %arg1: i32, %arg2: memref<20000x128xf32, #tpu.memory_space<hbm>>, %arg3: memref<20000x128xf32, #tpu.memory_space<hbm>>, %arg4: memref<401408xi32, #tpu.memory_space<hbm>>, %arg5: memref<200704xi32, #tpu.memory_space<hbm>>, %arg6: memref<401408xi32, #tpu.memory_space<hbm>>, %arg7: memref<200704xi32, #tpu.memory_space<hbm>>, %arg8: memref<401408xi32, #tpu.memory_space<hbm>>, %arg9: memref<20224x128xf32, #tpu.memory_space<hbm>>, %arg10: memref<20224x128xf32, #tpu.memory_space<hbm>>, %arg11: memref<20224x128xf32, #tpu.memory_space<hbm>>, %arg12: memref<128xi32, #tpu.memory_space<vmem>>, %arg13: memref<128xi32, #tpu.memory_space<vmem>>, %arg14: memref<128x128xf32, #tpu.memory_space<vmem>>, %arg15: memref<128x128xf32, #tpu.memory_space<vmem>>, %arg16: memref<128x128xf32, #tpu.memory_space<vmem>>, %arg17: memref<10112x128xf32, #tpu.memory_space<vmem_shared>>, %arg18: memref<!tpu.dma_semaphore, #tpu.memory_space<semaphore_mem>>) attributes {dimension_semantics = [#tpu.dimension_semantics<core_parallel>, #tpu.dimension_semantics<subcore_parallel>], iteration_bounds = array<i64: 2, 16>, scalar_prefetch = 0 : i64, scratch_operands = 7 : i64, tpu.core_type = #tpu.core_type<sc_vector_subcore>, window_params = [{transform_indices = #map}, {transform_indices = #map}, {transform_indices = #map1}, {transform_indices = #map1}, {transform_indices = #map1}, {transform_indices = #map1}, {transform_indices = #map1}, {transform_indices = #map}, {transform_indices = #map}, {transform_indices = #map}]} {
    %scan3A = arith.constant 0 : i32
    %scan3A_0 = arith.constant 0 : i32
    %scan3A_1 = arith.constant 128 : i32
    %scan3A_2 = arith.addi %scan3A_0, %scan3A_1 : i32
    %scan3A_3 = arith.constant 1 : i32
    scf.for %scan3A_112 = %scan3A_0 to %scan3A_2 step %scan3A_3  : i32 {
      %broadcast_in_dim3A = arith.constant 0.000000e+00 : f32
      %broadcast_in_dim3A_113 = vector.broadcast %broadcast_in_dim3A : f32 to vector<16xf32>
      %swap3A = arith.index_cast %scan3A_112 : i32 to index
      %swap3A_114 = arith.constant 0 : index
      %swap3A_115 = tpu.vector_load %arg15[%swap3A, %swap3A_114] {strides = array<i32>} : memref<128x128xf32, #tpu.memory_space<vmem>>, vector<1x16xf32>,
      %swap3A_116 = vector.shape_cast %swap3A_115 : vector<1x16xf32> to vector<16xf32>
      %swap3A_117 = vector.shape_cast %broadcast_in_dim3A_113 : vector<16xf32> to vector<1x16xf32>
      tpu.vector_store %arg15[%swap3A, %swap3A_114], %swap3A_117 {strides = array<i32>} : memref<128x128xf32, #tpu.memory_space<vmem>>, vector<1x16xf32>,
      %broadcast_in_dim3A_118 = arith.constant 0.000000e+00 : f32
      %broadcast_in_dim3A_119 = vector.broadcast %broadcast_in_dim3A_118 : f32 to vector<16xf32>
      %swap3A_120 = arith.index_cast %scan3A_112 : i32 to index
      %swap3A_121 = arith.constant 16 : index
      %swap3A_122 = tpu.vector_load %arg15[%swap3A_120, %swap3A_121] {strides = array<i32>} : memref<128x128xf32, #tpu.memory_space<vmem>>, vector<1x16xf32>,
      %swap3A_123 = vector.shape_cast %swap3A_122 : vector<1x16xf32> to vector<16xf32>
      %swap3A_124 = vector.shape_cast %broadcast_in_dim3A_119 : vector<16xf32> to vector<1x16xf32>
      tpu.vector_store %arg15[%swap3A_120, %swap3A_121], %swap3A_124 {strides = array<i32>} : memref<128x128xf32, #tpu.memory_space<vmem>>, vector<1x16xf32>,
      %broadcast_in_dim3A_125 = arith.constant 0.000000e+00 : f32
      %broadcast_in_dim3A_126 = vector.broadcast %broadcast_in_dim3A_125 : f32 to vector<16xf32>
      %swap3A_127 = arith.index_cast %scan3A_112 : i32 to index
      %swap3A_128 = arith.constant 32 : index
      %swap3A_129 = tpu.vector_load %arg15[%swap3A_127, %swap3A_128] {strides = array<i32>} : memref<128x128xf32, #tpu.memory_space<vmem>>, vector<1x16xf32>,
      %swap3A_130 = vector.shape_cast %swap3A_129 : vector<1x16xf32> to vector<16xf32>
      %swap3A_131 = vector.shape_cast %broadcast_in_dim3A_126 : vector<16xf32> to vector<1x16xf32>
      tpu.vector_store %arg15[%swap3A_127, %swap3A_128], %swap3A_131 {strides = array<i32>} : memref<128x128xf32, #tpu.memory_space<vmem>>, vector<1x16xf32>,
      %broadcast_in_dim3A_132 = arith.constant 0.000000e+00 : f32
      %broadcast_in_dim3A_133 = vector.broadcast %broadcast_in_dim3A_132 : f32 to vector<16xf32>
      %swap3A_134 = arith.index_cast %scan3A_112 : i32 to index
      %swap3A_135 = arith.constant 48 : index
      %swap3A_136 = tpu.vector_load %arg15[%swap3A_134, %swap3A_135] {strides = array<i32>} : memref<128x128xf32, #tpu.memory_space<vmem>>, vector<1x16xf32>,
      %swap3A_137 = vector.shape_cast %swap3A_136 : vector<1x16xf32> to vector<16xf32>
      %swap3A_138 = vector.shape_cast %broadcast_in_dim3A_133 : vector<16xf32> to vector<1x16xf32>
      tpu.vector_store %arg15[%swap3A_134, %swap3A_135], %swap3A_138 {strides = array<i32>} : memref<128x128xf32, #tpu.memory_space<vmem>>, vector<1x16xf32>,
      %broadcast_in_dim3A_139 = arith.constant 0.000000e+00 : f32
      %broadcast_in_dim3A_140 = vector.broadcast %broadcast_in_dim3A_139 : f32 to vector<16xf32>
      %swap3A_141 = arith.index_cast %scan3A_112 : i32 to index
      %swap3A_142 = arith.constant 64 : index
      %swap3A_143 = tpu.vector_load %arg15[%swap3A_141, %swap3A_142] {strides = array<i32>} : memref<128x128xf32, #tpu.memory_space<vmem>>, vector<1x16xf32>,
      %swap3A_144 = vector.shape_cast %swap3A_143 : vector<1x16xf32> to vector<16xf32>
      %swap3A_145 = vector.shape_cast %broadcast_in_dim3A_140 : vector<16xf32> to vector<1x16xf32>
      tpu.vector_store %arg15[%swap3A_141, %swap3A_142], %swap3A_145 {strides = array<i32>} : memref<128x128xf32, #tpu.memory_space<vmem>>, vector<1x16xf32>,
      %broadcast_in_dim3A_146 = arith.constant 0.000000e+00 : f32
      %broadcast_in_dim3A_147 = vector.broadcast %broadcast_in_dim3A_146 : f32 to vector<16xf32>
      %swap3A_148 = arith.index_cast %scan3A_112 : i32 to index
      %swap3A_149 = arith.constant 80 : index
      %swap3A_150 = tpu.vector_load %arg15[%swap3A_148, %swap3A_149] {strides = array<i32>} : memref<128x128xf32, #tpu.memory_space<vmem>>, vector<1x16xf32>,
      %swap3A_151 = vector.shape_cast %swap3A_150 : vector<1x16xf32> to vector<16xf32>
      %swap3A_152 = vector.shape_cast %broadcast_in_dim3A_147 : vector<16xf32> to vector<1x16xf32>
      tpu.vector_store %arg15[%swap3A_148, %swap3A_149], %swap3A_152 {strides = array<i32>} : memref<128x128xf32, #tpu.memory_space<vmem>>, vector<1x16xf32>,
      %broadcast_in_dim3A_153 = arith.constant 0.000000e+00 : f32
      %broadcast_in_dim3A_154 = vector.broadcast %broadcast_in_dim3A_153 : f32 to vector<16xf32>
      %swap3A_155 = arith.index_cast %scan3A_112 : i32 to index
      %swap3A_156 = arith.constant 96 : index
      %swap3A_157 = tpu.vector_load %arg15[%swap3A_155, %swap3A_156] {strides = array<i32>} : memref<128x128xf32, #tpu.memory_space<vmem>>, vector<1x16xf32>,
      %swap3A_158 = vector.shape_cast %swap3A_157 : vector<1x16xf32> to vector<16xf32>
      %swap3A_159 = vector.shape_cast %broadcast_in_dim3A_154 : vector<16xf32> to vector<1x16xf32>
      tpu.vector_store %arg15[%swap3A_155, %swap3A_156], %swap3A_159 {strides = array<i32>} : memref<128x128xf32, #tpu.memory_space<vmem>>, vector<1x16xf32>,
      %broadcast_in_dim3A_160 = arith.constant 0.000000e+00 : f32
      %broadcast_in_dim3A_161 = vector.broadcast %broadcast_in_dim3A_160 : f32 to vector<16xf32>
      %swap3A_162 = arith.index_cast %scan3A_112 : i32 to index
      %swap3A_163 = arith.constant 112 : index
      %swap3A_164 = tpu.vector_load %arg15[%swap3A_162, %swap3A_163] {strides = array<i32>} : memref<128x128xf32, #tpu.memory_space<vmem>>, vector<1x16xf32>,
      %swap3A_165 = vector.shape_cast %swap3A_164 : vector<1x16xf32> to vector<16xf32>
      %swap3A_166 = vector.shape_cast %broadcast_in_dim3A_161 : vector<16xf32> to vector<1x16xf32>
      tpu.vector_store %arg15[%swap3A_162, %swap3A_163], %swap3A_166 {strides = array<i32>} : memref<128x128xf32, #tpu.memory_space<vmem>>, vector<1x16xf32>,
    }
    %scan3A_4 = arith.constant 128 : i32
    %scan3A_5 = arith.constant 0 : i32
    %scan3A_6 = arith.constant 0 : i32
    %scan3A_7 = arith.constant 128 : i32
    %scan3A_8 = arith.addi %scan3A_6, %scan3A_7 : i32
    %scan3A_9 = arith.constant 1 : i32
    scf.for %scan3A_112 = %scan3A_6 to %scan3A_8 step %scan3A_9  : i32 {
      %broadcast_in_dim3A = arith.constant 1.000000e+00 : f32
      %broadcast_in_dim3A_113 = vector.broadcast %broadcast_in_dim3A : f32 to vector<16xf32>
      %swap3A = arith.index_cast %scan3A_112 : i32 to index
      %swap3A_114 = arith.constant 0 : index
      %swap3A_115 = tpu.vector_load %arg16[%swap3A, %swap3A_114] {strides = array<i32>} : memref<128x128xf32, #tpu.memory_space<vmem>>, vector<1x16xf32>,
      %swap3A_116 = vector.shape_cast %swap3A_115 : vector<1x16xf32> to vector<16xf32>
      %swap3A_117 = vector.shape_cast %broadcast_in_dim3A_113 : vector<16xf32> to vector<1x16xf32>
      tpu.vector_store %arg16[%swap3A, %swap3A_114], %swap3A_117 {strides = array<i32>} : memref<128x128xf32, #tpu.memory_space<vmem>>, vector<1x16xf32>,
      %broadcast_in_dim3A_118 = arith.constant 1.000000e+00 : f32
      %broadcast_in_dim3A_119 = vector.broadcast %broadcast_in_dim3A_118 : f32 to vector<16xf32>
      %swap3A_120 = arith.index_cast %scan3A_112 : i32 to index
      %swap3A_121 = arith.constant 16 : index
      %swap3A_122 = tpu.vector_load %arg16[%swap3A_120, %swap3A_121] {strides = array<i32>} : memref<128x128xf32, #tpu.memory_space<vmem>>, vector<1x16xf32>,
      %swap3A_123 = vector.shape_cast %swap3A_122 : vector<1x16xf32> to vector<16xf32>
      %swap3A_124 = vector.shape_cast %broadcast_in_dim3A_119 : vector<16xf32> to vector<1x16xf32>
      tpu.vector_store %arg16[%swap3A_120, %swap3A_121], %swap3A_124 {strides = array<i32>} : memref<128x128xf32, #tpu.memory_space<vmem>>, vector<1x16xf32>,
      %broadcast_in_dim3A_125 = arith.constant 1.000000e+00 : f32
      %broadcast_in_dim3A_126 = vector.broadcast %broadcast_in_dim3A_125 : f32 to vector<16xf32>
      %swap3A_127 = arith.index_cast %scan3A_112 : i32 to index
      %swap3A_128 = arith.constant 32 : index
      %swap3A_129 = tpu.vector_load %arg16[%swap3A_127, %swap3A_128] {strides = array<i32>} : memref<128x128xf32, #tpu.memory_space<vmem>>, vector<1x16xf32>,
      %swap3A_130 = vector.shape_cast %swap3A_129 : vector<1x16xf32> to vector<16xf32>
      %swap3A_131 = vector.shape_cast %broadcast_in_dim3A_126 : vector<16xf32> to vector<1x16xf32>
      tpu.vector_store %arg16[%swap3A_127, %swap3A_128], %swap3A_131 {strides = array<i32>} : memref<128x128xf32, #tpu.memory_space<vmem>>, vector<1x16xf32>,
      %broadcast_in_dim3A_132 = arith.constant 1.000000e+00 : f32
      %broadcast_in_dim3A_133 = vector.broadcast %broadcast_in_dim3A_132 : f32 to vector<16xf32>
      %swap3A_134 = arith.index_cast %scan3A_112 : i32 to index
      %swap3A_135 = arith.constant 48 : index
      %swap3A_136 = tpu.vector_load %arg16[%swap3A_134, %swap3A_135] {strides = array<i32>} : memref<128x128xf32, #tpu.memory_space<vmem>>, vector<1x16xf32>,
      %swap3A_137 = vector.shape_cast %swap3A_136 : vector<1x16xf32> to vector<16xf32>
      %swap3A_138 = vector.shape_cast %broadcast_in_dim3A_133 : vector<16xf32> to vector<1x16xf32>
      tpu.vector_store %arg16[%swap3A_134, %swap3A_135], %swap3A_138 {strides = array<i32>} : memref<128x128xf32, #tpu.memory_space<vmem>>, vector<1x16xf32>,
      %broadcast_in_dim3A_139 = arith.constant 1.000000e+00 : f32
      %broadcast_in_dim3A_140 = vector.broadcast %broadcast_in_dim3A_139 : f32 to vector<16xf32>
      %swap3A_141 = arith.index_cast %scan3A_112 : i32 to index
      %swap3A_142 = arith.constant 64 : index
      %swap3A_143 = tpu.vector_load %arg16[%swap3A_141, %swap3A_142] {strides = array<i32>} : memref<128x128xf32, #tpu.memory_space<vmem>>, vector<1x16xf32>,
      %swap3A_144 = vector.shape_cast %swap3A_143 : vector<1x16xf32> to vector<16xf32>
      %swap3A_145 = vector.shape_cast %broadcast_in_dim3A_140 : vector<16xf32> to vector<1x16xf32>
      tpu.vector_store %arg16[%swap3A_141, %swap3A_142], %swap3A_145 {strides = array<i32>} : memref<128x128xf32, #tpu.memory_space<vmem>>, vector<1x16xf32>,
      %broadcast_in_dim3A_146 = arith.constant 1.000000e+00 : f32
      %broadcast_in_dim3A_147 = vector.broadcast %broadcast_in_dim3A_146 : f32 to vector<16xf32>
      %swap3A_148 = arith.index_cast %scan3A_112 : i32 to index
      %swap3A_149 = arith.constant 80 : index
      %swap3A_150 = tpu.vector_load %arg16[%swap3A_148, %swap3A_149] {strides = array<i32>} : memref<128x128xf32, #tpu.memory_space<vmem>>, vector<1x16xf32>,
      %swap3A_151 = vector.shape_cast %swap3A_150 : vector<1x16xf32> to vector<16xf32>
      %swap3A_152 = vector.shape_cast %broadcast_in_dim3A_147 : vector<16xf32> to vector<1x16xf32>
      tpu.vector_store %arg16[%swap3A_148, %swap3A_149], %swap3A_152 {strides = array<i32>} : memref<128x128xf32, #tpu.memory_space<vmem>>, vector<1x16xf32>,
      %broadcast_in_dim3A_153 = arith.constant 1.000000e+00 : f32
      %broadcast_in_dim3A_154 = vector.broadcast %broadcast_in_dim3A_153 : f32 to vector<16xf32>
      %swap3A_155 = arith.index_cast %scan3A_112 : i32 to index
      %swap3A_156 = arith.constant 96 : index
      %swap3A_157 = tpu.vector_load %arg16[%swap3A_155, %swap3A_156] {strides = array<i32>} : memref<128x128xf32, #tpu.memory_space<vmem>>, vector<1x16xf32>,
      %swap3A_158 = vector.shape_cast %swap3A_157 : vector<1x16xf32> to vector<16xf32>
      %swap3A_159 = vector.shape_cast %broadcast_in_dim3A_154 : vector<16xf32> to vector<1x16xf32>
      tpu.vector_store %arg16[%swap3A_155, %swap3A_156], %swap3A_159 {strides = array<i32>} : memref<128x128xf32, #tpu.memory_space<vmem>>, vector<1x16xf32>,
      %broadcast_in_dim3A_160 = arith.constant 1.000000e+00 : f32
      %broadcast_in_dim3A_161 = vector.broadcast %broadcast_in_dim3A_160 : f32 to vector<16xf32>
      %swap3A_162 = arith.index_cast %scan3A_112 : i32 to index
      %swap3A_163 = arith.constant 112 : index
      %swap3A_164 = tpu.vector_load %arg16[%swap3A_162, %swap3A_163] {strides = array<i32>} : memref<128x128xf32, #tpu.memory_space<vmem>>, vector<1x16xf32>,
      %swap3A_165 = vector.shape_cast %swap3A_164 : vector<1x16xf32> to vector<16xf32>
      %swap3A_166 = vector.shape_cast %broadcast_in_dim3A_161 : vector<16xf32> to vector<1x16xf32>
      tpu.vector_store %arg16[%swap3A_162, %swap3A_163], %swap3A_166 {strides = array<i32>} : memref<128x128xf32, #tpu.memory_space<vmem>>, vector<1x16xf32>,
    }
    %scan3A_10 = arith.constant 128 : i32
    %scan3A_11 = arith.constant 0 : i32
    %scan3A_12 = arith.constant 0 : i32
    %scan3A_13 = arith.constant 4 : i32
    %scan3A_14 = arith.addi %scan3A_12, %scan3A_13 : i32
    %scan3A_15 = arith.constant 1 : i32
    scf.for %scan3A_112 = %scan3A_12 to %scan3A_14 step %scan3A_15  : i32 {
      %mul3A_113 = arith.constant 632 : i32
      %mul3A_114 = arith.muli %arg1, %mul3A_113 : i32
      %mul3A_115 = arith.constant 128 : i32
      %mul3A_116 = arith.muli %scan3A_112, %mul3A_115 : i32
      %add3A_117 = arith.addi %mul3A_114, %mul3A_116 : i32
      %multiple_of3A_118 = tpu.assume_multiple %add3A_117, 8 : i32
      "tpu.region"() ({
        %run_scoped3A = tpu.sem_alloc : memref<!tpu.dma_semaphore, #tpu.memory_space<semaphore_mem>>
        %dma_start3A = arith.constant 0 : i32
        %dma_start3A_119 = tpu.memref_slice %arg17[%multiple_of3A_118, %dma_start3A] : memref<10112x128xf32, #tpu.memory_space<vmem_shared>> -> memref<128x128xf32, #tpu.memory_space<vmem_shared>>
        %dma_start3A_120 = arith.constant 0 : i32
        %dma_start3A_121 = tpu.memref_slice %arg17[%multiple_of3A_118, %dma_start3A_120] : memref<10112x128xf32, #tpu.memory_space<vmem_shared>> -> memref<128x128xf32, #tpu.memory_space<vmem_shared>>
        tpu.enqueue_dma source(%arg15 : memref<128x128xf32, #tpu.memory_space<vmem>>) target(%dma_start3A_121 : memref<128x128xf32, #tpu.memory_space<vmem_shared>>) target_semaphore(%run_scoped3A : memref<!tpu.dma_semaphore, #tpu.memory_space<semaphore_mem>>)
        %dma_wait3A = arith.constant 0 : i32
        %dma_wait3A_122 = tpu.memref_slice %arg17[%multiple_of3A_118, %dma_wait3A] : memref<10112x128xf32, #tpu.memory_space<vmem_shared>> -> memref<128x128xf32, #tpu.memory_space<vmem_shared>>
        %dma_wait3A_123 = arith.constant 0 : i32
        %dma_wait3A_124 = tpu.memref_slice %arg17[%multiple_of3A_118, %dma_wait3A_123] : memref<10112x128xf32, #tpu.memory_space<vmem_shared>> -> memref<128x128xf32, #tpu.memory_space<vmem_shared>>
        tpu.wait_dma2 semaphore(%run_scoped3A : memref<!tpu.dma_semaphore, #tpu.memory_space<semaphore_mem>>) src(%arg15 : memref<128x128xf32, #tpu.memory_space<vmem>>) dst(%dma_wait3A_124 : memref<128x128xf32, #tpu.memory_space<vmem_shared>>)
        tpu.yield
      }) : () -> ()
    }
    %scan3A_16 = arith.constant 4 : i32
    %mul3A = arith.constant 632 : i32
    %mul3A_17 = arith.muli %arg1, %mul3A : i32
    %add3A = arith.constant 512 : i32
    %add3A_18 = arith.addi %mul3A_17, %add3A : i32
    %multiple_of3A = tpu.assume_multiple %add3A_18, 8 : i32
    "tpu.region"() ({
      %run_scoped3A = tpu.sem_alloc : memref<!tpu.dma_semaphore, #tpu.memory_space<semaphore_mem>>
      %dma_start3A = arith.constant 0 : i32
      %dma_start3A_112 = arith.constant 0 : i32
      %dma_start3A_113 = tpu.memref_slice %arg15[%dma_start3A, %dma_start3A_112] : memref<128x128xf32, #tpu.memory_space<vmem>> -> memref<120x128xf32, #tpu.memory_space<vmem>>
      %dma_start3A_114 = arith.constant 0 : i32
      %dma_start3A_115 = tpu.memref_slice %arg17[%multiple_of3A, %dma_start3A_114] : memref<10112x128xf32, #tpu.memory_space<vmem_shared>> -> memref<120x128xf32, #tpu.memory_space<vmem_shared>>
      %dma_start3A_116 = arith.constant 0 : i32
      %dma_start3A_117 = tpu.memref_slice %arg17[%multiple_of3A, %dma_start3A_116] : memref<10112x128xf32, #tpu.memory_space<vmem_shared>> -> memref<120x128xf32, #tpu.memory_space<vmem_shared>>
      %dma_start3A_118 = arith.constant 0 : i32
      %dma_start3A_119 = arith.constant 0 : i32
      %dma_start3A_120 = tpu.memref_slice %arg15[%dma_start3A_118, %dma_start3A_119] : memref<128x128xf32, #tpu.memory_space<vmem>> -> memref<120x128xf32, #tpu.memory_space<vmem>>
      tpu.enqueue_dma source(%dma_start3A_120 : memref<120x128xf32, #tpu.memory_space<vmem>>) target(%dma_start3A_117 : memref<120x128xf32, #tpu.memory_space<vmem_shared>>) target_semaphore(%run_scoped3A : memref<!tpu.dma_semaphore, #tpu.memory_space<semaphore_mem>>)
      %dma_wait3A = arith.constant 0 : i32
      %dma_wait3A_121 = arith.constant 0 : i32
      %dma_wait3A_122 = tpu.memref_slice %arg15[%dma_wait3A, %dma_wait3A_121] : memref<128x128xf32, #tpu.memory_space<vmem>> -> memref<120x128xf32, #tpu.memory_space<vmem>>
      %dma_wait3A_123 = arith.constant 0 : i32
      %dma_wait3A_124 = tpu.memref_slice %arg17[%multiple_of3A, %dma_wait3A_123] : memref<10112x128xf32, #tpu.memory_space<vmem_shared>> -> memref<120x128xf32, #tpu.memory_space<vmem_shared>>
      %dma_wait3A_125 = arith.constant 0 : i32
      %dma_wait3A_126 = tpu.memref_slice %arg17[%multiple_of3A, %dma_wait3A_125] : memref<10112x128xf32, #tpu.memory_space<vmem_shared>> -> memref<120x128xf32, #tpu.memory_space<vmem_shared>>
      %dma_wait3A_127 = arith.constant 0 : i32
      %dma_wait3A_128 = arith.constant 0 : i32
      %dma_wait3A_129 = tpu.memref_slice %arg15[%dma_wait3A_127, %dma_wait3A_128] : memref<128x128xf32, #tpu.memory_space<vmem>> -> memref<120x128xf32, #tpu.memory_space<vmem>>
      tpu.wait_dma2 semaphore(%run_scoped3A : memref<!tpu.dma_semaphore, #tpu.memory_space<semaphore_mem>>) src(%dma_wait3A_129 : memref<120x128xf32, #tpu.memory_space<vmem>>) dst(%dma_wait3A_126 : memref<120x128xf32, #tpu.memory_space<vmem_shared>>)
      tpu.yield
    }) : () -> ()
    %barrier3A = arith.constant 0 : index
    tpu.barrier barrier_id(%barrier3A)
    %mul3A_19 = arith.constant 200704 : i32
    %mul3A_20 = arith.muli %arg0, %mul3A_19 : i32
    %mul3A_21 = arith.constant 12544 : i32
    %mul3A_22 = arith.muli %arg1, %mul3A_21 : i32
    %add3A_23 = arith.addi %mul3A_20, %mul3A_22 : i32
    %mul3A_24 = arith.constant 12544 : i32
    %mul3A_25 = arith.muli %arg1, %mul3A_24 : i32
    %scan3A_26 = arith.constant 0 : i32
    %scan3A_27 = arith.constant 0 : i32
    %scan3A_28 = arith.constant 98 : i32
    %scan3A_29 = arith.addi %scan3A_27, %scan3A_28 : i32
    %scan3A_30 = arith.constant 1 : i32
    scf.for %scan3A_112 = %scan3A_27 to %scan3A_29 step %scan3A_30  : i32 {
      %mul3A_113 = arith.constant 128 : i32
      %mul3A_114 = arith.muli %scan3A_112, %mul3A_113 : i32
      %add3A_115 = arith.addi %add3A_23, %mul3A_114 : i32
      %multiple_of3A_116 = tpu.assume_multiple %add3A_115, 128 : i32
      %mul3A_117 = arith.constant 128 : i32
      %mul3A_118 = arith.muli %scan3A_112, %mul3A_117 : i32
      %add3A_119 = arith.addi %mul3A_25, %mul3A_118 : i32
      %multiple_of3A_120 = tpu.assume_multiple %add3A_119, 128 : i32
      "tpu.region"() ({
        %run_scoped3A = tpu.sem_alloc : memref<!tpu.dma_semaphore, #tpu.memory_space<semaphore_mem>>
        %dma_start3A_125 = tpu.memref_slice %arg4[%multiple_of3A_116] : memref<401408xi32, #tpu.memory_space<hbm>> -> memref<128xi32, #tpu.memory_space<hbm>>
        %dma_start3A_126 = tpu.memref_slice %arg4[%multiple_of3A_116] : memref<401408xi32, #tpu.memory_space<hbm>> -> memref<128xi32, #tpu.memory_space<hbm>>
        tpu.enqueue_dma source(%dma_start3A_126 : memref<128xi32, #tpu.memory_space<hbm>>) target(%arg12 : memref<128xi32, #tpu.memory_space<vmem>>) target_semaphore(%run_scoped3A : memref<!tpu.dma_semaphore, #tpu.memory_space<semaphore_mem>>)
        %dma_wait3A_127 = tpu.memref_slice %arg4[%multiple_of3A_116] : memref<401408xi32, #tpu.memory_space<hbm>> -> memref<128xi32, #tpu.memory_space<hbm>>
        %dma_wait3A_128 = tpu.memref_slice %arg4[%multiple_of3A_116] : memref<401408xi32, #tpu.memory_space<hbm>> -> memref<128xi32, #tpu.memory_space<hbm>>
        tpu.wait_dma2 semaphore(%run_scoped3A : memref<!tpu.dma_semaphore, #tpu.memory_space<semaphore_mem>>) src(%dma_wait3A_128 : memref<128xi32, #tpu.memory_space<hbm>>) dst(%arg12 : memref<128xi32, #tpu.memory_space<vmem>>)
        tpu.yield
      }) : () -> ()
      "tpu.region"() ({
        %run_scoped3A = tpu.sem_alloc : memref<!tpu.dma_semaphore, #tpu.memory_space<semaphore_mem>>
        %dma_start3A_125 = tpu.memref_slice %arg5[%multiple_of3A_120] : memref<200704xi32, #tpu.memory_space<hbm>> -> memref<128xi32, #tpu.memory_space<hbm>>
        %dma_start3A_126 = tpu.memref_slice %arg5[%multiple_of3A_120] : memref<200704xi32, #tpu.memory_space<hbm>> -> memref<128xi32, #tpu.memory_space<hbm>>
        tpu.enqueue_dma source(%dma_start3A_126 : memref<128xi32, #tpu.memory_space<hbm>>) target(%arg13 : memref<128xi32, #tpu.memory_space<vmem>>) target_semaphore(%run_scoped3A : memref<!tpu.dma_semaphore, #tpu.memory_space<semaphore_mem>>)
        %dma_wait3A_127 = tpu.memref_slice %arg5[%multiple_of3A_120] : memref<200704xi32, #tpu.memory_space<hbm>> -> memref<128xi32, #tpu.memory_space<hbm>>
        %dma_wait3A_128 = tpu.memref_slice %arg5[%multiple_of3A_120] : memref<200704xi32, #tpu.memory_space<hbm>> -> memref<128xi32, #tpu.memory_space<hbm>>
        tpu.wait_dma2 semaphore(%run_scoped3A : memref<!tpu.dma_semaphore, #tpu.memory_space<semaphore_mem>>) src(%dma_wait3A_128 : memref<128xi32, #tpu.memory_space<hbm>>) dst(%arg13 : memref<128xi32, #tpu.memory_space<vmem>>)
        tpu.yield
      }) : () -> ()
      %dma_start3A = arith.constant 0 : i32
      %dma_start3A_121 = arith.constant 0 : i32
      %dma_start3A_122 = tpu.memref_slice %arg2[%dma_start3A, %dma_start3A_121] : memref<20000x128xf32, #tpu.memory_space<hbm>> -> memref<20000x128xf32, #tpu.memory_space<hbm>>
      tpu.enqueue_indirect_dma source(%dma_start3A_122 : memref<20000x128xf32, #tpu.memory_space<hbm>>) target(%arg14 : memref<128x128xf32, #tpu.memory_space<vmem>>) offsets(%arg12 : memref<128xi32, #tpu.memory_space<vmem>>) semaphore(%arg18 : memref<!tpu.dma_semaphore, #tpu.memory_space<semaphore_mem>>)
      %dma_wait3A = arith.constant 0 : i32
      %dma_wait3A_123 = arith.constant 0 : i32
      %dma_wait3A_124 = tpu.memref_slice %arg2[%dma_wait3A, %dma_wait3A_123] : memref<20000x128xf32, #tpu.memory_space<hbm>> -> memref<20000x128xf32, #tpu.memory_space<hbm>>
      tpu.wait_indirect_dma semaphore(%arg18 : memref<!tpu.dma_semaphore, #tpu.memory_space<semaphore_mem>>) src(%dma_wait3A_124 : memref<20000x128xf32, #tpu.memory_space<hbm>>) dst(%arg14 : memref<128x128xf32, #tpu.memory_space<vmem>>)
      "tpu.region"() ({
        %run_scoped3A = tpu.sem_alloc : memref<!tpu.dma_semaphore, #tpu.memory_space<semaphore_mem>>
        %dma_start3A_125 = arith.constant 0 : i32
        %dma_start3A_126 = arith.constant 0 : i32
        %dma_start3A_127 = tpu.memref_slice %arg17[%dma_start3A_125, %dma_start3A_126] : memref<10112x128xf32, #tpu.memory_space<vmem_shared>> -> memref<10112x128xf32, #tpu.memory_space<vmem_shared>>
        tpu.enqueue_indirect_dma source(%arg14 : memref<128x128xf32, #tpu.memory_space<vmem>>) target(%dma_start3A_127 : memref<10112x128xf32, #tpu.memory_space<vmem_shared>>) offsets(%arg13 : memref<128xi32, #tpu.memory_space<vmem>>) semaphore(%run_scoped3A : memref<!tpu.dma_semaphore, #tpu.memory_space<semaphore_mem>>) {add = true}
        %dma_wait3A_128 = arith.constant 0 : i32
        %dma_wait3A_129 = arith.constant 0 : i32
        %dma_wait3A_130 = tpu.memref_slice %arg17[%dma_wait3A_128, %dma_wait3A_129] : memref<10112x128xf32, #tpu.memory_space<vmem_shared>> -> memref<10112x128xf32, #tpu.memory_space<vmem_shared>>
        tpu.wait_indirect_dma semaphore(%run_scoped3A : memref<!tpu.dma_semaphore, #tpu.memory_space<semaphore_mem>>) src(%arg14 : memref<128x128xf32, #tpu.memory_space<vmem>>) dst(%dma_wait3A_130 : memref<10112x128xf32, #tpu.memory_space<vmem_shared>>)
        tpu.yield
      }) : () -> ()
    }
    %scan3A_31 = arith.constant 98 : i32
    %barrier3A_32 = arith.constant 0 : index
    tpu.barrier barrier_id(%barrier3A_32)
    %mul3A_33 = arith.constant 632 : i32
    %mul3A_34 = arith.muli %arg1, %mul3A_33 : i32
    %multiple_of3A_35 = tpu.assume_multiple %mul3A_34, 8 : i32
    %mul3A_36 = arith.constant 10112 : i32
    %mul3A_37 = arith.muli %arg0, %mul3A_36 : i32
    %mul3A_38 = arith.constant 632 : i32
    %mul3A_39 = arith.muli %arg1, %mul3A_38 : i32
    %add3A_40 = arith.addi %mul3A_37, %mul3A_39 : i32
    %multiple_of3A_41 = tpu.assume_multiple %add3A_40, 8 : i32
    "tpu.region"() ({
      %run_scoped3A = tpu.sem_alloc : memref<!tpu.dma_semaphore, #tpu.memory_space<semaphore_mem>>
      %dma_start3A = arith.constant 0 : i32
      %dma_start3A_112 = tpu.memref_slice %arg9[%multiple_of3A_41, %dma_start3A] : memref<20224x128xf32, #tpu.memory_space<hbm>> -> memref<632x128xf32, #tpu.memory_space<hbm>>
      %dma_start3A_113 = arith.constant 0 : i32
      %dma_start3A_114 = tpu.memref_slice %arg17[%multiple_of3A_35, %dma_start3A_113] : memref<10112x128xf32, #tpu.memory_space<vmem_shared>> -> memref<632x128xf32, #tpu.memory_space<vmem_shared>>
      tpu.enqueue_dma source(%dma_start3A_114 : memref<632x128xf32, #tpu.memory_space<vmem_shared>>) target(%dma_start3A_112 : memref<632x128xf32, #tpu.memory_space<hbm>>) target_semaphore(%run_scoped3A : memref<!tpu.dma_semaphore, #tpu.memory_space<semaphore_mem>>)
      %dma_wait3A = arith.constant 0 : i32
      %dma_wait3A_115 = tpu.memref_slice %arg9[%multiple_of3A_41, %dma_wait3A] : memref<20224x128xf32, #tpu.memory_space<hbm>> -> memref<632x128xf32, #tpu.memory_space<hbm>>
      %dma_wait3A_116 = arith.constant 0 : i32
      %dma_wait3A_117 = tpu.memref_slice %arg17[%multiple_of3A_35, %dma_wait3A_116] : memref<10112x128xf32, #tpu.memory_space<vmem_shared>> -> memref<632x128xf32, #tpu.memory_space<vmem_shared>>
      tpu.wait_dma2 semaphore(%run_scoped3A : memref<!tpu.dma_semaphore, #tpu.memory_space<semaphore_mem>>) src(%dma_wait3A_117 : memref<632x128xf32, #tpu.memory_space<vmem_shared>>) dst(%dma_wait3A_115 : memref<632x128xf32, #tpu.memory_space<hbm>>)
      tpu.yield
    }) : () -> ()
    %barrier3A_42 = arith.constant 0 : index
    tpu.barrier barrier_id(%barrier3A_42)
    %scan3A_43 = arith.constant 0 : i32
    %scan3A_44 = arith.constant 0 : i32
    %scan3A_45 = arith.constant 4 : i32
    %scan3A_46 = arith.addi %scan3A_44, %scan3A_45 : i32
    %scan3A_47 = arith.constant 1 : i32
    scf.for %scan3A_112 = %scan3A_44 to %scan3A_46 step %scan3A_47  : i32 {
      %mul3A_113 = arith.constant 632 : i32
      %mul3A_114 = arith.muli %arg1, %mul3A_113 : i32
      %mul3A_115 = arith.constant 128 : i32
      %mul3A_116 = arith.muli %scan3A_112, %mul3A_115 : i32
      %add3A_117 = arith.addi %mul3A_114, %mul3A_116 : i32
      %multiple_of3A_118 = tpu.assume_multiple %add3A_117, 8 : i32
      "tpu.region"() ({
        %run_scoped3A = tpu.sem_alloc : memref<!tpu.dma_semaphore, #tpu.memory_space<semaphore_mem>>
        %dma_start3A = arith.constant 0 : i32
        %dma_start3A_119 = tpu.memref_slice %arg17[%multiple_of3A_118, %dma_start3A] : memref<10112x128xf32, #tpu.memory_space<vmem_shared>> -> memref<128x128xf32, #tpu.memory_space<vmem_shared>>
        %dma_start3A_120 = arith.constant 0 : i32
        %dma_start3A_121 = tpu.memref_slice %arg17[%multiple_of3A_118, %dma_start3A_120] : memref<10112x128xf32, #tpu.memory_space<vmem_shared>> -> memref<128x128xf32, #tpu.memory_space<vmem_shared>>
        tpu.enqueue_dma source(%arg15 : memref<128x128xf32, #tpu.memory_space<vmem>>) target(%dma_start3A_121 : memref<128x128xf32, #tpu.memory_space<vmem_shared>>) target_semaphore(%run_scoped3A : memref<!tpu.dma_semaphore, #tpu.memory_space<semaphore_mem>>)
        %dma_wait3A = arith.constant 0 : i32
        %dma_wait3A_122 = tpu.memref_slice %arg17[%multiple_of3A_118, %dma_wait3A] : memref<10112x128xf32, #tpu.memory_space<vmem_shared>> -> memref<128x128xf32, #tpu.memory_space<vmem_shared>>
        %dma_wait3A_123 = arith.constant 0 : i32
        %dma_wait3A_124 = tpu.memref_slice %arg17[%multiple_of3A_118, %dma_wait3A_123] : memref<10112x128xf32, #tpu.memory_space<vmem_shared>> -> memref<128x128xf32, #tpu.memory_space<vmem_shared>>
        tpu.wait_dma2 semaphore(%run_scoped3A : memref<!tpu.dma_semaphore, #tpu.memory_space<semaphore_mem>>) src(%arg15 : memref<128x128xf32, #tpu.memory_space<vmem>>) dst(%dma_wait3A_124 : memref<128x128xf32, #tpu.memory_space<vmem_shared>>)
        tpu.yield
      }) : () -> ()
    }
    %scan3A_48 = arith.constant 4 : i32
    %mul3A_49 = arith.constant 632 : i32
    %mul3A_50 = arith.muli %arg1, %mul3A_49 : i32
    %add3A_51 = arith.constant 512 : i32
    %add3A_52 = arith.addi %mul3A_50, %add3A_51 : i32
    %multiple_of3A_53 = tpu.assume_multiple %add3A_52, 8 : i32
    "tpu.region"() ({
      %run_scoped3A = tpu.sem_alloc : memref<!tpu.dma_semaphore, #tpu.memory_space<semaphore_mem>>
      %dma_start3A = arith.constant 0 : i32
      %dma_start3A_112 = arith.constant 0 : i32
      %dma_start3A_113 = tpu.memref_slice %arg15[%dma_start3A, %dma_start3A_112] : memref<128x128xf32, #tpu.memory_space<vmem>> -> memref<120x128xf32, #tpu.memory_space<vmem>>
      %dma_start3A_114 = arith.constant 0 : i32
      %dma_start3A_115 = tpu.memref_slice %arg17[%multiple_of3A_53, %dma_start3A_114] : memref<10112x128xf32, #tpu.memory_space<vmem_shared>> -> memref<120x128xf32, #tpu.memory_space<vmem_shared>>
      %dma_start3A_116 = arith.constant 0 : i32
      %dma_start3A_117 = tpu.memref_slice %arg17[%multiple_of3A_53, %dma_start3A_116] : memref<10112x128xf32, #tpu.memory_space<vmem_shared>> -> memref<120x128xf32, #tpu.memory_space<vmem_shared>>
      %dma_start3A_118 = arith.constant 0 : i32
      %dma_start3A_119 = arith.constant 0 : i32
      %dma_start3A_120 = tpu.memref_slice %arg15[%dma_start3A_118, %dma_start3A_119] : memref<128x128xf32, #tpu.memory_space<vmem>> -> memref<120x128xf32, #tpu.memory_space<vmem>>
      tpu.enqueue_dma source(%dma_start3A_120 : memref<120x128xf32, #tpu.memory_space<vmem>>) target(%dma_start3A_117 : memref<120x128xf32, #tpu.memory_space<vmem_shared>>) target_semaphore(%run_scoped3A : memref<!tpu.dma_semaphore, #tpu.memory_space<semaphore_mem>>)
      %dma_wait3A = arith.constant 0 : i32
      %dma_wait3A_121 = arith.constant 0 : i32
      %dma_wait3A_122 = tpu.memref_slice %arg15[%dma_wait3A, %dma_wait3A_121] : memref<128x128xf32, #tpu.memory_space<vmem>> -> memref<120x128xf32, #tpu.memory_space<vmem>>
      %dma_wait3A_123 = arith.constant 0 : i32
      %dma_wait3A_124 = tpu.memref_slice %arg17[%multiple_of3A_53, %dma_wait3A_123] : memref<10112x128xf32, #tpu.memory_space<vmem_shared>> -> memref<120x128xf32, #tpu.memory_space<vmem_shared>>
      %dma_wait3A_125 = arith.constant 0 : i32
      %dma_wait3A_126 = tpu.memref_slice %arg17[%multiple_of3A_53, %dma_wait3A_125] : memref<10112x128xf32, #tpu.memory_space<vmem_shared>> -> memref<120x128xf32, #tpu.memory_space<vmem_shared>>
      %dma_wait3A_127 = arith.constant 0 : i32
      %dma_wait3A_128 = arith.constant 0 : i32
      %dma_wait3A_129 = tpu.memref_slice %arg15[%dma_wait3A_127, %dma_wait3A_128] : memref<128x128xf32, #tpu.memory_space<vmem>> -> memref<120x128xf32, #tpu.memory_space<vmem>>
      tpu.wait_dma2 semaphore(%run_scoped3A : memref<!tpu.dma_semaphore, #tpu.memory_space<semaphore_mem>>) src(%dma_wait3A_129 : memref<120x128xf32, #tpu.memory_space<vmem>>) dst(%dma_wait3A_126 : memref<120x128xf32, #tpu.memory_space<vmem_shared>>)
      tpu.yield
    }) : () -> ()
    %barrier3A_54 = arith.constant 0 : index
    tpu.barrier barrier_id(%barrier3A_54)
    %mul3A_55 = arith.constant 200704 : i32
    %mul3A_56 = arith.muli %arg0, %mul3A_55 : i32
    %mul3A_57 = arith.constant 12544 : i32
    %mul3A_58 = arith.muli %arg1, %mul3A_57 : i32
    %add3A_59 = arith.addi %mul3A_56, %mul3A_58 : i32
    %mul3A_60 = arith.constant 12544 : i32
    %mul3A_61 = arith.muli %arg1, %mul3A_60 : i32
    %scan3A_62 = arith.constant 0 : i32
    %scan3A_63 = arith.constant 0 : i32
    %scan3A_64 = arith.constant 98 : i32
    %scan3A_65 = arith.addi %scan3A_63, %scan3A_64 : i32
    %scan3A_66 = arith.constant 1 : i32
    scf.for %scan3A_112 = %scan3A_63 to %scan3A_65 step %scan3A_66  : i32 {
      %mul3A_113 = arith.constant 128 : i32
      %mul3A_114 = arith.muli %scan3A_112, %mul3A_113 : i32
      %add3A_115 = arith.addi %add3A_59, %mul3A_114 : i32
      %multiple_of3A_116 = tpu.assume_multiple %add3A_115, 128 : i32
      %mul3A_117 = arith.constant 128 : i32
      %mul3A_118 = arith.muli %scan3A_112, %mul3A_117 : i32
      %add3A_119 = arith.addi %mul3A_61, %mul3A_118 : i32
      %multiple_of3A_120 = tpu.assume_multiple %add3A_119, 128 : i32
      "tpu.region"() ({
        %run_scoped3A = tpu.sem_alloc : memref<!tpu.dma_semaphore, #tpu.memory_space<semaphore_mem>>
        %dma_start3A_125 = tpu.memref_slice %arg6[%multiple_of3A_116] : memref<401408xi32, #tpu.memory_space<hbm>> -> memref<128xi32, #tpu.memory_space<hbm>>
        %dma_start3A_126 = tpu.memref_slice %arg6[%multiple_of3A_116] : memref<401408xi32, #tpu.memory_space<hbm>> -> memref<128xi32, #tpu.memory_space<hbm>>
        tpu.enqueue_dma source(%dma_start3A_126 : memref<128xi32, #tpu.memory_space<hbm>>) target(%arg12 : memref<128xi32, #tpu.memory_space<vmem>>) target_semaphore(%run_scoped3A : memref<!tpu.dma_semaphore, #tpu.memory_space<semaphore_mem>>)
        %dma_wait3A_127 = tpu.memref_slice %arg6[%multiple_of3A_116] : memref<401408xi32, #tpu.memory_space<hbm>> -> memref<128xi32, #tpu.memory_space<hbm>>
        %dma_wait3A_128 = tpu.memref_slice %arg6[%multiple_of3A_116] : memref<401408xi32, #tpu.memory_space<hbm>> -> memref<128xi32, #tpu.memory_space<hbm>>
        tpu.wait_dma2 semaphore(%run_scoped3A : memref<!tpu.dma_semaphore, #tpu.memory_space<semaphore_mem>>) src(%dma_wait3A_128 : memref<128xi32, #tpu.memory_space<hbm>>) dst(%arg12 : memref<128xi32, #tpu.memory_space<vmem>>)
        tpu.yield
      }) : () -> ()
      "tpu.region"() ({
        %run_scoped3A = tpu.sem_alloc : memref<!tpu.dma_semaphore, #tpu.memory_space<semaphore_mem>>
        %dma_start3A_125 = tpu.memref_slice %arg7[%multiple_of3A_120] : memref<200704xi32, #tpu.memory_space<hbm>> -> memref<128xi32, #tpu.memory_space<hbm>>
        %dma_start3A_126 = tpu.memref_slice %arg7[%multiple_of3A_120] : memref<200704xi32, #tpu.memory_space<hbm>> -> memref<128xi32, #tpu.memory_space<hbm>>
        tpu.enqueue_dma source(%dma_start3A_126 : memref<128xi32, #tpu.memory_space<hbm>>) target(%arg13 : memref<128xi32, #tpu.memory_space<vmem>>) target_semaphore(%run_scoped3A : memref<!tpu.dma_semaphore, #tpu.memory_space<semaphore_mem>>)
        %dma_wait3A_127 = tpu.memref_slice %arg7[%multiple_of3A_120] : memref<200704xi32, #tpu.memory_space<hbm>> -> memref<128xi32, #tpu.memory_space<hbm>>
        %dma_wait3A_128 = tpu.memref_slice %arg7[%multiple_of3A_120] : memref<200704xi32, #tpu.memory_space<hbm>> -> memref<128xi32, #tpu.memory_space<hbm>>
        tpu.wait_dma2 semaphore(%run_scoped3A : memref<!tpu.dma_semaphore, #tpu.memory_space<semaphore_mem>>) src(%dma_wait3A_128 : memref<128xi32, #tpu.memory_space<hbm>>) dst(%arg13 : memref<128xi32, #tpu.memory_space<vmem>>)
        tpu.yield
      }) : () -> ()
      %dma_start3A = arith.constant 0 : i32
      %dma_start3A_121 = arith.constant 0 : i32
      %dma_start3A_122 = tpu.memref_slice %arg3[%dma_start3A, %dma_start3A_121] : memref<20000x128xf32, #tpu.memory_space<hbm>> -> memref<20000x128xf32, #tpu.memory_space<hbm>>
      tpu.enqueue_indirect_dma source(%dma_start3A_122 : memref<20000x128xf32, #tpu.memory_space<hbm>>) target(%arg14 : memref<128x128xf32, #tpu.memory_space<vmem>>) offsets(%arg12 : memref<128xi32, #tpu.memory_space<vmem>>) semaphore(%arg18 : memref<!tpu.dma_semaphore, #tpu.memory_space<semaphore_mem>>)
      %dma_wait3A = arith.constant 0 : i32
      %dma_wait3A_123 = arith.constant 0 : i32
      %dma_wait3A_124 = tpu.memref_slice %arg3[%dma_wait3A, %dma_wait3A_123] : memref<20000x128xf32, #tpu.memory_space<hbm>> -> memref<20000x128xf32, #tpu.memory_space<hbm>>
      tpu.wait_indirect_dma semaphore(%arg18 : memref<!tpu.dma_semaphore, #tpu.memory_space<semaphore_mem>>) src(%dma_wait3A_124 : memref<20000x128xf32, #tpu.memory_space<hbm>>) dst(%arg14 : memref<128x128xf32, #tpu.memory_space<vmem>>)
      "tpu.region"() ({
        %run_scoped3A = tpu.sem_alloc : memref<!tpu.dma_semaphore, #tpu.memory_space<semaphore_mem>>
        %dma_start3A_125 = arith.constant 0 : i32
        %dma_start3A_126 = arith.constant 0 : i32
        %dma_start3A_127 = tpu.memref_slice %arg17[%dma_start3A_125, %dma_start3A_126] : memref<10112x128xf32, #tpu.memory_space<vmem_shared>> -> memref<10112x128xf32, #tpu.memory_space<vmem_shared>>
        tpu.enqueue_indirect_dma source(%arg14 : memref<128x128xf32, #tpu.memory_space<vmem>>) target(%dma_start3A_127 : memref<10112x128xf32, #tpu.memory_space<vmem_shared>>) offsets(%arg13 : memref<128xi32, #tpu.memory_space<vmem>>) semaphore(%run_scoped3A : memref<!tpu.dma_semaphore, #tpu.memory_space<semaphore_mem>>) {add = true}
        %dma_wait3A_128 = arith.constant 0 : i32
        %dma_wait3A_129 = arith.constant 0 : i32
        %dma_wait3A_130 = tpu.memref_slice %arg17[%dma_wait3A_128, %dma_wait3A_129] : memref<10112x128xf32, #tpu.memory_space<vmem_shared>> -> memref<10112x128xf32, #tpu.memory_space<vmem_shared>>
        tpu.wait_indirect_dma semaphore(%run_scoped3A : memref<!tpu.dma_semaphore, #tpu.memory_space<semaphore_mem>>) src(%arg14 : memref<128x128xf32, #tpu.memory_space<vmem>>) dst(%dma_wait3A_130 : memref<10112x128xf32, #tpu.memory_space<vmem_shared>>)
        tpu.yield
      }) : () -> ()
    }
    %scan3A_67 = arith.constant 98 : i32
    %barrier3A_68 = arith.constant 0 : index
    tpu.barrier barrier_id(%barrier3A_68)
    %mul3A_69 = arith.constant 632 : i32
    %mul3A_70 = arith.muli %arg1, %mul3A_69 : i32
    %multiple_of3A_71 = tpu.assume_multiple %mul3A_70, 8 : i32
    %mul3A_72 = arith.constant 10112 : i32
    %mul3A_73 = arith.muli %arg0, %mul3A_72 : i32
    %mul3A_74 = arith.constant 632 : i32
    %mul3A_75 = arith.muli %arg1, %mul3A_74 : i32
    %add3A_76 = arith.addi %mul3A_73, %mul3A_75 : i32
    %multiple_of3A_77 = tpu.assume_multiple %add3A_76, 8 : i32
    "tpu.region"() ({
      %run_scoped3A = tpu.sem_alloc : memref<!tpu.dma_semaphore, #tpu.memory_space<semaphore_mem>>
      %dma_start3A = arith.constant 0 : i32
      %dma_start3A_112 = tpu.memref_slice %arg10[%multiple_of3A_77, %dma_start3A] : memref<20224x128xf32, #tpu.memory_space<hbm>> -> memref<632x128xf32, #tpu.memory_space<hbm>>
      %dma_start3A_113 = arith.constant 0 : i32
      %dma_start3A_114 = tpu.memref_slice %arg17[%multiple_of3A_71, %dma_start3A_113] : memref<10112x128xf32, #tpu.memory_space<vmem_shared>> -> memref<632x128xf32, #tpu.memory_space<vmem_shared>>
      tpu.enqueue_dma source(%dma_start3A_114 : memref<632x128xf32, #tpu.memory_space<vmem_shared>>) target(%dma_start3A_112 : memref<632x128xf32, #tpu.memory_space<hbm>>) target_semaphore(%run_scoped3A : memref<!tpu.dma_semaphore, #tpu.memory_space<semaphore_mem>>)
      %dma_wait3A = arith.constant 0 : i32
      %dma_wait3A_115 = tpu.memref_slice %arg10[%multiple_of3A_77, %dma_wait3A] : memref<20224x128xf32, #tpu.memory_space<hbm>> -> memref<632x128xf32, #tpu.memory_space<hbm>>
      %dma_wait3A_116 = arith.constant 0 : i32
      %dma_wait3A_117 = tpu.memref_slice %arg17[%multiple_of3A_71, %dma_wait3A_116] : memref<10112x128xf32, #tpu.memory_space<vmem_shared>> -> memref<632x128xf32, #tpu.memory_space<vmem_shared>>
      tpu.wait_dma2 semaphore(%run_scoped3A : memref<!tpu.dma_semaphore, #tpu.memory_space<semaphore_mem>>) src(%dma_wait3A_117 : memref<632x128xf32, #tpu.memory_space<vmem_shared>>) dst(%dma_wait3A_115 : memref<632x128xf32, #tpu.memory_space<hbm>>)
      tpu.yield
    }) : () -> ()
    %barrier3A_78 = arith.constant 0 : index
    tpu.barrier barrier_id(%barrier3A_78)
    %scan3A_79 = arith.constant 0 : i32
    %scan3A_80 = arith.constant 0 : i32
    %scan3A_81 = arith.constant 4 : i32
    %scan3A_82 = arith.addi %scan3A_80, %scan3A_81 : i32
    %scan3A_83 = arith.constant 1 : i32
    scf.for %scan3A_112 = %scan3A_80 to %scan3A_82 step %scan3A_83  : i32 {
      %mul3A_113 = arith.constant 632 : i32
      %mul3A_114 = arith.muli %arg1, %mul3A_113 : i32
      %mul3A_115 = arith.constant 128 : i32
      %mul3A_116 = arith.muli %scan3A_112, %mul3A_115 : i32
      %add3A_117 = arith.addi %mul3A_114, %mul3A_116 : i32
      %multiple_of3A_118 = tpu.assume_multiple %add3A_117, 8 : i32
      "tpu.region"() ({
        %run_scoped3A = tpu.sem_alloc : memref<!tpu.dma_semaphore, #tpu.memory_space<semaphore_mem>>
        %dma_start3A = arith.constant 0 : i32
        %dma_start3A_119 = tpu.memref_slice %arg17[%multiple_of3A_118, %dma_start3A] : memref<10112x128xf32, #tpu.memory_space<vmem_shared>> -> memref<128x128xf32, #tpu.memory_space<vmem_shared>>
        %dma_start3A_120 = arith.constant 0 : i32
        %dma_start3A_121 = tpu.memref_slice %arg17[%multiple_of3A_118, %dma_start3A_120] : memref<10112x128xf32, #tpu.memory_space<vmem_shared>> -> memref<128x128xf32, #tpu.memory_space<vmem_shared>>
        tpu.enqueue_dma source(%arg15 : memref<128x128xf32, #tpu.memory_space<vmem>>) target(%dma_start3A_121 : memref<128x128xf32, #tpu.memory_space<vmem_shared>>) target_semaphore(%run_scoped3A : memref<!tpu.dma_semaphore, #tpu.memory_space<semaphore_mem>>)
        %dma_wait3A = arith.constant 0 : i32
        %dma_wait3A_122 = tpu.memref_slice %arg17[%multiple_of3A_118, %dma_wait3A] : memref<10112x128xf32, #tpu.memory_space<vmem_shared>> -> memref<128x128xf32, #tpu.memory_space<vmem_shared>>
        %dma_wait3A_123 = arith.constant 0 : i32
        %dma_wait3A_124 = tpu.memref_slice %arg17[%multiple_of3A_118, %dma_wait3A_123] : memref<10112x128xf32, #tpu.memory_space<vmem_shared>> -> memref<128x128xf32, #tpu.memory_space<vmem_shared>>
        tpu.wait_dma2 semaphore(%run_scoped3A : memref<!tpu.dma_semaphore, #tpu.memory_space<semaphore_mem>>) src(%arg15 : memref<128x128xf32, #tpu.memory_space<vmem>>) dst(%dma_wait3A_124 : memref<128x128xf32, #tpu.memory_space<vmem_shared>>)
        tpu.yield
      }) : () -> ()
    }
    %scan3A_84 = arith.constant 4 : i32
    %mul3A_85 = arith.constant 632 : i32
    %mul3A_86 = arith.muli %arg1, %mul3A_85 : i32
    %add3A_87 = arith.constant 512 : i32
    %add3A_88 = arith.addi %mul3A_86, %add3A_87 : i32
    %multiple_of3A_89 = tpu.assume_multiple %add3A_88, 8 : i32
    "tpu.region"() ({
      %run_scoped3A = tpu.sem_alloc : memref<!tpu.dma_semaphore, #tpu.memory_space<semaphore_mem>>
      %dma_start3A = arith.constant 0 : i32
      %dma_start3A_112 = arith.constant 0 : i32
      %dma_start3A_113 = tpu.memref_slice %arg15[%dma_start3A, %dma_start3A_112] : memref<128x128xf32, #tpu.memory_space<vmem>> -> memref<120x128xf32, #tpu.memory_space<vmem>>
      %dma_start3A_114 = arith.constant 0 : i32
      %dma_start3A_115 = tpu.memref_slice %arg17[%multiple_of3A_89, %dma_start3A_114] : memref<10112x128xf32, #tpu.memory_space<vmem_shared>> -> memref<120x128xf32, #tpu.memory_space<vmem_shared>>
      %dma_start3A_116 = arith.constant 0 : i32
      %dma_start3A_117 = tpu.memref_slice %arg17[%multiple_of3A_89, %dma_start3A_116] : memref<10112x128xf32, #tpu.memory_space<vmem_shared>> -> memref<120x128xf32, #tpu.memory_space<vmem_shared>>
      %dma_start3A_118 = arith.constant 0 : i32
      %dma_start3A_119 = arith.constant 0 : i32
      %dma_start3A_120 = tpu.memref_slice %arg15[%dma_start3A_118, %dma_start3A_119] : memref<128x128xf32, #tpu.memory_space<vmem>> -> memref<120x128xf32, #tpu.memory_space<vmem>>
      tpu.enqueue_dma source(%dma_start3A_120 : memref<120x128xf32, #tpu.memory_space<vmem>>) target(%dma_start3A_117 : memref<120x128xf32, #tpu.memory_space<vmem_shared>>) target_semaphore(%run_scoped3A : memref<!tpu.dma_semaphore, #tpu.memory_space<semaphore_mem>>)
      %dma_wait3A = arith.constant 0 : i32
      %dma_wait3A_121 = arith.constant 0 : i32
      %dma_wait3A_122 = tpu.memref_slice %arg15[%dma_wait3A, %dma_wait3A_121] : memref<128x128xf32, #tpu.memory_space<vmem>> -> memref<120x128xf32, #tpu.memory_space<vmem>>
      %dma_wait3A_123 = arith.constant 0 : i32
      %dma_wait3A_124 = tpu.memref_slice %arg17[%multiple_of3A_89, %dma_wait3A_123] : memref<10112x128xf32, #tpu.memory_space<vmem_shared>> -> memref<120x128xf32, #tpu.memory_space<vmem_shared>>
      %dma_wait3A_125 = arith.constant 0 : i32
      %dma_wait3A_126 = tpu.memref_slice %arg17[%multiple_of3A_89, %dma_wait3A_125] : memref<10112x128xf32, #tpu.memory_space<vmem_shared>> -> memref<120x128xf32, #tpu.memory_space<vmem_shared>>
      %dma_wait3A_127 = arith.constant 0 : i32
      %dma_wait3A_128 = arith.constant 0 : i32
      %dma_wait3A_129 = tpu.memref_slice %arg15[%dma_wait3A_127, %dma_wait3A_128] : memref<128x128xf32, #tpu.memory_space<vmem>> -> memref<120x128xf32, #tpu.memory_space<vmem>>
      tpu.wait_dma2 semaphore(%run_scoped3A : memref<!tpu.dma_semaphore, #tpu.memory_space<semaphore_mem>>) src(%dma_wait3A_129 : memref<120x128xf32, #tpu.memory_space<vmem>>) dst(%dma_wait3A_126 : memref<120x128xf32, #tpu.memory_space<vmem_shared>>)
      tpu.yield
    }) : () -> ()
    %barrier3A_90 = arith.constant 0 : index
    tpu.barrier barrier_id(%barrier3A_90)
    %mul3A_91 = arith.constant 200704 : i32
    %mul3A_92 = arith.muli %arg0, %mul3A_91 : i32
    %mul3A_93 = arith.constant 12544 : i32
    %mul3A_94 = arith.muli %arg1, %mul3A_93 : i32
    %add3A_95 = arith.addi %mul3A_92, %mul3A_94 : i32
    %scan3A_96 = arith.constant 0 : i32
    %scan3A_97 = arith.constant 0 : i32
    %scan3A_98 = arith.constant 98 : i32
    %scan3A_99 = arith.addi %scan3A_97, %scan3A_98 : i32
    %scan3A_100 = arith.constant 1 : i32
    scf.for %scan3A_112 = %scan3A_97 to %scan3A_99 step %scan3A_100  : i32 {
      %mul3A_113 = arith.constant 128 : i32
      %mul3A_114 = arith.muli %scan3A_112, %mul3A_113 : i32
      %add3A_115 = arith.addi %add3A_95, %mul3A_114 : i32
      %multiple_of3A_116 = tpu.assume_multiple %add3A_115, 128 : i32
      "tpu.region"() ({
        %run_scoped3A = tpu.sem_alloc : memref<!tpu.dma_semaphore, #tpu.memory_space<semaphore_mem>>
        %dma_start3A = tpu.memref_slice %arg8[%multiple_of3A_116] : memref<401408xi32, #tpu.memory_space<hbm>> -> memref<128xi32, #tpu.memory_space<hbm>>
        %dma_start3A_117 = tpu.memref_slice %arg8[%multiple_of3A_116] : memref<401408xi32, #tpu.memory_space<hbm>> -> memref<128xi32, #tpu.memory_space<hbm>>
        tpu.enqueue_dma source(%dma_start3A_117 : memref<128xi32, #tpu.memory_space<hbm>>) target(%arg13 : memref<128xi32, #tpu.memory_space<vmem>>) target_semaphore(%run_scoped3A : memref<!tpu.dma_semaphore, #tpu.memory_space<semaphore_mem>>)
        %dma_wait3A = tpu.memref_slice %arg8[%multiple_of3A_116] : memref<401408xi32, #tpu.memory_space<hbm>> -> memref<128xi32, #tpu.memory_space<hbm>>
        %dma_wait3A_118 = tpu.memref_slice %arg8[%multiple_of3A_116] : memref<401408xi32, #tpu.memory_space<hbm>> -> memref<128xi32, #tpu.memory_space<hbm>>
        tpu.wait_dma2 semaphore(%run_scoped3A : memref<!tpu.dma_semaphore, #tpu.memory_space<semaphore_mem>>) src(%dma_wait3A_118 : memref<128xi32, #tpu.memory_space<hbm>>) dst(%arg13 : memref<128xi32, #tpu.memory_space<vmem>>)
        tpu.yield
      }) : () -> ()
      "tpu.region"() ({
        %run_scoped3A = tpu.sem_alloc : memref<!tpu.dma_semaphore, #tpu.memory_space<semaphore_mem>>
        %dma_start3A = arith.constant 0 : i32
        %dma_start3A_117 = arith.constant 0 : i32
        %dma_start3A_118 = tpu.memref_slice %arg17[%dma_start3A, %dma_start3A_117] : memref<10112x128xf32, #tpu.memory_space<vmem_shared>> -> memref<10112x128xf32, #tpu.memory_space<vmem_shared>>
        tpu.enqueue_indirect_dma source(%arg16 : memref<128x128xf32, #tpu.memory_space<vmem>>) target(%dma_start3A_118 : memref<10112x128xf32, #tpu.memory_space<vmem_shared>>) offsets(%arg13 : memref<128xi32, #tpu.memory_space<vmem>>) semaphore(%run_scoped3A : memref<!tpu.dma_semaphore, #tpu.memory_space<semaphore_mem>>) {add = true}
        %dma_wait3A = arith.constant 0 : i32
        %dma_wait3A_119 = arith.constant 0 : i32
        %dma_wait3A_120 = tpu.memref_slice %arg17[%dma_wait3A, %dma_wait3A_119] : memref<10112x128xf32, #tpu.memory_space<vmem_shared>> -> memref<10112x128xf32, #tpu.memory_space<vmem_shared>>
        tpu.wait_indirect_dma semaphore(%run_scoped3A : memref<!tpu.dma_semaphore, #tpu.memory_space<semaphore_mem>>) src(%arg16 : memref<128x128xf32, #tpu.memory_space<vmem>>) dst(%dma_wait3A_120 : memref<10112x128xf32, #tpu.memory_space<vmem_shared>>)
        tpu.yield
      }) : () -> ()
    }
    %scan3A_101 = arith.constant 98 : i32
    %barrier3A_102 = arith.constant 0 : index
    tpu.barrier barrier_id(%barrier3A_102)
    %mul3A_103 = arith.constant 632 : i32
    %mul3A_104 = arith.muli %arg1, %mul3A_103 : i32
    %multiple_of3A_105 = tpu.assume_multiple %mul3A_104, 8 : i32
    %mul3A_106 = arith.constant 10112 : i32
    %mul3A_107 = arith.muli %arg0, %mul3A_106 : i32
    %mul3A_108 = arith.constant 632 : i32
    %mul3A_109 = arith.muli %arg1, %mul3A_108 : i32
    %add3A_110 = arith.addi %mul3A_107, %mul3A_109 : i32
    %multiple_of3A_111 = tpu.assume_multiple %add3A_110, 8 : i32
    "tpu.region"() ({
      %run_scoped3A = tpu.sem_alloc : memref<!tpu.dma_semaphore, #tpu.memory_space<semaphore_mem>>
      %dma_start3A = arith.constant 0 : i32
      %dma_start3A_112 = tpu.memref_slice %arg11[%multiple_of3A_111, %dma_start3A] : memref<20224x128xf32, #tpu.memory_space<hbm>> -> memref<632x128xf32, #tpu.memory_space<hbm>>
      %dma_start3A_113 = arith.constant 0 : i32
      %dma_start3A_114 = tpu.memref_slice %arg17[%multiple_of3A_105, %dma_start3A_113] : memref<10112x128xf32, #tpu.memory_space<vmem_shared>> -> memref<632x128xf32, #tpu.memory_space<vmem_shared>>
      tpu.enqueue_dma source(%dma_start3A_114 : memref<632x128xf32, #tpu.memory_space<vmem_shared>>) target(%dma_start3A_112 : memref<632x128xf32, #tpu.memory_space<hbm>>) target_semaphore(%run_scoped3A : memref<!tpu.dma_semaphore, #tpu.memory_space<semaphore_mem>>)
      %dma_wait3A = arith.constant 0 : i32
      %dma_wait3A_115 = tpu.memref_slice %arg11[%multiple_of3A_111, %dma_wait3A] : memref<20224x128xf32, #tpu.memory_space<hbm>> -> memref<632x128xf32, #tpu.memory_space<hbm>>
      %dma_wait3A_116 = arith.constant 0 : i32
      %dma_wait3A_117 = tpu.memref_slice %arg17[%multiple_of3A_105, %dma_wait3A_116] : memref<10112x128xf32, #tpu.memory_space<vmem_shared>> -> memref<632x128xf32, #tpu.memory_space<vmem_shared>>
      tpu.wait_dma2 semaphore(%run_scoped3A : memref<!tpu.dma_semaphore, #tpu.memory_space<semaphore_mem>>) src(%dma_wait3A_117 : memref<632x128xf32, #tpu.memory_space<vmem_shared>>) dst(%dma_wait3A_115 : memref<632x128xf32, #tpu.memory_space<hbm>>)
      tpu.yield
    }) : () -> ()
    return
  }
}

module attributes {stable_mosaic.version = 14 : i64} {
  func.func @_mm0_body(%arg0: i32, %arg1: memref<2000x128xf32, #tpu.memory_space<vmem>>, %arg2: memref<128x256xf32, #tpu.memory_space<vmem>>, %arg3: memref<1x256xf32, #tpu.memory_space<vmem>>, %arg4: memref<2000x256xf32, #tpu.memory_space<vmem>>) attributes {dimension_semantics = [#tpu.dimension_semantics<arbitrary>], iteration_bounds = array<i64: 5>, scalar_prefetch = 0 : i64, scratch_operands = 0 : i64, tpu.core_type = #tpu.core_type<tc>, window_params = [{transform_indices = @transform_0, window_bounds = array<i64: 2000, 128>}, {pipeline_mode = #tpu.pipeline_mode<synchronous>, transform_indices = @transform_1, window_bounds = array<i64: 128, 256>}, {pipeline_mode = #tpu.pipeline_mode<synchronous>, transform_indices = @transform_2, window_bounds = array<i64: 1, 256>}, {transform_indices = @transform_3, window_bounds = array<i64: 2000, 256>}]} {
    %get3A = arith.constant 0 : index
    %get3A_0 = arith.constant 0 : index
    %get3A_1 = vector.load %arg1[%get3A, %get3A_0] : memref<2000x128xf32, #tpu.memory_space<vmem>>, vector<2000x128xf32>
    %get3A_2 = arith.constant 0 : index
    %get3A_3 = arith.constant 0 : index
    %get3A_4 = vector.load %arg2[%get3A_2, %get3A_3] : memref<128x256xf32, #tpu.memory_space<vmem>>, vector<128x256xf32>
    %dot_general3A = arith.constant dense<0.000000e+00> : vector<2000x256xf32>
    %dot_general3A_5 = tpu.matmul %get3A_1, %get3A_4, %dot_general3A {dimension_numbers = #tpu.dot_dimension_numbers<[1], [0], [0], [1], [0, 0, 1, 1], [], []>, transpose_lhs_hint = false} : vector<2000x128xf32>, vector<128x256xf32>, vector<2000x256xf32> -> vector<2000x256xf32>
    %get3A_6 = arith.constant 0 : index
    %get3A_7 = arith.constant 0 : index
    %get3A_8 = vector.load %arg3[%get3A_6, %get3A_7] : memref<1x256xf32, #tpu.memory_space<vmem>>, vector<1x256xf32>
    %add3A = vector.broadcast %get3A_8 : vector<1x256xf32> to vector<2000x256xf32>
    %add3A_9 = arith.addf %dot_general3A_5, %add3A : vector<2000x256xf32>
    %swap3A = arith.constant 0 : index
    %swap3A_10 = arith.constant 0 : index
    %swap3A_11 = vector.load %arg4[%swap3A, %swap3A_10] : memref<2000x256xf32, #tpu.memory_space<vmem>>, vector<2000x256xf32>
    tpu.vector_store %arg4[%swap3A, %swap3A_10], %add3A_9 {strides = array<i32>} : memref<2000x256xf32, #tpu.memory_space<vmem>>, vector<2000x256xf32>,
    return
  }
  func.func @transform_0(%arg0: i32) -> (i32, i32) {
    %add3A = arith.constant 0 : i32
    %add3A_0 = arith.addi %arg0, %add3A : i32
    %c0_i32 = arith.constant 0 : i32
    %c0_i32_1 = arith.constant 0 : i32
    return %add3A_0, %c0_i32 : i32, i32
  }
  func.func @transform_1(%arg0: i32) -> (i32, i32) {
    %c0_i32 = arith.constant 0 : i32
    %c0_i32_0 = arith.constant 0 : i32
    %c0_i32_1 = arith.constant 0 : i32
    return %c0_i32, %c0_i32_0 : i32, i32
  }
  func.func @transform_2(%arg0: i32) -> (i32, i32) {
    %c0_i32 = arith.constant 0 : i32
    %c0_i32_0 = arith.constant 0 : i32
    %c0_i32_1 = arith.constant 0 : i32
    return %c0_i32, %c0_i32_0 : i32, i32
  }
  func.func @transform_3(%arg0: i32) -> (i32, i32) {
    %add3A = arith.constant 0 : i32
    %add3A_0 = arith.addi %arg0, %add3A : i32
    %c0_i32 = arith.constant 0 : i32
    %c0_i32_1 = arith.constant 0 : i32
    return %add3A_0, %c0_i32 : i32, i32
  }
}

module attributes {stable_mosaic.version = 14 : i64} {
  func.func @_mid_body(%arg0: i32, %arg1: memref<2000x128xf32, #tpu.memory_space<vmem>>, %arg2: memref<2000x128xf32, #tpu.memory_space<vmem>>, %arg3: memref<2000x128xf32, #tpu.memory_space<vmem>>, %arg4: memref<2000x128xf32, #tpu.memory_space<vmem>>, %arg5: memref<2000x128xf32, #tpu.memory_space<vmem>>, %arg6: memref<2000x128xf32, #tpu.memory_space<vmem>>, %arg7: memref<256x256xf32, #tpu.memory_space<vmem>>, %arg8: memref<1x256xf32, #tpu.memory_space<vmem>>, %arg9: memref<256x256xf32, #tpu.memory_space<vmem>>, %arg10: memref<1x256xf32, #tpu.memory_space<vmem>>, %arg11: memref<2000x256xf32, #tpu.memory_space<vmem>>, %arg12: memref<2000x256xf32, #tpu.memory_space<vmem>>) attributes {dimension_semantics = [#tpu.dimension_semantics<arbitrary>], iteration_bounds = array<i64: 5>, scalar_prefetch = 0 : i64, scratch_operands = 0 : i64, tpu.core_type = #tpu.core_type<tc>, window_params = [{transform_indices = @transform_0, window_bounds = array<i64: 2000, 128>}, {transform_indices = @transform_1, window_bounds = array<i64: 2000, 128>}, {transform_indices = @transform_2, window_bounds = array<i64: 2000, 128>}, {transform_indices = @transform_3, window_bounds = array<i64: 2000, 128>}, {transform_indices = @transform_4, window_bounds = array<i64: 2000, 128>}, {transform_indices = @transform_5, window_bounds = array<i64: 2000, 128>}, {pipeline_mode = #tpu.pipeline_mode<synchronous>, transform_indices = @transform_6, window_bounds = array<i64: 256, 256>}, {pipeline_mode = #tpu.pipeline_mode<synchronous>, transform_indices = @transform_7, window_bounds = array<i64: 1, 256>}, {pipeline_mode = #tpu.pipeline_mode<synchronous>, transform_indices = @transform_8, window_bounds = array<i64: 256, 256>}, {pipeline_mode = #tpu.pipeline_mode<synchronous>, transform_indices = @transform_9, window_bounds = array<i64: 1, 256>}, {transform_indices = @transform_10, window_bounds = array<i64: 2000, 256>}, {transform_indices = @transform_11, window_bounds = array<i64: 2000, 256>}]} {
    %get3A = arith.constant 0 : index
    %get3A_0 = arith.constant 0 : index
    %get3A_1 = vector.load %arg3[%get3A, %get3A_0] : memref<2000x128xf32, #tpu.memory_space<vmem>>, vector<2000x128xf32>
    %slice3A = vector.extract_strided_slice %get3A_1 {offsets = [0, 0], sizes = [2000, 1], strides = [1, 1]} : vector<2000x128xf32> to vector<2000x1xf32>
    %max3A = arith.constant 1.000000e+00 : f32
    %max3A_2 = vector.broadcast %max3A : f32 to vector<2000x1xf32>
    %max3A_3 = arith.maximumf %slice3A, %max3A_2 : vector<2000x1xf32>
    %div3A = arith.constant 1.000000e+00 : f32
    %div3A_4 = vector.broadcast %div3A : f32 to vector<2000x1xf32>
    %div3A_5 = arith.divf %div3A_4, %max3A_3 : vector<2000x1xf32>
    %get3A_6 = arith.constant 0 : index
    %get3A_7 = arith.constant 0 : index
    %get3A_8 = vector.load %arg1[%get3A_6, %get3A_7] : memref<2000x128xf32, #tpu.memory_space<vmem>>, vector<2000x128xf32>
    %mul3A = vector.broadcast %div3A_5 : vector<2000x1xf32> to vector<2000x128xf32>
    %mul3A_9 = arith.mulf %get3A_8, %mul3A : vector<2000x128xf32>
    %get3A_10 = arith.constant 0 : index
    %get3A_11 = arith.constant 0 : index
    %get3A_12 = vector.load %arg2[%get3A_10, %get3A_11] : memref<2000x128xf32, #tpu.memory_space<vmem>>, vector<2000x128xf32>
    %mul3A_13 = vector.broadcast %div3A_5 : vector<2000x1xf32> to vector<2000x128xf32>
    %mul3A_14 = arith.mulf %get3A_12, %mul3A_13 : vector<2000x128xf32>
    %get3A_15 = arith.constant 0 : index
    %get3A_16 = arith.constant 0 : index
    %get3A_17 = vector.load %arg7[%get3A_15, %get3A_16] : memref<256x256xf32, #tpu.memory_space<vmem>>, vector<256x256xf32>
    %slice3A_18 = vector.extract_strided_slice %get3A_17 {offsets = [0, 0], sizes = [128, 256], strides = [1, 1]} : vector<256x256xf32> to vector<128x256xf32>
    %dot_general3A = arith.constant dense<0.000000e+00> : vector<2000x256xf32>
    %dot_general3A_19 = tpu.matmul %mul3A_9, %slice3A_18, %dot_general3A {dimension_numbers = #tpu.dot_dimension_numbers<[1], [0], [0], [1], [0, 0, 1, 1], [], []>, transpose_lhs_hint = false} : vector<2000x128xf32>, vector<128x256xf32>, vector<2000x256xf32> -> vector<2000x256xf32>
    %slice3A_20 = vector.extract_strided_slice %get3A_17 {offsets = [128, 0], sizes = [128, 256], strides = [1, 1]} : vector<256x256xf32> to vector<128x256xf32>
    %dot_general3A_21 = arith.constant dense<0.000000e+00> : vector<2000x256xf32>
    %dot_general3A_22 = tpu.matmul %mul3A_14, %slice3A_20, %dot_general3A_21 {dimension_numbers = #tpu.dot_dimension_numbers<[1], [0], [0], [1], [0, 0, 1, 1], [], []>, transpose_lhs_hint = false} : vector<2000x128xf32>, vector<128x256xf32>, vector<2000x256xf32> -> vector<2000x256xf32>
    %add3A = arith.addf %dot_general3A_19, %dot_general3A_22 : vector<2000x256xf32>
    %get3A_23 = arith.constant 0 : index
    %get3A_24 = arith.constant 0 : index
    %get3A_25 = vector.load %arg8[%get3A_23, %get3A_24] : memref<1x256xf32, #tpu.memory_space<vmem>>, vector<1x256xf32>
    %add3A_26 = vector.broadcast %get3A_25 : vector<1x256xf32> to vector<2000x256xf32>
    %add3A_27 = arith.addf %add3A, %add3A_26 : vector<2000x256xf32>
    %max3A_28 = arith.constant 0.000000e+00 : f32
    %max3A_29 = vector.broadcast %max3A_28 : f32 to vector<2000x256xf32>
    %max3A_30 = arith.maximumf %add3A_27, %max3A_29 : vector<2000x256xf32>
    %swap3A = arith.constant 0 : index
    %swap3A_31 = arith.constant 0 : index
    %swap3A_32 = vector.load %arg11[%swap3A, %swap3A_31] : memref<2000x256xf32, #tpu.memory_space<vmem>>, vector<2000x256xf32>
    tpu.vector_store %arg11[%swap3A, %swap3A_31], %max3A_30 {strides = array<i32>} : memref<2000x256xf32, #tpu.memory_space<vmem>>, vector<2000x256xf32>,
    %get3A_33 = arith.constant 0 : index
    %get3A_34 = arith.constant 0 : index
    %get3A_35 = vector.load %arg6[%get3A_33, %get3A_34] : memref<2000x128xf32, #tpu.memory_space<vmem>>, vector<2000x128xf32>
    %slice3A_36 = vector.extract_strided_slice %get3A_35 {offsets = [0, 0], sizes = [2000, 1], strides = [1, 1]} : vector<2000x128xf32> to vector<2000x1xf32>
    %max3A_37 = arith.constant 1.000000e+00 : f32
    %max3A_38 = vector.broadcast %max3A_37 : f32 to vector<2000x1xf32>
    %max3A_39 = arith.maximumf %slice3A_36, %max3A_38 : vector<2000x1xf32>
    %div3A_40 = arith.constant 1.000000e+00 : f32
    %div3A_41 = vector.broadcast %div3A_40 : f32 to vector<2000x1xf32>
    %div3A_42 = arith.divf %div3A_41, %max3A_39 : vector<2000x1xf32>
    %get3A_43 = arith.constant 0 : index
    %get3A_44 = arith.constant 0 : index
    %get3A_45 = vector.load %arg4[%get3A_43, %get3A_44] : memref<2000x128xf32, #tpu.memory_space<vmem>>, vector<2000x128xf32>
    %mul3A_46 = vector.broadcast %div3A_42 : vector<2000x1xf32> to vector<2000x128xf32>
    %mul3A_47 = arith.mulf %get3A_45, %mul3A_46 : vector<2000x128xf32>
    %get3A_48 = arith.constant 0 : index
    %get3A_49 = arith.constant 0 : index
    %get3A_50 = vector.load %arg5[%get3A_48, %get3A_49] : memref<2000x128xf32, #tpu.memory_space<vmem>>, vector<2000x128xf32>
    %mul3A_51 = vector.broadcast %div3A_42 : vector<2000x1xf32> to vector<2000x128xf32>
    %mul3A_52 = arith.mulf %get3A_50, %mul3A_51 : vector<2000x128xf32>
    %get3A_53 = arith.constant 0 : index
    %get3A_54 = arith.constant 0 : index
    %get3A_55 = vector.load %arg9[%get3A_53, %get3A_54] : memref<256x256xf32, #tpu.memory_space<vmem>>, vector<256x256xf32>
    %slice3A_56 = vector.extract_strided_slice %get3A_55 {offsets = [0, 0], sizes = [128, 256], strides = [1, 1]} : vector<256x256xf32> to vector<128x256xf32>
    %dot_general3A_57 = arith.constant dense<0.000000e+00> : vector<2000x256xf32>
    %dot_general3A_58 = tpu.matmul %mul3A_47, %slice3A_56, %dot_general3A_57 {dimension_numbers = #tpu.dot_dimension_numbers<[1], [0], [0], [1], [0, 0, 1, 1], [], []>, transpose_lhs_hint = false} : vector<2000x128xf32>, vector<128x256xf32>, vector<2000x256xf32> -> vector<2000x256xf32>
    %slice3A_59 = vector.extract_strided_slice %get3A_55 {offsets = [128, 0], sizes = [128, 256], strides = [1, 1]} : vector<256x256xf32> to vector<128x256xf32>
    %dot_general3A_60 = arith.constant dense<0.000000e+00> : vector<2000x256xf32>
    %dot_general3A_61 = tpu.matmul %mul3A_52, %slice3A_59, %dot_general3A_60 {dimension_numbers = #tpu.dot_dimension_numbers<[1], [0], [0], [1], [0, 0, 1, 1], [], []>, transpose_lhs_hint = false} : vector<2000x128xf32>, vector<128x256xf32>, vector<2000x256xf32> -> vector<2000x256xf32>
    %add3A_62 = arith.addf %dot_general3A_58, %dot_general3A_61 : vector<2000x256xf32>
    %get3A_63 = arith.constant 0 : index
    %get3A_64 = arith.constant 0 : index
    %get3A_65 = vector.load %arg10[%get3A_63, %get3A_64] : memref<1x256xf32, #tpu.memory_space<vmem>>, vector<1x256xf32>
    %add3A_66 = vector.broadcast %get3A_65 : vector<1x256xf32> to vector<2000x256xf32>
    %add3A_67 = arith.addf %add3A_62, %add3A_66 : vector<2000x256xf32>
    %max3A_68 = arith.constant 0.000000e+00 : f32
    %max3A_69 = vector.broadcast %max3A_68 : f32 to vector<2000x256xf32>
    %max3A_70 = arith.maximumf %add3A_67, %max3A_69 : vector<2000x256xf32>
    %swap3A_71 = arith.constant 0 : index
    %swap3A_72 = arith.constant 0 : index
    %swap3A_73 = vector.load %arg12[%swap3A_71, %swap3A_72] : memref<2000x256xf32, #tpu.memory_space<vmem>>, vector<2000x256xf32>
    tpu.vector_store %arg12[%swap3A_71, %swap3A_72], %max3A_70 {strides = array<i32>} : memref<2000x256xf32, #tpu.memory_space<vmem>>, vector<2000x256xf32>,
    return
  }
  func.func @transform_0(%arg0: i32) -> (i32, i32) {
    %add3A = arith.constant 0 : i32
    %add3A_0 = arith.addi %arg0, %add3A : i32
    %c0_i32 = arith.constant 0 : i32
    %c0_i32_1 = arith.constant 0 : i32
    return %add3A_0, %c0_i32 : i32, i32
  }
  func.func @transform_1(%arg0: i32) -> (i32, i32) {
    %add3A = arith.constant 0 : i32
    %add3A_0 = arith.addi %arg0, %add3A : i32
    %c0_i32 = arith.constant 0 : i32
    %c0_i32_1 = arith.constant 0 : i32
    return %add3A_0, %c0_i32 : i32, i32
  }
  func.func @transform_2(%arg0: i32) -> (i32, i32) {
    %add3A = arith.constant 0 : i32
    %add3A_0 = arith.addi %arg0, %add3A : i32
    %c0_i32 = arith.constant 0 : i32
    %c0_i32_1 = arith.constant 0 : i32
    return %add3A_0, %c0_i32 : i32, i32
  }
  func.func @transform_3(%arg0: i32) -> (i32, i32) {
    %add3A = arith.constant 0 : i32
    %add3A_0 = arith.addi %arg0, %add3A : i32
    %c0_i32 = arith.constant 0 : i32
    %c0_i32_1 = arith.constant 0 : i32
    return %add3A_0, %c0_i32 : i32, i32
  }
  func.func @transform_4(%arg0: i32) -> (i32, i32) {
    %add3A = arith.constant 0 : i32
    %add3A_0 = arith.addi %arg0, %add3A : i32
    %c0_i32 = arith.constant 0 : i32
    %c0_i32_1 = arith.constant 0 : i32
    return %add3A_0, %c0_i32 : i32, i32
  }
  func.func @transform_5(%arg0: i32) -> (i32, i32) {
    %add3A = arith.constant 0 : i32
    %add3A_0 = arith.addi %arg0, %add3A : i32
    %c0_i32 = arith.constant 0 : i32
    %c0_i32_1 = arith.constant 0 : i32
    return %add3A_0, %c0_i32 : i32, i32
  }
  func.func @transform_6(%arg0: i32) -> (i32, i32) {
    %c0_i32 = arith.constant 0 : i32
    %c0_i32_0 = arith.constant 0 : i32
    %c0_i32_1 = arith.constant 0 : i32
    return %c0_i32, %c0_i32_0 : i32, i32
  }
  func.func @transform_7(%arg0: i32) -> (i32, i32) {
    %c0_i32 = arith.constant 0 : i32
    %c0_i32_0 = arith.constant 0 : i32
    %c0_i32_1 = arith.constant 0 : i32
    return %c0_i32, %c0_i32_0 : i32, i32
  }
  func.func @transform_8(%arg0: i32) -> (i32, i32) {
    %c0_i32 = arith.constant 0 : i32
    %c0_i32_0 = arith.constant 0 : i32
    %c0_i32_1 = arith.constant 0 : i32
    return %c0_i32, %c0_i32_0 : i32, i32
  }
  func.func @transform_9(%arg0: i32) -> (i32, i32) {
    %c0_i32 = arith.constant 0 : i32
    %c0_i32_0 = arith.constant 0 : i32
    %c0_i32_1 = arith.constant 0 : i32
    return %c0_i32, %c0_i32_0 : i32, i32
  }
  func.func @transform_10(%arg0: i32) -> (i32, i32) {
    %add3A = arith.constant 0 : i32
    %add3A_0 = arith.addi %arg0, %add3A : i32
    %c0_i32 = arith.constant 0 : i32
    %c0_i32_1 = arith.constant 0 : i32
    return %add3A_0, %c0_i32 : i32, i32
  }
  func.func @transform_11(%arg0: i32) -> (i32, i32) {
    %add3A = arith.constant 0 : i32
    %add3A_0 = arith.addi %arg0, %add3A : i32
    %c0_i32 = arith.constant 0 : i32
    %c0_i32_1 = arith.constant 0 : i32
    return %add3A_0, %c0_i32 : i32, i32
  }
}

module attributes {stable_mosaic.version = 14 : i64} {
  func.func @_tail_body(%arg0: i32, %arg1: memref<2000x128xf32, #tpu.memory_space<vmem>>, %arg2: memref<128x256xf32, #tpu.memory_space<vmem>>, %arg3: memref<1x256xf32, #tpu.memory_space<vmem>>, %arg4: memref<256x256xf32, #tpu.memory_space<vmem>>, %arg5: memref<1x256xf32, #tpu.memory_space<vmem>>, %arg6: memref<256x256xf32, #tpu.memory_space<vmem>>, %arg7: memref<1x256xf32, #tpu.memory_space<vmem>>, %arg8: memref<1x256xf32, #tpu.memory_space<vmem>>, %arg9: memref<1x256xf32, #tpu.memory_space<vmem>>, %arg10: memref<256x64xf32, #tpu.memory_space<vmem>>, %arg11: memref<256x64xf32, #tpu.memory_space<vmem>>, %arg12: memref<256x64xf32, #tpu.memory_space<vmem>>, %arg13: memref<1x64xf32, #tpu.memory_space<vmem>>, %arg14: memref<1x64xf32, #tpu.memory_space<vmem>>, %arg15: memref<1x64xf32, #tpu.memory_space<vmem>>, %arg16: memref<1x64xf32, #tpu.memory_space<vmem>>, %arg17: memref<64x64xf32, #tpu.memory_space<vmem>>, %arg18: memref<64x64xf32, #tpu.memory_space<vmem>>, %arg19: memref<64x64xf32, #tpu.memory_space<vmem>>, %arg20: memref<1x64xf32, #tpu.memory_space<vmem>>, %arg21: memref<1x64xf32, #tpu.memory_space<vmem>>, %arg22: memref<1x64xf32, #tpu.memory_space<vmem>>, %arg23: memref<1x64xf32, #tpu.memory_space<vmem>>, %arg24: memref<64x128xf32, #tpu.memory_space<vmem>>, %arg25: memref<1x128xf32, #tpu.memory_space<vmem>>, %arg26: memref<256x256xf32, #tpu.memory_space<vmem>>, %arg27: memref<1x256xf32, #tpu.memory_space<vmem>>, %arg28: memref<1x256xf32, #tpu.memory_space<vmem>>, %arg29: memref<1x256xf32, #tpu.memory_space<vmem>>, %arg30: memref<256x64xf32, #tpu.memory_space<vmem>>, %arg31: memref<256x64xf32, #tpu.memory_space<vmem>>, %arg32: memref<256x64xf32, #tpu.memory_space<vmem>>, %arg33: memref<1x64xf32, #tpu.memory_space<vmem>>, %arg34: memref<1x64xf32, #tpu.memory_space<vmem>>, %arg35: memref<1x64xf32, #tpu.memory_space<vmem>>, %arg36: memref<1x64xf32, #tpu.memory_space<vmem>>, %arg37: memref<64x128xf32, #tpu.memory_space<vmem>>, %arg38: memref<1x128xf32, #tpu.memory_space<vmem>>, %arg39: memref<128x128xf32, #tpu.memory_space<vmem>>, %arg40: memref<128x128xf32, #tpu.memory_space<vmem>>, %arg41: memref<1x128xf32, #tpu.memory_space<vmem>>, %arg42: memref<1x128xf32, #tpu.memory_space<vmem>>, %arg43: memref<1x128xf32, #tpu.memory_space<vmem>>, %arg44: memref<128x2xf32, #tpu.memory_space<vmem>>, %arg45: memref<1x2xf32, #tpu.memory_space<vmem>>, %arg46: memref<2000x2xf32, #tpu.memory_space<vmem>>) attributes {dimension_semantics = [#tpu.dimension_semantics<arbitrary>], iteration_bounds = array<i64: 20>, scalar_prefetch = 0 : i64, scratch_operands = 0 : i64, tpu.core_type = #tpu.core_type<tc>, window_params = [{transform_indices = @transform_0, window_bounds = array<i64: 2000, 128>}, {pipeline_mode = #tpu.pipeline_mode<synchronous>, transform_indices = @transform_1, window_bounds = array<i64: 128, 256>}, {pipeline_mode = #tpu.pipeline_mode<synchronous>, transform_indices = @transform_2, window_bounds = array<i64: 1, 256>}, {pipeline_mode = #tpu.pipeline_mode<synchronous>, transform_indices = @transform_3, window_bounds = array<i64: 256, 256>}, {pipeline_mode = #tpu.pipeline_mode<synchronous>, transform_indices = @transform_4, window_bounds = array<i64: 1, 256>}, {pipeline_mode = #tpu.pipeline_mode<synchronous>, transform_indices = @transform_5, window_bounds = array<i64: 256, 256>}, {pipeline_mode = #tpu.pipeline_mode<synchronous>, transform_indices = @transform_6, window_bounds = array<i64: 1, 256>}, {pipeline_mode = #tpu.pipeline_mode<synchronous>, transform_indices = @transform_7, window_bounds = array<i64: 1, 256>}, {pipeline_mode = #tpu.pipeline_mode<synchronous>, transform_indices = @transform_8, window_bounds = array<i64: 1, 256>}, {pipeline_mode = #tpu.pipeline_mode<synchronous>, transform_indices = @transform_9, window_bounds = array<i64: 256, 64>}, {pipeline_mode = #tpu.pipeline_mode<synchronous>, transform_indices = @transform_10, window_bounds = array<i64: 256, 64>}, {pipeline_mode = #tpu.pipeline_mode<synchronous>, transform_indices = @transform_11, window_bounds = array<i64: 256, 64>}, {pipeline_mode = #tpu.pipeline_mode<synchronous>, transform_indices = @transform_12, window_bounds = array<i64: 1, 64>}, {pipeline_mode = #tpu.pipeline_mode<synchronous>, transform_indices = @transform_13, window_bounds = array<i64: 1, 64>}, {pipeline_mode = #tpu.pipeline_mode<synchronous>, transform_indices = @transform_14, window_bounds = array<i64: 1, 64>}, {pipeline_mode = #tpu.pipeline_mode<synchronous>, transform_indices = @transform_15, window_bounds = array<i64: 1, 64>}, {pipeline_mode = #tpu.pipeline_mode<synchronous>, transform_indices = @transform_16, window_bounds = array<i64: 64, 64>}, {pipeline_mode = #tpu.pipeline_mode<synchronous>, transform_indices = @transform_17, window_bounds = array<i64: 64, 64>}, {pipeline_mode = #tpu.pipeline_mode<synchronous>, transform_indices = @transform_18, window_bounds = array<i64: 64, 64>}, {pipeline_mode = #tpu.pipeline_mode<synchronous>, transform_indices = @transform_19, window_bounds = array<i64: 1, 64>}, {pipeline_mode = #tpu.pipeline_mode<synchronous>, transform_indices = @transform_20, window_bounds = array<i64: 1, 64>}, {pipeline_mode = #tpu.pipeline_mode<synchronous>, transform_indices = @transform_21, window_bounds = array<i64: 1, 64>}, {pipeline_mode = #tpu.pipeline_mode<synchronous>, transform_indices = @transform_22, window_bounds = array<i64: 1, 64>}, {pipeline_mode = #tpu.pipeline_mode<synchronous>, transform_indices = @transform_23, window_bounds = array<i64: 64, 128>}, {pipeline_mode = #tpu.pipeline_mode<synchronous>, transform_indices = @transform_24, window_bounds = array<i64: 1, 128>}, {pipeline_mode = #tpu.pipeline_mode<synchronous>, transform_indices = @transform_25, window_bounds = array<i64: 256, 256>}, {pipeline_mode = #tpu.pipeline_mode<synchronous>, transform_indices = @transform_26, window_bounds = array<i64: 1, 256>}, {pipeline_mode = #tpu.pipeline_mode<synchronous>, transform_indices = @transform_27, window_bounds = array<i64: 1, 256>}, {pipeline_mode = #tpu.pipeline_mode<synchronous>, transform_indices = @transform_28, window_bounds = array<i64: 1, 256>}, {pipeline_mode = #tpu.pipeline_mode<synchronous>, transform_indices = @transform_29, window_bounds = array<i64: 256, 64>}, {pipeline_mode = #tpu.pipeline_mode<synchronous>, transform_indices = @transform_30, window_bounds = array<i64: 256, 64>}, {pipeline_mode = #tpu.pipeline_mode<synchronous>, transform_indices = @transform_31, window_bounds = array<i64: 256, 64>}, {pipeline_mode = #tpu.pipeline_mode<synchronous>, transform_indices = @transform_32, window_bounds = array<i64: 1, 64>}, {pipeline_mode = #tpu.pipeline_mode<synchronous>, transform_indices = @transform_33, window_bounds = array<i64: 1, 64>}, {pipeline_mode = #tpu.pipeline_mode<synchronous>, transform_indices = @transform_34, window_bounds = array<i64: 1, 64>}, {pipeline_mode = #tpu.pipeline_mode<synchronous>, transform_indices = @transform_35, window_bounds = array<i64: 1, 64>}, {pipeline_mode = #tpu.pipeline_mode<synchronous>, transform_indices = @transform_36, window_bounds = array<i64: 64, 128>}, {pipeline_mode = #tpu.pipeline_mode<synchronous>, transform_indices = @transform_37, window_bounds = array<i64: 1, 128>}, {pipeline_mode = #tpu.pipeline_mode<synchronous>, transform_indices = @transform_38, window_bounds = array<i64: 128, 128>}, {pipeline_mode = #tpu.pipeline_mode<synchronous>, transform_indices = @transform_39, window_bounds = array<i64: 128, 128>}, {pipeline_mode = #tpu.pipeline_mode<synchronous>, transform_indices = @transform_40, window_bounds = array<i64: 1, 128>}, {pipeline_mode = #tpu.pipeline_mode<synchronous>, transform_indices = @transform_41, window_bounds = array<i64: 1, 128>}, {pipeline_mode = #tpu.pipeline_mode<synchronous>, transform_indices = @transform_42, window_bounds = array<i64: 1, 128>}, {pipeline_mode = #tpu.pipeline_mode<synchronous>, transform_indices = @transform_43, window_bounds = array<i64: 128, 2>}, {pipeline_mode = #tpu.pipeline_mode<synchronous>, transform_indices = @transform_44, window_bounds = array<i64: 1, 2>}, {transform_indices = @transform_45, window_bounds = array<i64: 2000, 2>}]} {
    %get3A = arith.constant 0 : index
    %get3A_0 = arith.constant 0 : index
    %get3A_1 = vector.load %arg1[%get3A, %get3A_0] : memref<2000x128xf32, #tpu.memory_space<vmem>>, vector<2000x128xf32>
    %get3A_2 = arith.constant 0 : index
    %get3A_3 = arith.constant 0 : index
    %get3A_4 = vector.load %arg2[%get3A_2, %get3A_3] : memref<128x256xf32, #tpu.memory_space<vmem>>, vector<128x256xf32>
    %dot_general3A = arith.constant dense<0.000000e+00> : vector<2000x256xf32>
    %dot_general3A_5 = tpu.matmul %get3A_1, %get3A_4, %dot_general3A {dimension_numbers = #tpu.dot_dimension_numbers<[1], [0], [0], [1], [0, 0, 1, 1], [], []>, transpose_lhs_hint = false} : vector<2000x128xf32>, vector<128x256xf32>, vector<2000x256xf32> -> vector<2000x256xf32>
    %get3A_6 = arith.constant 0 : index
    %get3A_7 = arith.constant 0 : index
    %get3A_8 = vector.load %arg3[%get3A_6, %get3A_7] : memref<1x256xf32, #tpu.memory_space<vmem>>, vector<1x256xf32>
    %add3A = vector.broadcast %get3A_8 : vector<1x256xf32> to vector<2000x256xf32>
    %add3A_9 = arith.addf %dot_general3A_5, %add3A : vector<2000x256xf32>
    %get3A_10 = arith.constant 0 : index
    %get3A_11 = arith.constant 0 : index
    %get3A_12 = vector.load %arg4[%get3A_10, %get3A_11] : memref<256x256xf32, #tpu.memory_space<vmem>>, vector<256x256xf32>
    %dot_general3A_13 = arith.constant dense<0.000000e+00> : vector<2000x256xf32>
    %dot_general3A_14 = tpu.matmul %add3A_9, %get3A_12, %dot_general3A_13 {dimension_numbers = #tpu.dot_dimension_numbers<[1], [0], [0], [1], [0, 0, 1, 1], [], []>, transpose_lhs_hint = false} : vector<2000x256xf32>, vector<256x256xf32>, vector<2000x256xf32> -> vector<2000x256xf32>
    %get3A_15 = arith.constant 0 : index
    %get3A_16 = arith.constant 0 : index
    %get3A_17 = vector.load %arg5[%get3A_15, %get3A_16] : memref<1x256xf32, #tpu.memory_space<vmem>>, vector<1x256xf32>
    %add3A_18 = vector.broadcast %get3A_17 : vector<1x256xf32> to vector<2000x256xf32>
    %add3A_19 = arith.addf %dot_general3A_14, %add3A_18 : vector<2000x256xf32>
    %max3A = arith.constant 0.000000e+00 : f32
    %max3A_20 = vector.broadcast %max3A : f32 to vector<2000x256xf32>
    %max3A_21 = arith.maximumf %add3A_19, %max3A_20 : vector<2000x256xf32>
    %get3A_22 = arith.constant 0 : index
    %get3A_23 = arith.constant 0 : index
    %get3A_24 = vector.load %arg6[%get3A_22, %get3A_23] : memref<256x256xf32, #tpu.memory_space<vmem>>, vector<256x256xf32>
    %dot_general3A_25 = arith.constant dense<0.000000e+00> : vector<2000x256xf32>
    %dot_general3A_26 = tpu.matmul %max3A_21, %get3A_24, %dot_general3A_25 {dimension_numbers = #tpu.dot_dimension_numbers<[1], [0], [0], [1], [0, 0, 1, 1], [], []>, transpose_lhs_hint = false} : vector<2000x256xf32>, vector<256x256xf32>, vector<2000x256xf32> -> vector<2000x256xf32>
    %get3A_27 = arith.constant 0 : index
    %get3A_28 = arith.constant 0 : index
    %get3A_29 = vector.load %arg7[%get3A_27, %get3A_28] : memref<1x256xf32, #tpu.memory_space<vmem>>, vector<1x256xf32>
    %add3A_30 = vector.broadcast %get3A_29 : vector<1x256xf32> to vector<2000x256xf32>
    %add3A_31 = arith.addf %dot_general3A_26, %add3A_30 : vector<2000x256xf32>
    %max3A_32 = arith.constant 0.000000e+00 : f32
    %max3A_33 = vector.broadcast %max3A_32 : f32 to vector<2000x256xf32>
    %max3A_34 = arith.maximumf %add3A_31, %max3A_33 : vector<2000x256xf32>
    %get3A_35 = arith.constant 0 : index
    %get3A_36 = arith.constant 0 : index
    %get3A_37 = vector.load %arg8[%get3A_35, %get3A_36] : memref<1x256xf32, #tpu.memory_space<vmem>>, vector<1x256xf32>
    %mul3A = vector.broadcast %get3A_37 : vector<1x256xf32> to vector<2000x256xf32>
    %mul3A_38 = arith.mulf %max3A_34, %mul3A : vector<2000x256xf32>
    %get3A_39 = arith.constant 0 : index
    %get3A_40 = arith.constant 0 : index
    %get3A_41 = vector.load %arg9[%get3A_39, %get3A_40] : memref<1x256xf32, #tpu.memory_space<vmem>>, vector<1x256xf32>
    %add3A_42 = vector.broadcast %get3A_41 : vector<1x256xf32> to vector<2000x256xf32>
    %add3A_43 = arith.addf %mul3A_38, %add3A_42 : vector<2000x256xf32>
    %get3A_44 = arith.constant 0 : index
    %get3A_45 = arith.constant 0 : index
    %get3A_46 = vector.load %arg10[%get3A_44, %get3A_45] : memref<256x64xf32, #tpu.memory_space<vmem>>, vector<256x64xf32>
    %dot_general3A_47 = arith.constant dense<0.000000e+00> : vector<2000x64xf32>
    %dot_general3A_48 = tpu.matmul %add3A_43, %get3A_46, %dot_general3A_47 {dimension_numbers = #tpu.dot_dimension_numbers<[1], [0], [0], [1], [0, 0, 1, 1], [], []>, transpose_lhs_hint = false} : vector<2000x256xf32>, vector<256x64xf32>, vector<2000x64xf32> -> vector<2000x64xf32>
    %get3A_49 = arith.constant 0 : index
    %get3A_50 = arith.constant 0 : index
    %get3A_51 = vector.load %arg13[%get3A_49, %get3A_50] : memref<1x64xf32, #tpu.memory_space<vmem>>, vector<1x64xf32>
    %add3A_52 = vector.broadcast %get3A_51 : vector<1x64xf32> to vector<2000x64xf32>
    %add3A_53 = arith.addf %dot_general3A_48, %add3A_52 : vector<2000x64xf32>
    %logistic3A = arith.negf %add3A_53 : vector<2000x64xf32>
    %logistic3A_54 = math.exp %logistic3A : vector<2000x64xf32>
    %logistic3A_55 = arith.constant 1.000000e+00 : f32
    %logistic3A_56 = vector.broadcast %logistic3A_55 : f32 to vector<2000x64xf32>
    %logistic3A_57 = arith.addf %logistic3A_56, %logistic3A_54 : vector<2000x64xf32>
    %logistic3A_58 = arith.divf %logistic3A_56, %logistic3A_57 : vector<2000x64xf32>
    %get3A_59 = arith.constant 0 : index
    %get3A_60 = arith.constant 0 : index
    %get3A_61 = vector.load %arg11[%get3A_59, %get3A_60] : memref<256x64xf32, #tpu.memory_space<vmem>>, vector<256x64xf32>
    %dot_general3A_62 = arith.constant dense<0.000000e+00> : vector<2000x64xf32>
    %dot_general3A_63 = tpu.matmul %add3A_43, %get3A_61, %dot_general3A_62 {dimension_numbers = #tpu.dot_dimension_numbers<[1], [0], [0], [1], [0, 0, 1, 1], [], []>, transpose_lhs_hint = false} : vector<2000x256xf32>, vector<256x64xf32>, vector<2000x64xf32> -> vector<2000x64xf32>
    %get3A_64 = arith.constant 0 : index
    %get3A_65 = arith.constant 0 : index
    %get3A_66 = vector.load %arg14[%get3A_64, %get3A_65] : memref<1x64xf32, #tpu.memory_space<vmem>>, vector<1x64xf32>
    %add3A_67 = vector.broadcast %get3A_66 : vector<1x64xf32> to vector<2000x64xf32>
    %add3A_68 = arith.addf %dot_general3A_63, %add3A_67 : vector<2000x64xf32>
    %logistic3A_69 = arith.negf %add3A_68 : vector<2000x64xf32>
    %logistic3A_70 = math.exp %logistic3A_69 : vector<2000x64xf32>
    %logistic3A_71 = arith.constant 1.000000e+00 : f32
    %logistic3A_72 = vector.broadcast %logistic3A_71 : f32 to vector<2000x64xf32>
    %logistic3A_73 = arith.addf %logistic3A_72, %logistic3A_70 : vector<2000x64xf32>
    %logistic3A_74 = arith.divf %logistic3A_72, %logistic3A_73 : vector<2000x64xf32>
    %get3A_75 = arith.constant 0 : index
    %get3A_76 = arith.constant 0 : index
    %get3A_77 = vector.load %arg12[%get3A_75, %get3A_76] : memref<256x64xf32, #tpu.memory_space<vmem>>, vector<256x64xf32>
    %dot_general3A_78 = arith.constant dense<0.000000e+00> : vector<2000x64xf32>
    %dot_general3A_79 = tpu.matmul %add3A_43, %get3A_77, %dot_general3A_78 {dimension_numbers = #tpu.dot_dimension_numbers<[1], [0], [0], [1], [0, 0, 1, 1], [], []>, transpose_lhs_hint = false} : vector<2000x256xf32>, vector<256x64xf32>, vector<2000x64xf32> -> vector<2000x64xf32>
    %get3A_80 = arith.constant 0 : index
    %get3A_81 = arith.constant 0 : index
    %get3A_82 = vector.load %arg15[%get3A_80, %get3A_81] : memref<1x64xf32, #tpu.memory_space<vmem>>, vector<1x64xf32>
    %add3A_83 = vector.broadcast %get3A_82 : vector<1x64xf32> to vector<2000x64xf32>
    %add3A_84 = arith.addf %dot_general3A_79, %add3A_83 : vector<2000x64xf32>
    %get3A_85 = arith.constant 0 : index
    %get3A_86 = arith.constant 0 : index
    %get3A_87 = vector.load %arg16[%get3A_85, %get3A_86] : memref<1x64xf32, #tpu.memory_space<vmem>>, vector<1x64xf32>
    %mul3A_88 = vector.broadcast %get3A_87 : vector<1x64xf32> to vector<2000x64xf32>
    %mul3A_89 = arith.mulf %logistic3A_58, %mul3A_88 : vector<2000x64xf32>
    %add3A_90 = arith.addf %add3A_84, %mul3A_89 : vector<2000x64xf32>
    %tanh3A = math.tanh %add3A_90 : vector<2000x64xf32>
    %sub3A = arith.constant 1.000000e+00 : f32
    %sub3A_91 = vector.broadcast %sub3A : f32 to vector<2000x64xf32>
    %sub3A_92 = arith.subf %sub3A_91, %logistic3A_74 : vector<2000x64xf32>
    %mul3A_93 = arith.mulf %sub3A_92, %tanh3A : vector<2000x64xf32>
    %get3A_94 = arith.constant 0 : index
    %get3A_95 = arith.constant 0 : index
    %get3A_96 = vector.load %arg17[%get3A_94, %get3A_95] : memref<64x64xf32, #tpu.memory_space<vmem>>, vector<64x64xf32>
    %dot_general3A_97 = arith.constant dense<0.000000e+00> : vector<2000x64xf32>
    %dot_general3A_98 = tpu.matmul %mul3A_93, %get3A_96, %dot_general3A_97 {dimension_numbers = #tpu.dot_dimension_numbers<[1], [0], [0], [1], [0, 0, 1, 1], [], []>, transpose_lhs_hint = false} : vector<2000x64xf32>, vector<64x64xf32>, vector<2000x64xf32> -> vector<2000x64xf32>
    %get3A_99 = arith.constant 0 : index
    %get3A_100 = arith.constant 0 : index
    %get3A_101 = vector.load %arg20[%get3A_99, %get3A_100] : memref<1x64xf32, #tpu.memory_space<vmem>>, vector<1x64xf32>
    %add3A_102 = vector.broadcast %get3A_101 : vector<1x64xf32> to vector<2000x64xf32>
    %add3A_103 = arith.addf %dot_general3A_98, %add3A_102 : vector<2000x64xf32>
    %logistic3A_104 = arith.negf %add3A_103 : vector<2000x64xf32>
    %logistic3A_105 = math.exp %logistic3A_104 : vector<2000x64xf32>
    %logistic3A_106 = arith.constant 1.000000e+00 : f32
    %logistic3A_107 = vector.broadcast %logistic3A_106 : f32 to vector<2000x64xf32>
    %logistic3A_108 = arith.addf %logistic3A_107, %logistic3A_105 : vector<2000x64xf32>
    %logistic3A_109 = arith.divf %logistic3A_107, %logistic3A_108 : vector<2000x64xf32>
    %get3A_110 = arith.constant 0 : index
    %get3A_111 = arith.constant 0 : index
    %get3A_112 = vector.load %arg18[%get3A_110, %get3A_111] : memref<64x64xf32, #tpu.memory_space<vmem>>, vector<64x64xf32>
    %dot_general3A_113 = arith.constant dense<0.000000e+00> : vector<2000x64xf32>
    %dot_general3A_114 = tpu.matmul %mul3A_93, %get3A_112, %dot_general3A_113 {dimension_numbers = #tpu.dot_dimension_numbers<[1], [0], [0], [1], [0, 0, 1, 1], [], []>, transpose_lhs_hint = false} : vector<2000x64xf32>, vector<64x64xf32>, vector<2000x64xf32> -> vector<2000x64xf32>
    %get3A_115 = arith.constant 0 : index
    %get3A_116 = arith.constant 0 : index
    %get3A_117 = vector.load %arg21[%get3A_115, %get3A_116] : memref<1x64xf32, #tpu.memory_space<vmem>>, vector<1x64xf32>
    %add3A_118 = vector.broadcast %get3A_117 : vector<1x64xf32> to vector<2000x64xf32>
    %add3A_119 = arith.addf %dot_general3A_114, %add3A_118 : vector<2000x64xf32>
    %logistic3A_120 = arith.negf %add3A_119 : vector<2000x64xf32>
    %logistic3A_121 = math.exp %logistic3A_120 : vector<2000x64xf32>
    %logistic3A_122 = arith.constant 1.000000e+00 : f32
    %logistic3A_123 = vector.broadcast %logistic3A_122 : f32 to vector<2000x64xf32>
    %logistic3A_124 = arith.addf %logistic3A_123, %logistic3A_121 : vector<2000x64xf32>
    %logistic3A_125 = arith.divf %logistic3A_123, %logistic3A_124 : vector<2000x64xf32>
    %get3A_126 = arith.constant 0 : index
    %get3A_127 = arith.constant 0 : index
    %get3A_128 = vector.load %arg19[%get3A_126, %get3A_127] : memref<64x64xf32, #tpu.memory_space<vmem>>, vector<64x64xf32>
    %dot_general3A_129 = arith.constant dense<0.000000e+00> : vector<2000x64xf32>
    %dot_general3A_130 = tpu.matmul %mul3A_93, %get3A_128, %dot_general3A_129 {dimension_numbers = #tpu.dot_dimension_numbers<[1], [0], [0], [1], [0, 0, 1, 1], [], []>, transpose_lhs_hint = false} : vector<2000x64xf32>, vector<64x64xf32>, vector<2000x64xf32> -> vector<2000x64xf32>
    %get3A_131 = arith.constant 0 : index
    %get3A_132 = arith.constant 0 : index
    %get3A_133 = vector.load %arg22[%get3A_131, %get3A_132] : memref<1x64xf32, #tpu.memory_space<vmem>>, vector<1x64xf32>
    %add3A_134 = vector.broadcast %get3A_133 : vector<1x64xf32> to vector<2000x64xf32>
    %add3A_135 = arith.addf %dot_general3A_130, %add3A_134 : vector<2000x64xf32>
    %get3A_136 = arith.constant 0 : index
    %get3A_137 = arith.constant 0 : index
    %get3A_138 = vector.load %arg23[%get3A_136, %get3A_137] : memref<1x64xf32, #tpu.memory_space<vmem>>, vector<1x64xf32>
    %mul3A_139 = vector.broadcast %get3A_138 : vector<1x64xf32> to vector<2000x64xf32>
    %mul3A_140 = arith.mulf %logistic3A_109, %mul3A_139 : vector<2000x64xf32>
    %add3A_141 = arith.addf %add3A_135, %mul3A_140 : vector<2000x64xf32>
    %tanh3A_142 = math.tanh %add3A_141 : vector<2000x64xf32>
    %sub3A_143 = arith.constant 1.000000e+00 : f32
    %sub3A_144 = vector.broadcast %sub3A_143 : f32 to vector<2000x64xf32>
    %sub3A_145 = arith.subf %sub3A_144, %logistic3A_125 : vector<2000x64xf32>
    %mul3A_146 = arith.mulf %sub3A_145, %tanh3A_142 : vector<2000x64xf32>
    %get3A_147 = arith.constant 0 : index
    %get3A_148 = arith.constant 0 : index
    %get3A_149 = vector.load %arg24[%get3A_147, %get3A_148] : memref<64x128xf32, #tpu.memory_space<vmem>>, vector<64x128xf32>
    %dot_general3A_150 = arith.constant dense<0.000000e+00> : vector<2000x128xf32>
    %dot_general3A_151 = tpu.matmul %mul3A_146, %get3A_149, %dot_general3A_150 {dimension_numbers = #tpu.dot_dimension_numbers<[1], [0], [0], [1], [0, 0, 1, 1], [], []>, transpose_lhs_hint = false} : vector<2000x64xf32>, vector<64x128xf32>, vector<2000x128xf32> -> vector<2000x128xf32>
    %get3A_152 = arith.constant 0 : index
    %get3A_153 = arith.constant 0 : index
    %get3A_154 = vector.load %arg25[%get3A_152, %get3A_153] : memref<1x128xf32, #tpu.memory_space<vmem>>, vector<1x128xf32>
    %add3A_155 = vector.broadcast %get3A_154 : vector<1x128xf32> to vector<2000x128xf32>
    %add3A_156 = arith.addf %dot_general3A_151, %add3A_155 : vector<2000x128xf32>
    %max3A_157 = arith.constant 0.000000e+00 : f32
    %max3A_158 = vector.broadcast %max3A_157 : f32 to vector<2000x128xf32>
    %max3A_159 = arith.maximumf %add3A_156, %max3A_158 : vector<2000x128xf32>
    %get3A_160 = arith.constant 0 : index
    %get3A_161 = arith.constant 0 : index
    %get3A_162 = vector.load %arg26[%get3A_160, %get3A_161] : memref<256x256xf32, #tpu.memory_space<vmem>>, vector<256x256xf32>
    %dot_general3A_163 = arith.constant dense<0.000000e+00> : vector<2000x256xf32>
    %dot_general3A_164 = tpu.matmul %add3A_9, %get3A_162, %dot_general3A_163 {dimension_numbers = #tpu.dot_dimension_numbers<[1], [0], [0], [1], [0, 0, 1, 1], [], []>, transpose_lhs_hint = false} : vector<2000x256xf32>, vector<256x256xf32>, vector<2000x256xf32> -> vector<2000x256xf32>
    %get3A_165 = arith.constant 0 : index
    %get3A_166 = arith.constant 0 : index
    %get3A_167 = vector.load %arg27[%get3A_165, %get3A_166] : memref<1x256xf32, #tpu.memory_space<vmem>>, vector<1x256xf32>
    %add3A_168 = vector.broadcast %get3A_167 : vector<1x256xf32> to vector<2000x256xf32>
    %add3A_169 = arith.addf %dot_general3A_164, %add3A_168 : vector<2000x256xf32>
    %max3A_170 = arith.constant 0.000000e+00 : f32
    %max3A_171 = vector.broadcast %max3A_170 : f32 to vector<2000x256xf32>
    %max3A_172 = arith.maximumf %add3A_169, %max3A_171 : vector<2000x256xf32>
    %get3A_173 = arith.constant 0 : index
    %get3A_174 = arith.constant 0 : index
    %get3A_175 = vector.load %arg28[%get3A_173, %get3A_174] : memref<1x256xf32, #tpu.memory_space<vmem>>, vector<1x256xf32>
    %mul3A_176 = vector.broadcast %get3A_175 : vector<1x256xf32> to vector<2000x256xf32>
    %mul3A_177 = arith.mulf %max3A_172, %mul3A_176 : vector<2000x256xf32>
    %get3A_178 = arith.constant 0 : index
    %get3A_179 = arith.constant 0 : index
    %get3A_180 = vector.load %arg29[%get3A_178, %get3A_179] : memref<1x256xf32, #tpu.memory_space<vmem>>, vector<1x256xf32>
    %add3A_181 = vector.broadcast %get3A_180 : vector<1x256xf32> to vector<2000x256xf32>
    %add3A_182 = arith.addf %mul3A_177, %add3A_181 : vector<2000x256xf32>
    %get3A_183 = arith.constant 0 : index
    %get3A_184 = arith.constant 0 : index
    %get3A_185 = vector.load %arg30[%get3A_183, %get3A_184] : memref<256x64xf32, #tpu.memory_space<vmem>>, vector<256x64xf32>
    %dot_general3A_186 = arith.constant dense<0.000000e+00> : vector<2000x64xf32>
    %dot_general3A_187 = tpu.matmul %add3A_182, %get3A_185, %dot_general3A_186 {dimension_numbers = #tpu.dot_dimension_numbers<[1], [0], [0], [1], [0, 0, 1, 1], [], []>, transpose_lhs_hint = false} : vector<2000x256xf32>, vector<256x64xf32>, vector<2000x64xf32> -> vector<2000x64xf32>
    %get3A_188 = arith.constant 0 : index
    %get3A_189 = arith.constant 0 : index
    %get3A_190 = vector.load %arg33[%get3A_188, %get3A_189] : memref<1x64xf32, #tpu.memory_space<vmem>>, vector<1x64xf32>
    %add3A_191 = vector.broadcast %get3A_190 : vector<1x64xf32> to vector<2000x64xf32>
    %add3A_192 = arith.addf %dot_general3A_187, %add3A_191 : vector<2000x64xf32>
    %logistic3A_193 = arith.negf %add3A_192 : vector<2000x64xf32>
    %logistic3A_194 = math.exp %logistic3A_193 : vector<2000x64xf32>
    %logistic3A_195 = arith.constant 1.000000e+00 : f32
    %logistic3A_196 = vector.broadcast %logistic3A_195 : f32 to vector<2000x64xf32>
    %logistic3A_197 = arith.addf %logistic3A_196, %logistic3A_194 : vector<2000x64xf32>
    %logistic3A_198 = arith.divf %logistic3A_196, %logistic3A_197 : vector<2000x64xf32>
    %get3A_199 = arith.constant 0 : index
    %get3A_200 = arith.constant 0 : index
    %get3A_201 = vector.load %arg31[%get3A_199, %get3A_200] : memref<256x64xf32, #tpu.memory_space<vmem>>, vector<256x64xf32>
    %dot_general3A_202 = arith.constant dense<0.000000e+00> : vector<2000x64xf32>
    %dot_general3A_203 = tpu.matmul %add3A_182, %get3A_201, %dot_general3A_202 {dimension_numbers = #tpu.dot_dimension_numbers<[1], [0], [0], [1], [0, 0, 1, 1], [], []>, transpose_lhs_hint = false} : vector<2000x256xf32>, vector<256x64xf32>, vector<2000x64xf32> -> vector<2000x64xf32>
    %get3A_204 = arith.constant 0 : index
    %get3A_205 = arith.constant 0 : index
    %get3A_206 = vector.load %arg34[%get3A_204, %get3A_205] : memref<1x64xf32, #tpu.memory_space<vmem>>, vector<1x64xf32>
    %add3A_207 = vector.broadcast %get3A_206 : vector<1x64xf32> to vector<2000x64xf32>
    %add3A_208 = arith.addf %dot_general3A_203, %add3A_207 : vector<2000x64xf32>
    %logistic3A_209 = arith.negf %add3A_208 : vector<2000x64xf32>
    %logistic3A_210 = math.exp %logistic3A_209 : vector<2000x64xf32>
    %logistic3A_211 = arith.constant 1.000000e+00 : f32
    %logistic3A_212 = vector.broadcast %logistic3A_211 : f32 to vector<2000x64xf32>
    %logistic3A_213 = arith.addf %logistic3A_212, %logistic3A_210 : vector<2000x64xf32>
    %logistic3A_214 = arith.divf %logistic3A_212, %logistic3A_213 : vector<2000x64xf32>
    %get3A_215 = arith.constant 0 : index
    %get3A_216 = arith.constant 0 : index
    %get3A_217 = vector.load %arg32[%get3A_215, %get3A_216] : memref<256x64xf32, #tpu.memory_space<vmem>>, vector<256x64xf32>
    %dot_general3A_218 = arith.constant dense<0.000000e+00> : vector<2000x64xf32>
    %dot_general3A_219 = tpu.matmul %add3A_182, %get3A_217, %dot_general3A_218 {dimension_numbers = #tpu.dot_dimension_numbers<[1], [0], [0], [1], [0, 0, 1, 1], [], []>, transpose_lhs_hint = false} : vector<2000x256xf32>, vector<256x64xf32>, vector<2000x64xf32> -> vector<2000x64xf32>
    %get3A_220 = arith.constant 0 : index
    %get3A_221 = arith.constant 0 : index
    %get3A_222 = vector.load %arg35[%get3A_220, %get3A_221] : memref<1x64xf32, #tpu.memory_space<vmem>>, vector<1x64xf32>
    %add3A_223 = vector.broadcast %get3A_222 : vector<1x64xf32> to vector<2000x64xf32>
    %add3A_224 = arith.addf %dot_general3A_219, %add3A_223 : vector<2000x64xf32>
    %get3A_225 = arith.constant 0 : index
    %get3A_226 = arith.constant 0 : index
    %get3A_227 = vector.load %arg36[%get3A_225, %get3A_226] : memref<1x64xf32, #tpu.memory_space<vmem>>, vector<1x64xf32>
    %mul3A_228 = vector.broadcast %get3A_227 : vector<1x64xf32> to vector<2000x64xf32>
    %mul3A_229 = arith.mulf %logistic3A_198, %mul3A_228 : vector<2000x64xf32>
    %add3A_230 = arith.addf %add3A_224, %mul3A_229 : vector<2000x64xf32>
    %tanh3A_231 = math.tanh %add3A_230 : vector<2000x64xf32>
    %sub3A_232 = arith.constant 1.000000e+00 : f32
    %sub3A_233 = vector.broadcast %sub3A_232 : f32 to vector<2000x64xf32>
    %sub3A_234 = arith.subf %sub3A_233, %logistic3A_214 : vector<2000x64xf32>
    %mul3A_235 = arith.mulf %sub3A_234, %tanh3A_231 : vector<2000x64xf32>
    %get3A_236 = arith.constant 0 : index
    %get3A_237 = arith.constant 0 : index
    %get3A_238 = vector.load %arg37[%get3A_236, %get3A_237] : memref<64x128xf32, #tpu.memory_space<vmem>>, vector<64x128xf32>
    %dot_general3A_239 = arith.constant dense<0.000000e+00> : vector<2000x128xf32>
    %dot_general3A_240 = tpu.matmul %mul3A_235, %get3A_238, %dot_general3A_239 {dimension_numbers = #tpu.dot_dimension_numbers<[1], [0], [0], [1], [0, 0, 1, 1], [], []>, transpose_lhs_hint = false} : vector<2000x64xf32>, vector<64x128xf32>, vector<2000x128xf32> -> vector<2000x128xf32>
    %get3A_241 = arith.constant 0 : index
    %get3A_242 = arith.constant 0 : index
    %get3A_243 = vector.load %arg38[%get3A_241, %get3A_242] : memref<1x128xf32, #tpu.memory_space<vmem>>, vector<1x128xf32>
    %add3A_244 = vector.broadcast %get3A_243 : vector<1x128xf32> to vector<2000x128xf32>
    %add3A_245 = arith.addf %dot_general3A_240, %add3A_244 : vector<2000x128xf32>
    %max3A_246 = arith.constant 0.000000e+00 : f32
    %max3A_247 = vector.broadcast %max3A_246 : f32 to vector<2000x128xf32>
    %max3A_248 = arith.maximumf %add3A_245, %max3A_247 : vector<2000x128xf32>
    %get3A_249 = arith.constant 0 : index
    %get3A_250 = arith.constant 0 : index
    %get3A_251 = vector.load %arg39[%get3A_249, %get3A_250] : memref<128x128xf32, #tpu.memory_space<vmem>>, vector<128x128xf32>
    %dot_general3A_252 = arith.constant dense<0.000000e+00> : vector<2000x128xf32>
    %dot_general3A_253 = tpu.matmul %max3A_159, %get3A_251, %dot_general3A_252 {dimension_numbers = #tpu.dot_dimension_numbers<[1], [0], [0], [1], [0, 0, 1, 1], [], []>, transpose_lhs_hint = false} : vector<2000x128xf32>, vector<128x128xf32>, vector<2000x128xf32> -> vector<2000x128xf32>
    %get3A_254 = arith.constant 0 : index
    %get3A_255 = arith.constant 0 : index
    %get3A_256 = vector.load %arg40[%get3A_254, %get3A_255] : memref<128x128xf32, #tpu.memory_space<vmem>>, vector<128x128xf32>
    %dot_general3A_257 = arith.constant dense<0.000000e+00> : vector<2000x128xf32>
    %dot_general3A_258 = tpu.matmul %max3A_248, %get3A_256, %dot_general3A_257 {dimension_numbers = #tpu.dot_dimension_numbers<[1], [0], [0], [1], [0, 0, 1, 1], [], []>, transpose_lhs_hint = false} : vector<2000x128xf32>, vector<128x128xf32>, vector<2000x128xf32> -> vector<2000x128xf32>
    %add3A_259 = arith.addf %dot_general3A_253, %dot_general3A_258 : vector<2000x128xf32>
    %get3A_260 = arith.constant 0 : index
    %get3A_261 = arith.constant 0 : index
    %get3A_262 = vector.load %arg41[%get3A_260, %get3A_261] : memref<1x128xf32, #tpu.memory_space<vmem>>, vector<1x128xf32>
    %add3A_263 = vector.broadcast %get3A_262 : vector<1x128xf32> to vector<2000x128xf32>
    %add3A_264 = arith.addf %add3A_259, %add3A_263 : vector<2000x128xf32>
    %get3A_265 = arith.constant 0 : index
    %get3A_266 = arith.constant 0 : index
    %get3A_267 = vector.load %arg42[%get3A_265, %get3A_266] : memref<1x128xf32, #tpu.memory_space<vmem>>, vector<1x128xf32>
    %mul3A_268 = vector.broadcast %get3A_267 : vector<1x128xf32> to vector<2000x128xf32>
    %mul3A_269 = arith.mulf %add3A_264, %mul3A_268 : vector<2000x128xf32>
    %get3A_270 = arith.constant 0 : index
    %get3A_271 = arith.constant 0 : index
    %get3A_272 = vector.load %arg43[%get3A_270, %get3A_271] : memref<1x128xf32, #tpu.memory_space<vmem>>, vector<1x128xf32>
    %add3A_273 = vector.broadcast %get3A_272 : vector<1x128xf32> to vector<2000x128xf32>
    %add3A_274 = arith.addf %mul3A_269, %add3A_273 : vector<2000x128xf32>
    %max3A_275 = arith.constant 0.000000e+00 : f32
    %max3A_276 = vector.broadcast %max3A_275 : f32 to vector<2000x128xf32>
    %max3A_277 = arith.maximumf %add3A_274, %max3A_276 : vector<2000x128xf32>
    %get3A_278 = arith.constant 0 : index
    %get3A_279 = arith.constant 0 : index
    %get3A_280 = vector.load %arg44[%get3A_278, %get3A_279] : memref<128x2xf32, #tpu.memory_space<vmem>>, vector<128x2xf32>
    %dot_general3A_281 = arith.constant dense<0.000000e+00> : vector<2000x2xf32>
    %dot_general3A_282 = tpu.matmul %max3A_277, %get3A_280, %dot_general3A_281 {dimension_numbers = #tpu.dot_dimension_numbers<[1], [0], [0], [1], [0, 0, 1, 1], [], []>, transpose_lhs_hint = false} : vector<2000x128xf32>, vector<128x2xf32>, vector<2000x2xf32> -> vector<2000x2xf32>
    %get3A_283 = arith.constant 0 : index
    %get3A_284 = arith.constant 0 : index
    %get3A_285 = vector.load %arg45[%get3A_283, %get3A_284] : memref<1x2xf32, #tpu.memory_space<vmem>>, vector<1x2xf32>
    %add3A_286 = vector.broadcast %get3A_285 : vector<1x2xf32> to vector<2000x2xf32>
    %add3A_287 = arith.addf %dot_general3A_282, %add3A_286 : vector<2000x2xf32>
    %swap3A = arith.constant 0 : index
    %swap3A_288 = arith.constant 0 : index
    %swap3A_289 = vector.load %arg46[%swap3A, %swap3A_288] : memref<2000x2xf32, #tpu.memory_space<vmem>>, vector<2000x2xf32>
    tpu.vector_store %arg46[%swap3A, %swap3A_288], %add3A_287 {strides = array<i32>} : memref<2000x2xf32, #tpu.memory_space<vmem>>, vector<2000x2xf32>,
    return
  }
  func.func @transform_0(%arg0: i32) -> (i32, i32) {
    %add3A = arith.constant 5 : i32
    %add3A_0 = arith.addi %arg0, %add3A : i32
    %c0_i32 = arith.constant 0 : i32
    %c0_i32_1 = arith.constant 0 : i32
    return %add3A_0, %c0_i32 : i32, i32
  }
  func.func @transform_1(%arg0: i32) -> (i32, i32) {
    %c0_i32 = arith.constant 0 : i32
    %c0_i32_0 = arith.constant 0 : i32
    %c0_i32_1 = arith.constant 0 : i32
    return %c0_i32, %c0_i32_0 : i32, i32
  }
  func.func @transform_2(%arg0: i32) -> (i32, i32) {
    %c0_i32 = arith.constant 0 : i32
    %c0_i32_0 = arith.constant 0 : i32
    %c0_i32_1 = arith.constant 0 : i32
    return %c0_i32, %c0_i32_0 : i32, i32
  }
  func.func @transform_3(%arg0: i32) -> (i32, i32) {
    %c0_i32 = arith.constant 0 : i32
    %c0_i32_0 = arith.constant 0 : i32
    %c0_i32_1 = arith.constant 0 : i32
    return %c0_i32, %c0_i32_0 : i32, i32
  }
  func.func @transform_4(%arg0: i32) -> (i32, i32) {
    %c0_i32 = arith.constant 0 : i32
    %c0_i32_0 = arith.constant 0 : i32
    %c0_i32_1 = arith.constant 0 : i32
    return %c0_i32, %c0_i32_0 : i32, i32
  }
  func.func @transform_5(%arg0: i32) -> (i32, i32) {
    %c0_i32 = arith.constant 0 : i32
    %c0_i32_0 = arith.constant 0 : i32
    %c0_i32_1 = arith.constant 0 : i32
    return %c0_i32, %c0_i32_0 : i32, i32
  }
  func.func @transform_6(%arg0: i32) -> (i32, i32) {
    %c0_i32 = arith.constant 0 : i32
    %c0_i32_0 = arith.constant 0 : i32
    %c0_i32_1 = arith.constant 0 : i32
    return %c0_i32, %c0_i32_0 : i32, i32
  }
  func.func @transform_7(%arg0: i32) -> (i32, i32) {
    %c0_i32 = arith.constant 0 : i32
    %c0_i32_0 = arith.constant 0 : i32
    %c0_i32_1 = arith.constant 0 : i32
    return %c0_i32, %c0_i32_0 : i32, i32
  }
  func.func @transform_8(%arg0: i32) -> (i32, i32) {
    %c0_i32 = arith.constant 0 : i32
    %c0_i32_0 = arith.constant 0 : i32
    %c0_i32_1 = arith.constant 0 : i32
    return %c0_i32, %c0_i32_0 : i32, i32
  }
  func.func @transform_9(%arg0: i32) -> (i32, i32) {
    %c0_i32 = arith.constant 0 : i32
    %c0_i32_0 = arith.constant 0 : i32
    %c0_i32_1 = arith.constant 0 : i32
    return %c0_i32, %c0_i32_0 : i32, i32
  }
  func.func @transform_10(%arg0: i32) -> (i32, i32) {
    %c0_i32 = arith.constant 0 : i32
    %c0_i32_0 = arith.constant 0 : i32
    %c0_i32_1 = arith.constant 0 : i32
    return %c0_i32, %c0_i32_0 : i32, i32
  }
  func.func @transform_11(%arg0: i32) -> (i32, i32) {
    %c0_i32 = arith.constant 0 : i32
    %c0_i32_0 = arith.constant 0 : i32
    %c0_i32_1 = arith.constant 0 : i32
    return %c0_i32, %c0_i32_0 : i32, i32
  }
  func.func @transform_12(%arg0: i32) -> (i32, i32) {
    %c0_i32 = arith.constant 0 : i32
    %c0_i32_0 = arith.constant 0 : i32
    %c0_i32_1 = arith.constant 0 : i32
    return %c0_i32, %c0_i32_0 : i32, i32
  }
  func.func @transform_13(%arg0: i32) -> (i32, i32) {
    %c0_i32 = arith.constant 0 : i32
    %c0_i32_0 = arith.constant 0 : i32
    %c0_i32_1 = arith.constant 0 : i32
    return %c0_i32, %c0_i32_0 : i32, i32
  }
  func.func @transform_14(%arg0: i32) -> (i32, i32) {
    %c0_i32 = arith.constant 0 : i32
    %c0_i32_0 = arith.constant 0 : i32
    %c0_i32_1 = arith.constant 0 : i32
    return %c0_i32, %c0_i32_0 : i32, i32
  }
  func.func @transform_15(%arg0: i32) -> (i32, i32) {
    %c0_i32 = arith.constant 0 : i32
    %c0_i32_0 = arith.constant 0 : i32
    %c0_i32_1 = arith.constant 0 : i32
    return %c0_i32, %c0_i32_0 : i32, i32
  }
  func.func @transform_16(%arg0: i32) -> (i32, i32) {
    %c0_i32 = arith.constant 0 : i32
    %c0_i32_0 = arith.constant 0 : i32
    %c0_i32_1 = arith.constant 0 : i32
    return %c0_i32, %c0_i32_0 : i32, i32
  }
  func.func @transform_17(%arg0: i32) -> (i32, i32) {
    %c0_i32 = arith.constant 0 : i32
    %c0_i32_0 = arith.constant 0 : i32
    %c0_i32_1 = arith.constant 0 : i32
    return %c0_i32, %c0_i32_0 : i32, i32
  }
  func.func @transform_18(%arg0: i32) -> (i32, i32) {
    %c0_i32 = arith.constant 0 : i32
    %c0_i32_0 = arith.constant 0 : i32
    %c0_i32_1 = arith.constant 0 : i32
    return %c0_i32, %c0_i32_0 : i32, i32
  }
  func.func @transform_19(%arg0: i32) -> (i32, i32) {
    %c0_i32 = arith.constant 0 : i32
    %c0_i32_0 = arith.constant 0 : i32
    %c0_i32_1 = arith.constant 0 : i32
    return %c0_i32, %c0_i32_0 : i32, i32
  }
  func.func @transform_20(%arg0: i32) -> (i32, i32) {
    %c0_i32 = arith.constant 0 : i32
    %c0_i32_0 = arith.constant 0 : i32
    %c0_i32_1 = arith.constant 0 : i32
    return %c0_i32, %c0_i32_0 : i32, i32
  }
  func.func @transform_21(%arg0: i32) -> (i32, i32) {
    %c0_i32 = arith.constant 0 : i32
    %c0_i32_0 = arith.constant 0 : i32
    %c0_i32_1 = arith.constant 0 : i32
    return %c0_i32, %c0_i32_0 : i32, i32
  }
  func.func @transform_22(%arg0: i32) -> (i32, i32) {
    %c0_i32 = arith.constant 0 : i32
    %c0_i32_0 = arith.constant 0 : i32
    %c0_i32_1 = arith.constant 0 : i32
    return %c0_i32, %c0_i32_0 : i32, i32
  }
  func.func @transform_23(%arg0: i32) -> (i32, i32) {
    %c0_i32 = arith.constant 0 : i32
    %c0_i32_0 = arith.constant 0 : i32
    %c0_i32_1 = arith.constant 0 : i32
    return %c0_i32, %c0_i32_0 : i32, i32
  }
  func.func @transform_24(%arg0: i32) -> (i32, i32) {
    %c0_i32 = arith.constant 0 : i32
    %c0_i32_0 = arith.constant 0 : i32
    %c0_i32_1 = arith.constant 0 : i32
    return %c0_i32, %c0_i32_0 : i32, i32
  }
  func.func @transform_25(%arg0: i32) -> (i32, i32) {
    %c0_i32 = arith.constant 0 : i32
    %c0_i32_0 = arith.constant 0 : i32
    %c0_i32_1 = arith.constant 0 : i32
    return %c0_i32, %c0_i32_0 : i32, i32
  }
  func.func @transform_26(%arg0: i32) -> (i32, i32) {
    %c0_i32 = arith.constant 0 : i32
    %c0_i32_0 = arith.constant 0 : i32
    %c0_i32_1 = arith.constant 0 : i32
    return %c0_i32, %c0_i32_0 : i32, i32
  }
  func.func @transform_27(%arg0: i32) -> (i32, i32) {
    %c0_i32 = arith.constant 0 : i32
    %c0_i32_0 = arith.constant 0 : i32
    %c0_i32_1 = arith.constant 0 : i32
    return %c0_i32, %c0_i32_0 : i32, i32
  }
  func.func @transform_28(%arg0: i32) -> (i32, i32) {
    %c0_i32 = arith.constant 0 : i32
    %c0_i32_0 = arith.constant 0 : i32
    %c0_i32_1 = arith.constant 0 : i32
    return %c0_i32, %c0_i32_0 : i32, i32
  }
  func.func @transform_29(%arg0: i32) -> (i32, i32) {
    %c0_i32 = arith.constant 0 : i32
    %c0_i32_0 = arith.constant 0 : i32
    %c0_i32_1 = arith.constant 0 : i32
    return %c0_i32, %c0_i32_0 : i32, i32
  }
  func.func @transform_30(%arg0: i32) -> (i32, i32) {
    %c0_i32 = arith.constant 0 : i32
    %c0_i32_0 = arith.constant 0 : i32
    %c0_i32_1 = arith.constant 0 : i32
    return %c0_i32, %c0_i32_0 : i32, i32
  }
  func.func @transform_31(%arg0: i32) -> (i32, i32) {
    %c0_i32 = arith.constant 0 : i32
    %c0_i32_0 = arith.constant 0 : i32
    %c0_i32_1 = arith.constant 0 : i32
    return %c0_i32, %c0_i32_0 : i32, i32
  }
  func.func @transform_32(%arg0: i32) -> (i32, i32) {
    %c0_i32 = arith.constant 0 : i32
    %c0_i32_0 = arith.constant 0 : i32
    %c0_i32_1 = arith.constant 0 : i32
    return %c0_i32, %c0_i32_0 : i32, i32
  }
  func.func @transform_33(%arg0: i32) -> (i32, i32) {
    %c0_i32 = arith.constant 0 : i32
    %c0_i32_0 = arith.constant 0 : i32
    %c0_i32_1 = arith.constant 0 : i32
    return %c0_i32, %c0_i32_0 : i32, i32
  }
  func.func @transform_34(%arg0: i32) -> (i32, i32) {
    %c0_i32 = arith.constant 0 : i32
    %c0_i32_0 = arith.constant 0 : i32
    %c0_i32_1 = arith.constant 0 : i32
    return %c0_i32, %c0_i32_0 : i32, i32
  }
  func.func @transform_35(%arg0: i32) -> (i32, i32) {
    %c0_i32 = arith.constant 0 : i32
    %c0_i32_0 = arith.constant 0 : i32
    %c0_i32_1 = arith.constant 0 : i32
    return %c0_i32, %c0_i32_0 : i32, i32
  }
  func.func @transform_36(%arg0: i32) -> (i32, i32) {
    %c0_i32 = arith.constant 0 : i32
    %c0_i32_0 = arith.constant 0 : i32
    %c0_i32_1 = arith.constant 0 : i32
    return %c0_i32, %c0_i32_0 : i32, i32
  }
  func.func @transform_37(%arg0: i32) -> (i32, i32) {
    %c0_i32 = arith.constant 0 : i32
    %c0_i32_0 = arith.constant 0 : i32
    %c0_i32_1 = arith.constant 0 : i32
    return %c0_i32, %c0_i32_0 : i32, i32
  }
  func.func @transform_38(%arg0: i32) -> (i32, i32) {
    %c0_i32 = arith.constant 0 : i32
    %c0_i32_0 = arith.constant 0 : i32
    %c0_i32_1 = arith.constant 0 : i32
    return %c0_i32, %c0_i32_0 : i32, i32
  }
  func.func @transform_39(%arg0: i32) -> (i32, i32) {
    %c0_i32 = arith.constant 0 : i32
    %c0_i32_0 = arith.constant 0 : i32
    %c0_i32_1 = arith.constant 0 : i32
    return %c0_i32, %c0_i32_0 : i32, i32
  }
  func.func @transform_40(%arg0: i32) -> (i32, i32) {
    %c0_i32 = arith.constant 0 : i32
    %c0_i32_0 = arith.constant 0 : i32
    %c0_i32_1 = arith.constant 0 : i32
    return %c0_i32, %c0_i32_0 : i32, i32
  }
  func.func @transform_41(%arg0: i32) -> (i32, i32) {
    %c0_i32 = arith.constant 0 : i32
    %c0_i32_0 = arith.constant 0 : i32
    %c0_i32_1 = arith.constant 0 : i32
    return %c0_i32, %c0_i32_0 : i32, i32
  }
  func.func @transform_42(%arg0: i32) -> (i32, i32) {
    %c0_i32 = arith.constant 0 : i32
    %c0_i32_0 = arith.constant 0 : i32
    %c0_i32_1 = arith.constant 0 : i32
    return %c0_i32, %c0_i32_0 : i32, i32
  }
  func.func @transform_43(%arg0: i32) -> (i32, i32) {
    %c0_i32 = arith.constant 0 : i32
    %c0_i32_0 = arith.constant 0 : i32
    %c0_i32_1 = arith.constant 0 : i32
    return %c0_i32, %c0_i32_0 : i32, i32
  }
  func.func @transform_44(%arg0: i32) -> (i32, i32) {
    %c0_i32 = arith.constant 0 : i32
    %c0_i32_0 = arith.constant 0 : i32
    %c0_i32_1 = arith.constant 0 : i32
    return %c0_i32, %c0_i32_0 : i32, i32
  }
  func.func @transform_45(%arg0: i32) -> (i32, i32) {
    %add3A = arith.constant 0 : i32
    %add3A_0 = arith.addi %arg0, %add3A : i32
    %c0_i32 = arith.constant 0 : i32
    %c0_i32_1 = arith.constant 0 : i32
    return %add3A_0, %c0_i32 : i32, i32
  }
}

module attributes {stable_mosaic.version = 14 : i64} {
  func.func @_head_body(%arg0: i32, %arg1: memref<2000x256xf32, #tpu.memory_space<vmem>>, %arg2: memref<2000x128xf32, #tpu.memory_space<vmem>>, %arg3: memref<2000x128xf32, #tpu.memory_space<vmem>>, %arg4: memref<2000x128xf32, #tpu.memory_space<vmem>>, %arg5: memref<2000x128xf32, #tpu.memory_space<vmem>>, %arg6: memref<2000x128xf32, #tpu.memory_space<vmem>>, %arg7: memref<2000x128xf32, #tpu.memory_space<vmem>>, %arg8: memref<256x256xf32, #tpu.memory_space<vmem>>, %arg9: memref<256x256xf32, #tpu.memory_space<vmem>>, %arg10: memref<256x256xf32, #tpu.memory_space<vmem>>, %arg11: memref<1x256xf32, #tpu.memory_space<vmem>>, %arg12: memref<256x256xf32, #tpu.memory_space<vmem>>, %arg13: memref<1x256xf32, #tpu.memory_space<vmem>>, %arg14: memref<1x256xf32, #tpu.memory_space<vmem>>, %arg15: memref<1x256xf32, #tpu.memory_space<vmem>>, %arg16: memref<256x64xf32, #tpu.memory_space<vmem>>, %arg17: memref<256x64xf32, #tpu.memory_space<vmem>>, %arg18: memref<256x64xf32, #tpu.memory_space<vmem>>, %arg19: memref<1x64xf32, #tpu.memory_space<vmem>>, %arg20: memref<1x64xf32, #tpu.memory_space<vmem>>, %arg21: memref<1x64xf32, #tpu.memory_space<vmem>>, %arg22: memref<1x64xf32, #tpu.memory_space<vmem>>, %arg23: memref<64x64xf32, #tpu.memory_space<vmem>>, %arg24: memref<64x64xf32, #tpu.memory_space<vmem>>, %arg25: memref<64x64xf32, #tpu.memory_space<vmem>>, %arg26: memref<1x64xf32, #tpu.memory_space<vmem>>, %arg27: memref<1x64xf32, #tpu.memory_space<vmem>>, %arg28: memref<1x64xf32, #tpu.memory_space<vmem>>, %arg29: memref<1x64xf32, #tpu.memory_space<vmem>>, %arg30: memref<64x128xf32, #tpu.memory_space<vmem>>, %arg31: memref<1x128xf32, #tpu.memory_space<vmem>>, %arg32: memref<256x256xf32, #tpu.memory_space<vmem>>, %arg33: memref<1x256xf32, #tpu.memory_space<vmem>>, %arg34: memref<1x256xf32, #tpu.memory_space<vmem>>, %arg35: memref<1x256xf32, #tpu.memory_space<vmem>>, %arg36: memref<256x64xf32, #tpu.memory_space<vmem>>, %arg37: memref<256x64xf32, #tpu.memory_space<vmem>>, %arg38: memref<256x64xf32, #tpu.memory_space<vmem>>, %arg39: memref<1x64xf32, #tpu.memory_space<vmem>>, %arg40: memref<1x64xf32, #tpu.memory_space<vmem>>, %arg41: memref<1x64xf32, #tpu.memory_space<vmem>>, %arg42: memref<1x64xf32, #tpu.memory_space<vmem>>, %arg43: memref<64x128xf32, #tpu.memory_space<vmem>>, %arg44: memref<1x128xf32, #tpu.memory_space<vmem>>, %arg45: memref<128x128xf32, #tpu.memory_space<vmem>>, %arg46: memref<128x128xf32, #tpu.memory_space<vmem>>, %arg47: memref<1x128xf32, #tpu.memory_space<vmem>>, %arg48: memref<1x128xf32, #tpu.memory_space<vmem>>, %arg49: memref<1x128xf32, #tpu.memory_space<vmem>>, %arg50: memref<128x2xf32, #tpu.memory_space<vmem>>, %arg51: memref<1x2xf32, #tpu.memory_space<vmem>>, %arg52: memref<2000x2xf32, #tpu.memory_space<vmem>>) attributes {dimension_semantics = [#tpu.dimension_semantics<arbitrary>], iteration_bounds = array<i64: 5>, scalar_prefetch = 0 : i64, scratch_operands = 0 : i64, tpu.core_type = #tpu.core_type<tc>, window_params = [{transform_indices = @transform_0, window_bounds = array<i64: 2000, 256>}, {transform_indices = @transform_1, window_bounds = array<i64: 2000, 128>}, {transform_indices = @transform_2, window_bounds = array<i64: 2000, 128>}, {transform_indices = @transform_3, window_bounds = array<i64: 2000, 128>}, {transform_indices = @transform_4, window_bounds = array<i64: 2000, 128>}, {transform_indices = @transform_5, window_bounds = array<i64: 2000, 128>}, {transform_indices = @transform_6, window_bounds = array<i64: 2000, 128>}, {pipeline_mode = #tpu.pipeline_mode<synchronous>, transform_indices = @transform_7, window_bounds = array<i64: 256, 256>}, {pipeline_mode = #tpu.pipeline_mode<synchronous>, transform_indices = @transform_8, window_bounds = array<i64: 256, 256>}, {pipeline_mode = #tpu.pipeline_mode<synchronous>, transform_indices = @transform_9, window_bounds = array<i64: 256, 256>}, {pipeline_mode = #tpu.pipeline_mode<synchronous>, transform_indices = @transform_10, window_bounds = array<i64: 1, 256>}, {pipeline_mode = #tpu.pipeline_mode<synchronous>, transform_indices = @transform_11, window_bounds = array<i64: 256, 256>}, {pipeline_mode = #tpu.pipeline_mode<synchronous>, transform_indices = @transform_12, window_bounds = array<i64: 1, 256>}, {pipeline_mode = #tpu.pipeline_mode<synchronous>, transform_indices = @transform_13, window_bounds = array<i64: 1, 256>}, {pipeline_mode = #tpu.pipeline_mode<synchronous>, transform_indices = @transform_14, window_bounds = array<i64: 1, 256>}, {pipeline_mode = #tpu.pipeline_mode<synchronous>, transform_indices = @transform_15, window_bounds = array<i64: 256, 64>}, {pipeline_mode = #tpu.pipeline_mode<synchronous>, transform_indices = @transform_16, window_bounds = array<i64: 256, 64>}, {pipeline_mode = #tpu.pipeline_mode<synchronous>, transform_indices = @transform_17, window_bounds = array<i64: 256, 64>}, {pipeline_mode = #tpu.pipeline_mode<synchronous>, transform_indices = @transform_18, window_bounds = array<i64: 1, 64>}, {pipeline_mode = #tpu.pipeline_mode<synchronous>, transform_indices = @transform_19, window_bounds = array<i64: 1, 64>}, {pipeline_mode = #tpu.pipeline_mode<synchronous>, transform_indices = @transform_20, window_bounds = array<i64: 1, 64>}, {pipeline_mode = #tpu.pipeline_mode<synchronous>, transform_indices = @transform_21, window_bounds = array<i64: 1, 64>}, {pipeline_mode = #tpu.pipeline_mode<synchronous>, transform_indices = @transform_22, window_bounds = array<i64: 64, 64>}, {pipeline_mode = #tpu.pipeline_mode<synchronous>, transform_indices = @transform_23, window_bounds = array<i64: 64, 64>}, {pipeline_mode = #tpu.pipeline_mode<synchronous>, transform_indices = @transform_24, window_bounds = array<i64: 64, 64>}, {pipeline_mode = #tpu.pipeline_mode<synchronous>, transform_indices = @transform_25, window_bounds = array<i64: 1, 64>}, {pipeline_mode = #tpu.pipeline_mode<synchronous>, transform_indices = @transform_26, window_bounds = array<i64: 1, 64>}, {pipeline_mode = #tpu.pipeline_mode<synchronous>, transform_indices = @transform_27, window_bounds = array<i64: 1, 64>}, {pipeline_mode = #tpu.pipeline_mode<synchronous>, transform_indices = @transform_28, window_bounds = array<i64: 1, 64>}, {pipeline_mode = #tpu.pipeline_mode<synchronous>, transform_indices = @transform_29, window_bounds = array<i64: 64, 128>}, {pipeline_mode = #tpu.pipeline_mode<synchronous>, transform_indices = @transform_30, window_bounds = array<i64: 1, 128>}, {pipeline_mode = #tpu.pipeline_mode<synchronous>, transform_indices = @transform_31, window_bounds = array<i64: 256, 256>}, {pipeline_mode = #tpu.pipeline_mode<synchronous>, transform_indices = @transform_32, window_bounds = array<i64: 1, 256>}, {pipeline_mode = #tpu.pipeline_mode<synchronous>, transform_indices = @transform_33, window_bounds = array<i64: 1, 256>}, {pipeline_mode = #tpu.pipeline_mode<synchronous>, transform_indices = @transform_34, window_bounds = array<i64: 1, 256>}, {pipeline_mode = #tpu.pipeline_mode<synchronous>, transform_indices = @transform_35, window_bounds = array<i64: 256, 64>}, {pipeline_mode = #tpu.pipeline_mode<synchronous>, transform_indices = @transform_36, window_bounds = array<i64: 256, 64>}, {pipeline_mode = #tpu.pipeline_mode<synchronous>, transform_indices = @transform_37, window_bounds = array<i64: 256, 64>}, {pipeline_mode = #tpu.pipeline_mode<synchronous>, transform_indices = @transform_38, window_bounds = array<i64: 1, 64>}, {pipeline_mode = #tpu.pipeline_mode<synchronous>, transform_indices = @transform_39, window_bounds = array<i64: 1, 64>}, {pipeline_mode = #tpu.pipeline_mode<synchronous>, transform_indices = @transform_40, window_bounds = array<i64: 1, 64>}, {pipeline_mode = #tpu.pipeline_mode<synchronous>, transform_indices = @transform_41, window_bounds = array<i64: 1, 64>}, {pipeline_mode = #tpu.pipeline_mode<synchronous>, transform_indices = @transform_42, window_bounds = array<i64: 64, 128>}, {pipeline_mode = #tpu.pipeline_mode<synchronous>, transform_indices = @transform_43, window_bounds = array<i64: 1, 128>}, {pipeline_mode = #tpu.pipeline_mode<synchronous>, transform_indices = @transform_44, window_bounds = array<i64: 128, 128>}, {pipeline_mode = #tpu.pipeline_mode<synchronous>, transform_indices = @transform_45, window_bounds = array<i64: 128, 128>}, {pipeline_mode = #tpu.pipeline_mode<synchronous>, transform_indices = @transform_46, window_bounds = array<i64: 1, 128>}, {pipeline_mode = #tpu.pipeline_mode<synchronous>, transform_indices = @transform_47, window_bounds = array<i64: 1, 128>}, {pipeline_mode = #tpu.pipeline_mode<synchronous>, transform_indices = @transform_48, window_bounds = array<i64: 1, 128>}, {pipeline_mode = #tpu.pipeline_mode<synchronous>, transform_indices = @transform_49, window_bounds = array<i64: 128, 2>}, {pipeline_mode = #tpu.pipeline_mode<synchronous>, transform_indices = @transform_50, window_bounds = array<i64: 1, 2>}, {transform_indices = @transform_51, window_bounds = array<i64: 2000, 2>}]} {
    %get3A = arith.constant 0 : index
    %get3A_0 = arith.constant 0 : index
    %get3A_1 = vector.load %arg4[%get3A, %get3A_0] : memref<2000x128xf32, #tpu.memory_space<vmem>>, vector<2000x128xf32>
    %slice3A = vector.extract_strided_slice %get3A_1 {offsets = [0, 0], sizes = [2000, 1], strides = [1, 1]} : vector<2000x128xf32> to vector<2000x1xf32>
    %max3A = arith.constant 1.000000e+00 : f32
    %max3A_2 = vector.broadcast %max3A : f32 to vector<2000x1xf32>
    %max3A_3 = arith.maximumf %slice3A, %max3A_2 : vector<2000x1xf32>
    %div3A = arith.constant 1.000000e+00 : f32
    %div3A_4 = vector.broadcast %div3A : f32 to vector<2000x1xf32>
    %div3A_5 = arith.divf %div3A_4, %max3A_3 : vector<2000x1xf32>
    %get3A_6 = arith.constant 0 : index
    %get3A_7 = arith.constant 0 : index
    %get3A_8 = vector.load %arg2[%get3A_6, %get3A_7] : memref<2000x128xf32, #tpu.memory_space<vmem>>, vector<2000x128xf32>
    %mul3A = vector.broadcast %div3A_5 : vector<2000x1xf32> to vector<2000x128xf32>
    %mul3A_9 = arith.mulf %get3A_8, %mul3A : vector<2000x128xf32>
    %get3A_10 = arith.constant 0 : index
    %get3A_11 = arith.constant 0 : index
    %get3A_12 = vector.load %arg3[%get3A_10, %get3A_11] : memref<2000x128xf32, #tpu.memory_space<vmem>>, vector<2000x128xf32>
    %mul3A_13 = vector.broadcast %div3A_5 : vector<2000x1xf32> to vector<2000x128xf32>
    %mul3A_14 = arith.mulf %get3A_12, %mul3A_13 : vector<2000x128xf32>
    %get3A_15 = arith.constant 0 : index
    %get3A_16 = arith.constant 0 : index
    %get3A_17 = vector.load %arg8[%get3A_15, %get3A_16] : memref<256x256xf32, #tpu.memory_space<vmem>>, vector<256x256xf32>
    %slice3A_18 = vector.extract_strided_slice %get3A_17 {offsets = [0, 0], sizes = [128, 256], strides = [1, 1]} : vector<256x256xf32> to vector<128x256xf32>
    %dot_general3A = arith.constant dense<0.000000e+00> : vector<2000x256xf32>
    %dot_general3A_19 = tpu.matmul %mul3A_9, %slice3A_18, %dot_general3A {dimension_numbers = #tpu.dot_dimension_numbers<[1], [0], [0], [1], [0, 0, 1, 1], [], []>, transpose_lhs_hint = false} : vector<2000x128xf32>, vector<128x256xf32>, vector<2000x256xf32> -> vector<2000x256xf32>
    %slice3A_20 = vector.extract_strided_slice %get3A_17 {offsets = [128, 0], sizes = [128, 256], strides = [1, 1]} : vector<256x256xf32> to vector<128x256xf32>
    %dot_general3A_21 = arith.constant dense<0.000000e+00> : vector<2000x256xf32>
    %dot_general3A_22 = tpu.matmul %mul3A_14, %slice3A_20, %dot_general3A_21 {dimension_numbers = #tpu.dot_dimension_numbers<[1], [0], [0], [1], [0, 0, 1, 1], [], []>, transpose_lhs_hint = false} : vector<2000x128xf32>, vector<128x256xf32>, vector<2000x256xf32> -> vector<2000x256xf32>
    %add3A = arith.addf %dot_general3A_19, %dot_general3A_22 : vector<2000x256xf32>
    %get3A_23 = arith.constant 0 : index
    %get3A_24 = arith.constant 0 : index
    %get3A_25 = vector.load %arg7[%get3A_23, %get3A_24] : memref<2000x128xf32, #tpu.memory_space<vmem>>, vector<2000x128xf32>
    %slice3A_26 = vector.extract_strided_slice %get3A_25 {offsets = [0, 0], sizes = [2000, 1], strides = [1, 1]} : vector<2000x128xf32> to vector<2000x1xf32>
    %max3A_27 = arith.constant 1.000000e+00 : f32
    %max3A_28 = vector.broadcast %max3A_27 : f32 to vector<2000x1xf32>
    %max3A_29 = arith.maximumf %slice3A_26, %max3A_28 : vector<2000x1xf32>
    %div3A_30 = arith.constant 1.000000e+00 : f32
    %div3A_31 = vector.broadcast %div3A_30 : f32 to vector<2000x1xf32>
    %div3A_32 = arith.divf %div3A_31, %max3A_29 : vector<2000x1xf32>
    %get3A_33 = arith.constant 0 : index
    %get3A_34 = arith.constant 0 : index
    %get3A_35 = vector.load %arg5[%get3A_33, %get3A_34] : memref<2000x128xf32, #tpu.memory_space<vmem>>, vector<2000x128xf32>
    %mul3A_36 = vector.broadcast %div3A_32 : vector<2000x1xf32> to vector<2000x128xf32>
    %mul3A_37 = arith.mulf %get3A_35, %mul3A_36 : vector<2000x128xf32>
    %get3A_38 = arith.constant 0 : index
    %get3A_39 = arith.constant 0 : index
    %get3A_40 = vector.load %arg6[%get3A_38, %get3A_39] : memref<2000x128xf32, #tpu.memory_space<vmem>>, vector<2000x128xf32>
    %mul3A_41 = vector.broadcast %div3A_32 : vector<2000x1xf32> to vector<2000x128xf32>
    %mul3A_42 = arith.mulf %get3A_40, %mul3A_41 : vector<2000x128xf32>
    %get3A_43 = arith.constant 0 : index
    %get3A_44 = arith.constant 0 : index
    %get3A_45 = vector.load %arg9[%get3A_43, %get3A_44] : memref<256x256xf32, #tpu.memory_space<vmem>>, vector<256x256xf32>
    %slice3A_46 = vector.extract_strided_slice %get3A_45 {offsets = [0, 0], sizes = [128, 256], strides = [1, 1]} : vector<256x256xf32> to vector<128x256xf32>
    %dot_general3A_47 = arith.constant dense<0.000000e+00> : vector<2000x256xf32>
    %dot_general3A_48 = tpu.matmul %mul3A_37, %slice3A_46, %dot_general3A_47 {dimension_numbers = #tpu.dot_dimension_numbers<[1], [0], [0], [1], [0, 0, 1, 1], [], []>, transpose_lhs_hint = false} : vector<2000x128xf32>, vector<128x256xf32>, vector<2000x256xf32> -> vector<2000x256xf32>
    %slice3A_49 = vector.extract_strided_slice %get3A_45 {offsets = [128, 0], sizes = [128, 256], strides = [1, 1]} : vector<256x256xf32> to vector<128x256xf32>
    %dot_general3A_50 = arith.constant dense<0.000000e+00> : vector<2000x256xf32>
    %dot_general3A_51 = tpu.matmul %mul3A_42, %slice3A_49, %dot_general3A_50 {dimension_numbers = #tpu.dot_dimension_numbers<[1], [0], [0], [1], [0, 0, 1, 1], [], []>, transpose_lhs_hint = false} : vector<2000x128xf32>, vector<128x256xf32>, vector<2000x256xf32> -> vector<2000x256xf32>
    %add3A_52 = arith.addf %dot_general3A_48, %dot_general3A_51 : vector<2000x256xf32>
    %add3A_53 = arith.addf %add3A, %add3A_52 : vector<2000x256xf32>
    %get3A_54 = arith.constant 0 : index
    %get3A_55 = arith.constant 0 : index
    %get3A_56 = vector.load %arg1[%get3A_54, %get3A_55] : memref<2000x256xf32, #tpu.memory_space<vmem>>, vector<2000x256xf32>
    %get3A_57 = arith.constant 0 : index
    %get3A_58 = arith.constant 0 : index
    %get3A_59 = vector.load %arg10[%get3A_57, %get3A_58] : memref<256x256xf32, #tpu.memory_space<vmem>>, vector<256x256xf32>
    %dot_general3A_60 = arith.constant dense<0.000000e+00> : vector<2000x256xf32>
    %dot_general3A_61 = tpu.matmul %get3A_56, %get3A_59, %dot_general3A_60 {dimension_numbers = #tpu.dot_dimension_numbers<[1], [0], [0], [1], [0, 0, 1, 1], [], []>, transpose_lhs_hint = false} : vector<2000x256xf32>, vector<256x256xf32>, vector<2000x256xf32> -> vector<2000x256xf32>
    %get3A_62 = arith.constant 0 : index
    %get3A_63 = arith.constant 0 : index
    %get3A_64 = vector.load %arg11[%get3A_62, %get3A_63] : memref<1x256xf32, #tpu.memory_space<vmem>>, vector<1x256xf32>
    %add3A_65 = vector.broadcast %get3A_64 : vector<1x256xf32> to vector<2000x256xf32>
    %add3A_66 = arith.addf %dot_general3A_61, %add3A_65 : vector<2000x256xf32>
    %max3A_67 = arith.constant 0.000000e+00 : f32
    %max3A_68 = vector.broadcast %max3A_67 : f32 to vector<2000x256xf32>
    %max3A_69 = arith.maximumf %add3A_66, %max3A_68 : vector<2000x256xf32>
    %get3A_70 = arith.constant 0 : index
    %get3A_71 = arith.constant 0 : index
    %get3A_72 = vector.load %arg12[%get3A_70, %get3A_71] : memref<256x256xf32, #tpu.memory_space<vmem>>, vector<256x256xf32>
    %dot_general3A_73 = arith.constant dense<0.000000e+00> : vector<2000x256xf32>
    %dot_general3A_74 = tpu.matmul %max3A_69, %get3A_72, %dot_general3A_73 {dimension_numbers = #tpu.dot_dimension_numbers<[1], [0], [0], [1], [0, 0, 1, 1], [], []>, transpose_lhs_hint = false} : vector<2000x256xf32>, vector<256x256xf32>, vector<2000x256xf32> -> vector<2000x256xf32>
    %get3A_75 = arith.constant 0 : index
    %get3A_76 = arith.constant 0 : index
    %get3A_77 = vector.load %arg13[%get3A_75, %get3A_76] : memref<1x256xf32, #tpu.memory_space<vmem>>, vector<1x256xf32>
    %add3A_78 = vector.broadcast %get3A_77 : vector<1x256xf32> to vector<2000x256xf32>
    %add3A_79 = arith.addf %dot_general3A_74, %add3A_78 : vector<2000x256xf32>
    %add3A_80 = arith.addf %add3A_79, %add3A_53 : vector<2000x256xf32>
    %max3A_81 = arith.constant 0.000000e+00 : f32
    %max3A_82 = vector.broadcast %max3A_81 : f32 to vector<2000x256xf32>
    %max3A_83 = arith.maximumf %add3A_80, %max3A_82 : vector<2000x256xf32>
    %get3A_84 = arith.constant 0 : index
    %get3A_85 = arith.constant 0 : index
    %get3A_86 = vector.load %arg14[%get3A_84, %get3A_85] : memref<1x256xf32, #tpu.memory_space<vmem>>, vector<1x256xf32>
    %mul3A_87 = vector.broadcast %get3A_86 : vector<1x256xf32> to vector<2000x256xf32>
    %mul3A_88 = arith.mulf %max3A_83, %mul3A_87 : vector<2000x256xf32>
    %get3A_89 = arith.constant 0 : index
    %get3A_90 = arith.constant 0 : index
    %get3A_91 = vector.load %arg15[%get3A_89, %get3A_90] : memref<1x256xf32, #tpu.memory_space<vmem>>, vector<1x256xf32>
    %add3A_92 = vector.broadcast %get3A_91 : vector<1x256xf32> to vector<2000x256xf32>
    %add3A_93 = arith.addf %mul3A_88, %add3A_92 : vector<2000x256xf32>
    %get3A_94 = arith.constant 0 : index
    %get3A_95 = arith.constant 0 : index
    %get3A_96 = vector.load %arg16[%get3A_94, %get3A_95] : memref<256x64xf32, #tpu.memory_space<vmem>>, vector<256x64xf32>
    %dot_general3A_97 = arith.constant dense<0.000000e+00> : vector<2000x64xf32>
    %dot_general3A_98 = tpu.matmul %add3A_93, %get3A_96, %dot_general3A_97 {dimension_numbers = #tpu.dot_dimension_numbers<[1], [0], [0], [1], [0, 0, 1, 1], [], []>, transpose_lhs_hint = false} : vector<2000x256xf32>, vector<256x64xf32>, vector<2000x64xf32> -> vector<2000x64xf32>
    %get3A_99 = arith.constant 0 : index
    %get3A_100 = arith.constant 0 : index
    %get3A_101 = vector.load %arg19[%get3A_99, %get3A_100] : memref<1x64xf32, #tpu.memory_space<vmem>>, vector<1x64xf32>
    %add3A_102 = vector.broadcast %get3A_101 : vector<1x64xf32> to vector<2000x64xf32>
    %add3A_103 = arith.addf %dot_general3A_98, %add3A_102 : vector<2000x64xf32>
    %logistic3A = arith.negf %add3A_103 : vector<2000x64xf32>
    %logistic3A_104 = math.exp %logistic3A : vector<2000x64xf32>
    %logistic3A_105 = arith.constant 1.000000e+00 : f32
    %logistic3A_106 = vector.broadcast %logistic3A_105 : f32 to vector<2000x64xf32>
    %logistic3A_107 = arith.addf %logistic3A_106, %logistic3A_104 : vector<2000x64xf32>
    %logistic3A_108 = arith.divf %logistic3A_106, %logistic3A_107 : vector<2000x64xf32>
    %get3A_109 = arith.constant 0 : index
    %get3A_110 = arith.constant 0 : index
    %get3A_111 = vector.load %arg17[%get3A_109, %get3A_110] : memref<256x64xf32, #tpu.memory_space<vmem>>, vector<256x64xf32>
    %dot_general3A_112 = arith.constant dense<0.000000e+00> : vector<2000x64xf32>
    %dot_general3A_113 = tpu.matmul %add3A_93, %get3A_111, %dot_general3A_112 {dimension_numbers = #tpu.dot_dimension_numbers<[1], [0], [0], [1], [0, 0, 1, 1], [], []>, transpose_lhs_hint = false} : vector<2000x256xf32>, vector<256x64xf32>, vector<2000x64xf32> -> vector<2000x64xf32>
    %get3A_114 = arith.constant 0 : index
    %get3A_115 = arith.constant 0 : index
    %get3A_116 = vector.load %arg20[%get3A_114, %get3A_115] : memref<1x64xf32, #tpu.memory_space<vmem>>, vector<1x64xf32>
    %add3A_117 = vector.broadcast %get3A_116 : vector<1x64xf32> to vector<2000x64xf32>
    %add3A_118 = arith.addf %dot_general3A_113, %add3A_117 : vector<2000x64xf32>
    %logistic3A_119 = arith.negf %add3A_118 : vector<2000x64xf32>
    %logistic3A_120 = math.exp %logistic3A_119 : vector<2000x64xf32>
    %logistic3A_121 = arith.constant 1.000000e+00 : f32
    %logistic3A_122 = vector.broadcast %logistic3A_121 : f32 to vector<2000x64xf32>
    %logistic3A_123 = arith.addf %logistic3A_122, %logistic3A_120 : vector<2000x64xf32>
    %logistic3A_124 = arith.divf %logistic3A_122, %logistic3A_123 : vector<2000x64xf32>
    %get3A_125 = arith.constant 0 : index
    %get3A_126 = arith.constant 0 : index
    %get3A_127 = vector.load %arg18[%get3A_125, %get3A_126] : memref<256x64xf32, #tpu.memory_space<vmem>>, vector<256x64xf32>
    %dot_general3A_128 = arith.constant dense<0.000000e+00> : vector<2000x64xf32>
    %dot_general3A_129 = tpu.matmul %add3A_93, %get3A_127, %dot_general3A_128 {dimension_numbers = #tpu.dot_dimension_numbers<[1], [0], [0], [1], [0, 0, 1, 1], [], []>, transpose_lhs_hint = false} : vector<2000x256xf32>, vector<256x64xf32>, vector<2000x64xf32> -> vector<2000x64xf32>
    %get3A_130 = arith.constant 0 : index
    %get3A_131 = arith.constant 0 : index
    %get3A_132 = vector.load %arg21[%get3A_130, %get3A_131] : memref<1x64xf32, #tpu.memory_space<vmem>>, vector<1x64xf32>
    %add3A_133 = vector.broadcast %get3A_132 : vector<1x64xf32> to vector<2000x64xf32>
    %add3A_134 = arith.addf %dot_general3A_129, %add3A_133 : vector<2000x64xf32>
    %get3A_135 = arith.constant 0 : index
    %get3A_136 = arith.constant 0 : index
    %get3A_137 = vector.load %arg22[%get3A_135, %get3A_136] : memref<1x64xf32, #tpu.memory_space<vmem>>, vector<1x64xf32>
    %mul3A_138 = vector.broadcast %get3A_137 : vector<1x64xf32> to vector<2000x64xf32>
    %mul3A_139 = arith.mulf %logistic3A_108, %mul3A_138 : vector<2000x64xf32>
    %add3A_140 = arith.addf %add3A_134, %mul3A_139 : vector<2000x64xf32>
    %tanh3A = math.tanh %add3A_140 : vector<2000x64xf32>
    %sub3A = arith.constant 1.000000e+00 : f32
    %sub3A_141 = vector.broadcast %sub3A : f32 to vector<2000x64xf32>
    %sub3A_142 = arith.subf %sub3A_141, %logistic3A_124 : vector<2000x64xf32>
    %mul3A_143 = arith.mulf %sub3A_142, %tanh3A : vector<2000x64xf32>
    %get3A_144 = arith.constant 0 : index
    %get3A_145 = arith.constant 0 : index
    %get3A_146 = vector.load %arg23[%get3A_144, %get3A_145] : memref<64x64xf32, #tpu.memory_space<vmem>>, vector<64x64xf32>
    %dot_general3A_147 = arith.constant dense<0.000000e+00> : vector<2000x64xf32>
    %dot_general3A_148 = tpu.matmul %mul3A_143, %get3A_146, %dot_general3A_147 {dimension_numbers = #tpu.dot_dimension_numbers<[1], [0], [0], [1], [0, 0, 1, 1], [], []>, transpose_lhs_hint = false} : vector<2000x64xf32>, vector<64x64xf32>, vector<2000x64xf32> -> vector<2000x64xf32>
    %get3A_149 = arith.constant 0 : index
    %get3A_150 = arith.constant 0 : index
    %get3A_151 = vector.load %arg26[%get3A_149, %get3A_150] : memref<1x64xf32, #tpu.memory_space<vmem>>, vector<1x64xf32>
    %add3A_152 = vector.broadcast %get3A_151 : vector<1x64xf32> to vector<2000x64xf32>
    %add3A_153 = arith.addf %dot_general3A_148, %add3A_152 : vector<2000x64xf32>
    %logistic3A_154 = arith.negf %add3A_153 : vector<2000x64xf32>
    %logistic3A_155 = math.exp %logistic3A_154 : vector<2000x64xf32>
    %logistic3A_156 = arith.constant 1.000000e+00 : f32
    %logistic3A_157 = vector.broadcast %logistic3A_156 : f32 to vector<2000x64xf32>
    %logistic3A_158 = arith.addf %logistic3A_157, %logistic3A_155 : vector<2000x64xf32>
    %logistic3A_159 = arith.divf %logistic3A_157, %logistic3A_158 : vector<2000x64xf32>
    %get3A_160 = arith.constant 0 : index
    %get3A_161 = arith.constant 0 : index
    %get3A_162 = vector.load %arg24[%get3A_160, %get3A_161] : memref<64x64xf32, #tpu.memory_space<vmem>>, vector<64x64xf32>
    %dot_general3A_163 = arith.constant dense<0.000000e+00> : vector<2000x64xf32>
    %dot_general3A_164 = tpu.matmul %mul3A_143, %get3A_162, %dot_general3A_163 {dimension_numbers = #tpu.dot_dimension_numbers<[1], [0], [0], [1], [0, 0, 1, 1], [], []>, transpose_lhs_hint = false} : vector<2000x64xf32>, vector<64x64xf32>, vector<2000x64xf32> -> vector<2000x64xf32>
    %get3A_165 = arith.constant 0 : index
    %get3A_166 = arith.constant 0 : index
    %get3A_167 = vector.load %arg27[%get3A_165, %get3A_166] : memref<1x64xf32, #tpu.memory_space<vmem>>, vector<1x64xf32>
    %add3A_168 = vector.broadcast %get3A_167 : vector<1x64xf32> to vector<2000x64xf32>
    %add3A_169 = arith.addf %dot_general3A_164, %add3A_168 : vector<2000x64xf32>
    %logistic3A_170 = arith.negf %add3A_169 : vector<2000x64xf32>
    %logistic3A_171 = math.exp %logistic3A_170 : vector<2000x64xf32>
    %logistic3A_172 = arith.constant 1.000000e+00 : f32
    %logistic3A_173 = vector.broadcast %logistic3A_172 : f32 to vector<2000x64xf32>
    %logistic3A_174 = arith.addf %logistic3A_173, %logistic3A_171 : vector<2000x64xf32>
    %logistic3A_175 = arith.divf %logistic3A_173, %logistic3A_174 : vector<2000x64xf32>
    %get3A_176 = arith.constant 0 : index
    %get3A_177 = arith.constant 0 : index
    %get3A_178 = vector.load %arg25[%get3A_176, %get3A_177] : memref<64x64xf32, #tpu.memory_space<vmem>>, vector<64x64xf32>
    %dot_general3A_179 = arith.constant dense<0.000000e+00> : vector<2000x64xf32>
    %dot_general3A_180 = tpu.matmul %mul3A_143, %get3A_178, %dot_general3A_179 {dimension_numbers = #tpu.dot_dimension_numbers<[1], [0], [0], [1], [0, 0, 1, 1], [], []>, transpose_lhs_hint = false} : vector<2000x64xf32>, vector<64x64xf32>, vector<2000x64xf32> -> vector<2000x64xf32>
    %get3A_181 = arith.constant 0 : index
    %get3A_182 = arith.constant 0 : index
    %get3A_183 = vector.load %arg28[%get3A_181, %get3A_182] : memref<1x64xf32, #tpu.memory_space<vmem>>, vector<1x64xf32>
    %add3A_184 = vector.broadcast %get3A_183 : vector<1x64xf32> to vector<2000x64xf32>
    %add3A_185 = arith.addf %dot_general3A_180, %add3A_184 : vector<2000x64xf32>
    %get3A_186 = arith.constant 0 : index
    %get3A_187 = arith.constant 0 : index
    %get3A_188 = vector.load %arg29[%get3A_186, %get3A_187] : memref<1x64xf32, #tpu.memory_space<vmem>>, vector<1x64xf32>
    %mul3A_189 = vector.broadcast %get3A_188 : vector<1x64xf32> to vector<2000x64xf32>
    %mul3A_190 = arith.mulf %logistic3A_159, %mul3A_189 : vector<2000x64xf32>
    %add3A_191 = arith.addf %add3A_185, %mul3A_190 : vector<2000x64xf32>
    %tanh3A_192 = math.tanh %add3A_191 : vector<2000x64xf32>
    %sub3A_193 = arith.constant 1.000000e+00 : f32
    %sub3A_194 = vector.broadcast %sub3A_193 : f32 to vector<2000x64xf32>
    %sub3A_195 = arith.subf %sub3A_194, %logistic3A_175 : vector<2000x64xf32>
    %mul3A_196 = arith.mulf %sub3A_195, %tanh3A_192 : vector<2000x64xf32>
    %get3A_197 = arith.constant 0 : index
    %get3A_198 = arith.constant 0 : index
    %get3A_199 = vector.load %arg30[%get3A_197, %get3A_198] : memref<64x128xf32, #tpu.memory_space<vmem>>, vector<64x128xf32>
    %dot_general3A_200 = arith.constant dense<0.000000e+00> : vector<2000x128xf32>
    %dot_general3A_201 = tpu.matmul %mul3A_196, %get3A_199, %dot_general3A_200 {dimension_numbers = #tpu.dot_dimension_numbers<[1], [0], [0], [1], [0, 0, 1, 1], [], []>, transpose_lhs_hint = false} : vector<2000x64xf32>, vector<64x128xf32>, vector<2000x128xf32> -> vector<2000x128xf32>
    %get3A_202 = arith.constant 0 : index
    %get3A_203 = arith.constant 0 : index
    %get3A_204 = vector.load %arg31[%get3A_202, %get3A_203] : memref<1x128xf32, #tpu.memory_space<vmem>>, vector<1x128xf32>
    %add3A_205 = vector.broadcast %get3A_204 : vector<1x128xf32> to vector<2000x128xf32>
    %add3A_206 = arith.addf %dot_general3A_201, %add3A_205 : vector<2000x128xf32>
    %max3A_207 = arith.constant 0.000000e+00 : f32
    %max3A_208 = vector.broadcast %max3A_207 : f32 to vector<2000x128xf32>
    %max3A_209 = arith.maximumf %add3A_206, %max3A_208 : vector<2000x128xf32>
    %get3A_210 = arith.constant 0 : index
    %get3A_211 = arith.constant 0 : index
    %get3A_212 = vector.load %arg32[%get3A_210, %get3A_211] : memref<256x256xf32, #tpu.memory_space<vmem>>, vector<256x256xf32>
    %dot_general3A_213 = arith.constant dense<0.000000e+00> : vector<2000x256xf32>
    %dot_general3A_214 = tpu.matmul %get3A_56, %get3A_212, %dot_general3A_213 {dimension_numbers = #tpu.dot_dimension_numbers<[1], [0], [0], [1], [0, 0, 1, 1], [], []>, transpose_lhs_hint = false} : vector<2000x256xf32>, vector<256x256xf32>, vector<2000x256xf32> -> vector<2000x256xf32>
    %get3A_215 = arith.constant 0 : index
    %get3A_216 = arith.constant 0 : index
    %get3A_217 = vector.load %arg33[%get3A_215, %get3A_216] : memref<1x256xf32, #tpu.memory_space<vmem>>, vector<1x256xf32>
    %add3A_218 = vector.broadcast %get3A_217 : vector<1x256xf32> to vector<2000x256xf32>
    %add3A_219 = arith.addf %dot_general3A_214, %add3A_218 : vector<2000x256xf32>
    %max3A_220 = arith.constant 0.000000e+00 : f32
    %max3A_221 = vector.broadcast %max3A_220 : f32 to vector<2000x256xf32>
    %max3A_222 = arith.maximumf %add3A_219, %max3A_221 : vector<2000x256xf32>
    %get3A_223 = arith.constant 0 : index
    %get3A_224 = arith.constant 0 : index
    %get3A_225 = vector.load %arg34[%get3A_223, %get3A_224] : memref<1x256xf32, #tpu.memory_space<vmem>>, vector<1x256xf32>
    %mul3A_226 = vector.broadcast %get3A_225 : vector<1x256xf32> to vector<2000x256xf32>
    %mul3A_227 = arith.mulf %max3A_222, %mul3A_226 : vector<2000x256xf32>
    %get3A_228 = arith.constant 0 : index
    %get3A_229 = arith.constant 0 : index
    %get3A_230 = vector.load %arg35[%get3A_228, %get3A_229] : memref<1x256xf32, #tpu.memory_space<vmem>>, vector<1x256xf32>
    %add3A_231 = vector.broadcast %get3A_230 : vector<1x256xf32> to vector<2000x256xf32>
    %add3A_232 = arith.addf %mul3A_227, %add3A_231 : vector<2000x256xf32>
    %get3A_233 = arith.constant 0 : index
    %get3A_234 = arith.constant 0 : index
    %get3A_235 = vector.load %arg36[%get3A_233, %get3A_234] : memref<256x64xf32, #tpu.memory_space<vmem>>, vector<256x64xf32>
    %dot_general3A_236 = arith.constant dense<0.000000e+00> : vector<2000x64xf32>
    %dot_general3A_237 = tpu.matmul %add3A_232, %get3A_235, %dot_general3A_236 {dimension_numbers = #tpu.dot_dimension_numbers<[1], [0], [0], [1], [0, 0, 1, 1], [], []>, transpose_lhs_hint = false} : vector<2000x256xf32>, vector<256x64xf32>, vector<2000x64xf32> -> vector<2000x64xf32>
    %get3A_238 = arith.constant 0 : index
    %get3A_239 = arith.constant 0 : index
    %get3A_240 = vector.load %arg39[%get3A_238, %get3A_239] : memref<1x64xf32, #tpu.memory_space<vmem>>, vector<1x64xf32>
    %add3A_241 = vector.broadcast %get3A_240 : vector<1x64xf32> to vector<2000x64xf32>
    %add3A_242 = arith.addf %dot_general3A_237, %add3A_241 : vector<2000x64xf32>
    %logistic3A_243 = arith.negf %add3A_242 : vector<2000x64xf32>
    %logistic3A_244 = math.exp %logistic3A_243 : vector<2000x64xf32>
    %logistic3A_245 = arith.constant 1.000000e+00 : f32
    %logistic3A_246 = vector.broadcast %logistic3A_245 : f32 to vector<2000x64xf32>
    %logistic3A_247 = arith.addf %logistic3A_246, %logistic3A_244 : vector<2000x64xf32>
    %logistic3A_248 = arith.divf %logistic3A_246, %logistic3A_247 : vector<2000x64xf32>
    %get3A_249 = arith.constant 0 : index
    %get3A_250 = arith.constant 0 : index
    %get3A_251 = vector.load %arg37[%get3A_249, %get3A_250] : memref<256x64xf32, #tpu.memory_space<vmem>>, vector<256x64xf32>
    %dot_general3A_252 = arith.constant dense<0.000000e+00> : vector<2000x64xf32>
    %dot_general3A_253 = tpu.matmul %add3A_232, %get3A_251, %dot_general3A_252 {dimension_numbers = #tpu.dot_dimension_numbers<[1], [0], [0], [1], [0, 0, 1, 1], [], []>, transpose_lhs_hint = false} : vector<2000x256xf32>, vector<256x64xf32>, vector<2000x64xf32> -> vector<2000x64xf32>
    %get3A_254 = arith.constant 0 : index
    %get3A_255 = arith.constant 0 : index
    %get3A_256 = vector.load %arg40[%get3A_254, %get3A_255] : memref<1x64xf32, #tpu.memory_space<vmem>>, vector<1x64xf32>
    %add3A_257 = vector.broadcast %get3A_256 : vector<1x64xf32> to vector<2000x64xf32>
    %add3A_258 = arith.addf %dot_general3A_253, %add3A_257 : vector<2000x64xf32>
    %logistic3A_259 = arith.negf %add3A_258 : vector<2000x64xf32>
    %logistic3A_260 = math.exp %logistic3A_259 : vector<2000x64xf32>
    %logistic3A_261 = arith.constant 1.000000e+00 : f32
    %logistic3A_262 = vector.broadcast %logistic3A_261 : f32 to vector<2000x64xf32>
    %logistic3A_263 = arith.addf %logistic3A_262, %logistic3A_260 : vector<2000x64xf32>
    %logistic3A_264 = arith.divf %logistic3A_262, %logistic3A_263 : vector<2000x64xf32>
    %get3A_265 = arith.constant 0 : index
    %get3A_266 = arith.constant 0 : index
    %get3A_267 = vector.load %arg38[%get3A_265, %get3A_266] : memref<256x64xf32, #tpu.memory_space<vmem>>, vector<256x64xf32>
    %dot_general3A_268 = arith.constant dense<0.000000e+00> : vector<2000x64xf32>
    %dot_general3A_269 = tpu.matmul %add3A_232, %get3A_267, %dot_general3A_268 {dimension_numbers = #tpu.dot_dimension_numbers<[1], [0], [0], [1], [0, 0, 1, 1], [], []>, transpose_lhs_hint = false} : vector<2000x256xf32>, vector<256x64xf32>, vector<2000x64xf32> -> vector<2000x64xf32>
    %get3A_270 = arith.constant 0 : index
    %get3A_271 = arith.constant 0 : index
    %get3A_272 = vector.load %arg41[%get3A_270, %get3A_271] : memref<1x64xf32, #tpu.memory_space<vmem>>, vector<1x64xf32>
    %add3A_273 = vector.broadcast %get3A_272 : vector<1x64xf32> to vector<2000x64xf32>
    %add3A_274 = arith.addf %dot_general3A_269, %add3A_273 : vector<2000x64xf32>
    %get3A_275 = arith.constant 0 : index
    %get3A_276 = arith.constant 0 : index
    %get3A_277 = vector.load %arg42[%get3A_275, %get3A_276] : memref<1x64xf32, #tpu.memory_space<vmem>>, vector<1x64xf32>
    %mul3A_278 = vector.broadcast %get3A_277 : vector<1x64xf32> to vector<2000x64xf32>
    %mul3A_279 = arith.mulf %logistic3A_248, %mul3A_278 : vector<2000x64xf32>
    %add3A_280 = arith.addf %add3A_274, %mul3A_279 : vector<2000x64xf32>
    %tanh3A_281 = math.tanh %add3A_280 : vector<2000x64xf32>
    %sub3A_282 = arith.constant 1.000000e+00 : f32
    %sub3A_283 = vector.broadcast %sub3A_282 : f32 to vector<2000x64xf32>
    %sub3A_284 = arith.subf %sub3A_283, %logistic3A_264 : vector<2000x64xf32>
    %mul3A_285 = arith.mulf %sub3A_284, %tanh3A_281 : vector<2000x64xf32>
    %get3A_286 = arith.constant 0 : index
    %get3A_287 = arith.constant 0 : index
    %get3A_288 = vector.load %arg43[%get3A_286, %get3A_287] : memref<64x128xf32, #tpu.memory_space<vmem>>, vector<64x128xf32>
    %dot_general3A_289 = arith.constant dense<0.000000e+00> : vector<2000x128xf32>
    %dot_general3A_290 = tpu.matmul %mul3A_285, %get3A_288, %dot_general3A_289 {dimension_numbers = #tpu.dot_dimension_numbers<[1], [0], [0], [1], [0, 0, 1, 1], [], []>, transpose_lhs_hint = false} : vector<2000x64xf32>, vector<64x128xf32>, vector<2000x128xf32> -> vector<2000x128xf32>
    %get3A_291 = arith.constant 0 : index
    %get3A_292 = arith.constant 0 : index
    %get3A_293 = vector.load %arg44[%get3A_291, %get3A_292] : memref<1x128xf32, #tpu.memory_space<vmem>>, vector<1x128xf32>
    %add3A_294 = vector.broadcast %get3A_293 : vector<1x128xf32> to vector<2000x128xf32>
    %add3A_295 = arith.addf %dot_general3A_290, %add3A_294 : vector<2000x128xf32>
    %max3A_296 = arith.constant 0.000000e+00 : f32
    %max3A_297 = vector.broadcast %max3A_296 : f32 to vector<2000x128xf32>
    %max3A_298 = arith.maximumf %add3A_295, %max3A_297 : vector<2000x128xf32>
    %get3A_299 = arith.constant 0 : index
    %get3A_300 = arith.constant 0 : index
    %get3A_301 = vector.load %arg45[%get3A_299, %get3A_300] : memref<128x128xf32, #tpu.memory_space<vmem>>, vector<128x128xf32>
    %dot_general3A_302 = arith.constant dense<0.000000e+00> : vector<2000x128xf32>
    %dot_general3A_303 = tpu.matmul %max3A_209, %get3A_301, %dot_general3A_302 {dimension_numbers = #tpu.dot_dimension_numbers<[1], [0], [0], [1], [0, 0, 1, 1], [], []>, transpose_lhs_hint = false} : vector<2000x128xf32>, vector<128x128xf32>, vector<2000x128xf32> -> vector<2000x128xf32>
    %get3A_304 = arith.constant 0 : index
    %get3A_305 = arith.constant 0 : index
    %get3A_306 = vector.load %arg46[%get3A_304, %get3A_305] : memref<128x128xf32, #tpu.memory_space<vmem>>, vector<128x128xf32>
    %dot_general3A_307 = arith.constant dense<0.000000e+00> : vector<2000x128xf32>
    %dot_general3A_308 = tpu.matmul %max3A_298, %get3A_306, %dot_general3A_307 {dimension_numbers = #tpu.dot_dimension_numbers<[1], [0], [0], [1], [0, 0, 1, 1], [], []>, transpose_lhs_hint = false} : vector<2000x128xf32>, vector<128x128xf32>, vector<2000x128xf32> -> vector<2000x128xf32>
    %add3A_309 = arith.addf %dot_general3A_303, %dot_general3A_308 : vector<2000x128xf32>
    %get3A_310 = arith.constant 0 : index
    %get3A_311 = arith.constant 0 : index
    %get3A_312 = vector.load %arg47[%get3A_310, %get3A_311] : memref<1x128xf32, #tpu.memory_space<vmem>>, vector<1x128xf32>
    %add3A_313 = vector.broadcast %get3A_312 : vector<1x128xf32> to vector<2000x128xf32>
    %add3A_314 = arith.addf %add3A_309, %add3A_313 : vector<2000x128xf32>
    %get3A_315 = arith.constant 0 : index
    %get3A_316 = arith.constant 0 : index
    %get3A_317 = vector.load %arg48[%get3A_315, %get3A_316] : memref<1x128xf32, #tpu.memory_space<vmem>>, vector<1x128xf32>
    %mul3A_318 = vector.broadcast %get3A_317 : vector<1x128xf32> to vector<2000x128xf32>
    %mul3A_319 = arith.mulf %add3A_314, %mul3A_318 : vector<2000x128xf32>
    %get3A_320 = arith.constant 0 : index
    %get3A_321 = arith.constant 0 : index
    %get3A_322 = vector.load %arg49[%get3A_320, %get3A_321] : memref<1x128xf32, #tpu.memory_space<vmem>>, vector<1x128xf32>
    %add3A_323 = vector.broadcast %get3A_322 : vector<1x128xf32> to vector<2000x128xf32>
    %add3A_324 = arith.addf %mul3A_319, %add3A_323 : vector<2000x128xf32>
    %max3A_325 = arith.constant 0.000000e+00 : f32
    %max3A_326 = vector.broadcast %max3A_325 : f32 to vector<2000x128xf32>
    %max3A_327 = arith.maximumf %add3A_324, %max3A_326 : vector<2000x128xf32>
    %get3A_328 = arith.constant 0 : index
    %get3A_329 = arith.constant 0 : index
    %get3A_330 = vector.load %arg50[%get3A_328, %get3A_329] : memref<128x2xf32, #tpu.memory_space<vmem>>, vector<128x2xf32>
    %dot_general3A_331 = arith.constant dense<0.000000e+00> : vector<2000x2xf32>
    %dot_general3A_332 = tpu.matmul %max3A_327, %get3A_330, %dot_general3A_331 {dimension_numbers = #tpu.dot_dimension_numbers<[1], [0], [0], [1], [0, 0, 1, 1], [], []>, transpose_lhs_hint = false} : vector<2000x128xf32>, vector<128x2xf32>, vector<2000x2xf32> -> vector<2000x2xf32>
    %get3A_333 = arith.constant 0 : index
    %get3A_334 = arith.constant 0 : index
    %get3A_335 = vector.load %arg51[%get3A_333, %get3A_334] : memref<1x2xf32, #tpu.memory_space<vmem>>, vector<1x2xf32>
    %add3A_336 = vector.broadcast %get3A_335 : vector<1x2xf32> to vector<2000x2xf32>
    %add3A_337 = arith.addf %dot_general3A_332, %add3A_336 : vector<2000x2xf32>
    %swap3A = arith.constant 0 : index
    %swap3A_338 = arith.constant 0 : index
    %swap3A_339 = vector.load %arg52[%swap3A, %swap3A_338] : memref<2000x2xf32, #tpu.memory_space<vmem>>, vector<2000x2xf32>
    tpu.vector_store %arg52[%swap3A, %swap3A_338], %add3A_337 {strides = array<i32>} : memref<2000x2xf32, #tpu.memory_space<vmem>>, vector<2000x2xf32>,
    return
  }
  func.func @transform_0(%arg0: i32) -> (i32, i32) {
    %add3A = arith.constant 0 : i32
    %add3A_0 = arith.addi %arg0, %add3A : i32
    %c0_i32 = arith.constant 0 : i32
    %c0_i32_1 = arith.constant 0 : i32
    return %add3A_0, %c0_i32 : i32, i32
  }
  func.func @transform_1(%arg0: i32) -> (i32, i32) {
    %add3A = arith.constant 0 : i32
    %add3A_0 = arith.addi %arg0, %add3A : i32
    %c0_i32 = arith.constant 0 : i32
    %c0_i32_1 = arith.constant 0 : i32
    return %add3A_0, %c0_i32 : i32, i32
  }
  func.func @transform_2(%arg0: i32) -> (i32, i32) {
    %add3A = arith.constant 0 : i32
    %add3A_0 = arith.addi %arg0, %add3A : i32
    %c0_i32 = arith.constant 0 : i32
    %c0_i32_1 = arith.constant 0 : i32
    return %add3A_0, %c0_i32 : i32, i32
  }
  func.func @transform_3(%arg0: i32) -> (i32, i32) {
    %add3A = arith.constant 0 : i32
    %add3A_0 = arith.addi %arg0, %add3A : i32
    %c0_i32 = arith.constant 0 : i32
    %c0_i32_1 = arith.constant 0 : i32
    return %add3A_0, %c0_i32 : i32, i32
  }
  func.func @transform_4(%arg0: i32) -> (i32, i32) {
    %add3A = arith.constant 0 : i32
    %add3A_0 = arith.addi %arg0, %add3A : i32
    %c0_i32 = arith.constant 0 : i32
    %c0_i32_1 = arith.constant 0 : i32
    return %add3A_0, %c0_i32 : i32, i32
  }
  func.func @transform_5(%arg0: i32) -> (i32, i32) {
    %add3A = arith.constant 0 : i32
    %add3A_0 = arith.addi %arg0, %add3A : i32
    %c0_i32 = arith.constant 0 : i32
    %c0_i32_1 = arith.constant 0 : i32
    return %add3A_0, %c0_i32 : i32, i32
  }
  func.func @transform_6(%arg0: i32) -> (i32, i32) {
    %add3A = arith.constant 0 : i32
    %add3A_0 = arith.addi %arg0, %add3A : i32
    %c0_i32 = arith.constant 0 : i32
    %c0_i32_1 = arith.constant 0 : i32
    return %add3A_0, %c0_i32 : i32, i32
  }
  func.func @transform_7(%arg0: i32) -> (i32, i32) {
    %c0_i32 = arith.constant 0 : i32
    %c0_i32_0 = arith.constant 0 : i32
    %c0_i32_1 = arith.constant 0 : i32
    return %c0_i32, %c0_i32_0 : i32, i32
  }
  func.func @transform_8(%arg0: i32) -> (i32, i32) {
    %c0_i32 = arith.constant 0 : i32
    %c0_i32_0 = arith.constant 0 : i32
    %c0_i32_1 = arith.constant 0 : i32
    return %c0_i32, %c0_i32_0 : i32, i32
  }
  func.func @transform_9(%arg0: i32) -> (i32, i32) {
    %c0_i32 = arith.constant 0 : i32
    %c0_i32_0 = arith.constant 0 : i32
    %c0_i32_1 = arith.constant 0 : i32
    return %c0_i32, %c0_i32_0 : i32, i32
  }
  func.func @transform_10(%arg0: i32) -> (i32, i32) {
    %c0_i32 = arith.constant 0 : i32
    %c0_i32_0 = arith.constant 0 : i32
    %c0_i32_1 = arith.constant 0 : i32
    return %c0_i32, %c0_i32_0 : i32, i32
  }
  func.func @transform_11(%arg0: i32) -> (i32, i32) {
    %c0_i32 = arith.constant 0 : i32
    %c0_i32_0 = arith.constant 0 : i32
    %c0_i32_1 = arith.constant 0 : i32
    return %c0_i32, %c0_i32_0 : i32, i32
  }
  func.func @transform_12(%arg0: i32) -> (i32, i32) {
    %c0_i32 = arith.constant 0 : i32
    %c0_i32_0 = arith.constant 0 : i32
    %c0_i32_1 = arith.constant 0 : i32
    return %c0_i32, %c0_i32_0 : i32, i32
  }
  func.func @transform_13(%arg0: i32) -> (i32, i32) {
    %c0_i32 = arith.constant 0 : i32
    %c0_i32_0 = arith.constant 0 : i32
    %c0_i32_1 = arith.constant 0 : i32
    return %c0_i32, %c0_i32_0 : i32, i32
  }
  func.func @transform_14(%arg0: i32) -> (i32, i32) {
    %c0_i32 = arith.constant 0 : i32
    %c0_i32_0 = arith.constant 0 : i32
    %c0_i32_1 = arith.constant 0 : i32
    return %c0_i32, %c0_i32_0 : i32, i32
  }
  func.func @transform_15(%arg0: i32) -> (i32, i32) {
    %c0_i32 = arith.constant 0 : i32
    %c0_i32_0 = arith.constant 0 : i32
    %c0_i32_1 = arith.constant 0 : i32
    return %c0_i32, %c0_i32_0 : i32, i32
  }
  func.func @transform_16(%arg0: i32) -> (i32, i32) {
    %c0_i32 = arith.constant 0 : i32
    %c0_i32_0 = arith.constant 0 : i32
    %c0_i32_1 = arith.constant 0 : i32
    return %c0_i32, %c0_i32_0 : i32, i32
  }
  func.func @transform_17(%arg0: i32) -> (i32, i32) {
    %c0_i32 = arith.constant 0 : i32
    %c0_i32_0 = arith.constant 0 : i32
    %c0_i32_1 = arith.constant 0 : i32
    return %c0_i32, %c0_i32_0 : i32, i32
  }
  func.func @transform_18(%arg0: i32) -> (i32, i32) {
    %c0_i32 = arith.constant 0 : i32
    %c0_i32_0 = arith.constant 0 : i32
    %c0_i32_1 = arith.constant 0 : i32
    return %c0_i32, %c0_i32_0 : i32, i32
  }
  func.func @transform_19(%arg0: i32) -> (i32, i32) {
    %c0_i32 = arith.constant 0 : i32
    %c0_i32_0 = arith.constant 0 : i32
    %c0_i32_1 = arith.constant 0 : i32
    return %c0_i32, %c0_i32_0 : i32, i32
  }
  func.func @transform_20(%arg0: i32) -> (i32, i32) {
    %c0_i32 = arith.constant 0 : i32
    %c0_i32_0 = arith.constant 0 : i32
    %c0_i32_1 = arith.constant 0 : i32
    return %c0_i32, %c0_i32_0 : i32, i32
  }
  func.func @transform_21(%arg0: i32) -> (i32, i32) {
    %c0_i32 = arith.constant 0 : i32
    %c0_i32_0 = arith.constant 0 : i32
    %c0_i32_1 = arith.constant 0 : i32
    return %c0_i32, %c0_i32_0 : i32, i32
  }
  func.func @transform_22(%arg0: i32) -> (i32, i32) {
    %c0_i32 = arith.constant 0 : i32
    %c0_i32_0 = arith.constant 0 : i32
    %c0_i32_1 = arith.constant 0 : i32
    return %c0_i32, %c0_i32_0 : i32, i32
  }
  func.func @transform_23(%arg0: i32) -> (i32, i32) {
    %c0_i32 = arith.constant 0 : i32
    %c0_i32_0 = arith.constant 0 : i32
    %c0_i32_1 = arith.constant 0 : i32
    return %c0_i32, %c0_i32_0 : i32, i32
  }
  func.func @transform_24(%arg0: i32) -> (i32, i32) {
    %c0_i32 = arith.constant 0 : i32
    %c0_i32_0 = arith.constant 0 : i32
    %c0_i32_1 = arith.constant 0 : i32
    return %c0_i32, %c0_i32_0 : i32, i32
  }
  func.func @transform_25(%arg0: i32) -> (i32, i32) {
    %c0_i32 = arith.constant 0 : i32
    %c0_i32_0 = arith.constant 0 : i32
    %c0_i32_1 = arith.constant 0 : i32
    return %c0_i32, %c0_i32_0 : i32, i32
  }
  func.func @transform_26(%arg0: i32) -> (i32, i32) {
    %c0_i32 = arith.constant 0 : i32
    %c0_i32_0 = arith.constant 0 : i32
    %c0_i32_1 = arith.constant 0 : i32
    return %c0_i32, %c0_i32_0 : i32, i32
  }
  func.func @transform_27(%arg0: i32) -> (i32, i32) {
    %c0_i32 = arith.constant 0 : i32
    %c0_i32_0 = arith.constant 0 : i32
    %c0_i32_1 = arith.constant 0 : i32
    return %c0_i32, %c0_i32_0 : i32, i32
  }
  func.func @transform_28(%arg0: i32) -> (i32, i32) {
    %c0_i32 = arith.constant 0 : i32
    %c0_i32_0 = arith.constant 0 : i32
    %c0_i32_1 = arith.constant 0 : i32
    return %c0_i32, %c0_i32_0 : i32, i32
  }
  func.func @transform_29(%arg0: i32) -> (i32, i32) {
    %c0_i32 = arith.constant 0 : i32
    %c0_i32_0 = arith.constant 0 : i32
    %c0_i32_1 = arith.constant 0 : i32
    return %c0_i32, %c0_i32_0 : i32, i32
  }
  func.func @transform_30(%arg0: i32) -> (i32, i32) {
    %c0_i32 = arith.constant 0 : i32
    %c0_i32_0 = arith.constant 0 : i32
    %c0_i32_1 = arith.constant 0 : i32
    return %c0_i32, %c0_i32_0 : i32, i32
  }
  func.func @transform_31(%arg0: i32) -> (i32, i32) {
    %c0_i32 = arith.constant 0 : i32
    %c0_i32_0 = arith.constant 0 : i32
    %c0_i32_1 = arith.constant 0 : i32
    return %c0_i32, %c0_i32_0 : i32, i32
  }
  func.func @transform_32(%arg0: i32) -> (i32, i32) {
    %c0_i32 = arith.constant 0 : i32
    %c0_i32_0 = arith.constant 0 : i32
    %c0_i32_1 = arith.constant 0 : i32
    return %c0_i32, %c0_i32_0 : i32, i32
  }
  func.func @transform_33(%arg0: i32) -> (i32, i32) {
    %c0_i32 = arith.constant 0 : i32
    %c0_i32_0 = arith.constant 0 : i32
    %c0_i32_1 = arith.constant 0 : i32
    return %c0_i32, %c0_i32_0 : i32, i32
  }
  func.func @transform_34(%arg0: i32) -> (i32, i32) {
    %c0_i32 = arith.constant 0 : i32
    %c0_i32_0 = arith.constant 0 : i32
    %c0_i32_1 = arith.constant 0 : i32
    return %c0_i32, %c0_i32_0 : i32, i32
  }
  func.func @transform_35(%arg0: i32) -> (i32, i32) {
    %c0_i32 = arith.constant 0 : i32
    %c0_i32_0 = arith.constant 0 : i32
    %c0_i32_1 = arith.constant 0 : i32
    return %c0_i32, %c0_i32_0 : i32, i32
  }
  func.func @transform_36(%arg0: i32) -> (i32, i32) {
    %c0_i32 = arith.constant 0 : i32
    %c0_i32_0 = arith.constant 0 : i32
    %c0_i32_1 = arith.constant 0 : i32
    return %c0_i32, %c0_i32_0 : i32, i32
  }
  func.func @transform_37(%arg0: i32) -> (i32, i32) {
    %c0_i32 = arith.constant 0 : i32
    %c0_i32_0 = arith.constant 0 : i32
    %c0_i32_1 = arith.constant 0 : i32
    return %c0_i32, %c0_i32_0 : i32, i32
  }
  func.func @transform_38(%arg0: i32) -> (i32, i32) {
    %c0_i32 = arith.constant 0 : i32
    %c0_i32_0 = arith.constant 0 : i32
    %c0_i32_1 = arith.constant 0 : i32
    return %c0_i32, %c0_i32_0 : i32, i32
  }
  func.func @transform_39(%arg0: i32) -> (i32, i32) {
    %c0_i32 = arith.constant 0 : i32
    %c0_i32_0 = arith.constant 0 : i32
    %c0_i32_1 = arith.constant 0 : i32
    return %c0_i32, %c0_i32_0 : i32, i32
  }
  func.func @transform_40(%arg0: i32) -> (i32, i32) {
    %c0_i32 = arith.constant 0 : i32
    %c0_i32_0 = arith.constant 0 : i32
    %c0_i32_1 = arith.constant 0 : i32
    return %c0_i32, %c0_i32_0 : i32, i32
  }
  func.func @transform_41(%arg0: i32) -> (i32, i32) {
    %c0_i32 = arith.constant 0 : i32
    %c0_i32_0 = arith.constant 0 : i32
    %c0_i32_1 = arith.constant 0 : i32
    return %c0_i32, %c0_i32_0 : i32, i32
  }
  func.func @transform_42(%arg0: i32) -> (i32, i32) {
    %c0_i32 = arith.constant 0 : i32
    %c0_i32_0 = arith.constant 0 : i32
    %c0_i32_1 = arith.constant 0 : i32
    return %c0_i32, %c0_i32_0 : i32, i32
  }
  func.func @transform_43(%arg0: i32) -> (i32, i32) {
    %c0_i32 = arith.constant 0 : i32
    %c0_i32_0 = arith.constant 0 : i32
    %c0_i32_1 = arith.constant 0 : i32
    return %c0_i32, %c0_i32_0 : i32, i32
  }
  func.func @transform_44(%arg0: i32) -> (i32, i32) {
    %c0_i32 = arith.constant 0 : i32
    %c0_i32_0 = arith.constant 0 : i32
    %c0_i32_1 = arith.constant 0 : i32
    return %c0_i32, %c0_i32_0 : i32, i32
  }
  func.func @transform_45(%arg0: i32) -> (i32, i32) {
    %c0_i32 = arith.constant 0 : i32
    %c0_i32_0 = arith.constant 0 : i32
    %c0_i32_1 = arith.constant 0 : i32
    return %c0_i32, %c0_i32_0 : i32, i32
  }
  func.func @transform_46(%arg0: i32) -> (i32, i32) {
    %c0_i32 = arith.constant 0 : i32
    %c0_i32_0 = arith.constant 0 : i32
    %c0_i32_1 = arith.constant 0 : i32
    return %c0_i32, %c0_i32_0 : i32, i32
  }
  func.func @transform_47(%arg0: i32) -> (i32, i32) {
    %c0_i32 = arith.constant 0 : i32
    %c0_i32_0 = arith.constant 0 : i32
    %c0_i32_1 = arith.constant 0 : i32
    return %c0_i32, %c0_i32_0 : i32, i32
  }
  func.func @transform_48(%arg0: i32) -> (i32, i32) {
    %c0_i32 = arith.constant 0 : i32
    %c0_i32_0 = arith.constant 0 : i32
    %c0_i32_1 = arith.constant 0 : i32
    return %c0_i32, %c0_i32_0 : i32, i32
  }
  func.func @transform_49(%arg0: i32) -> (i32, i32) {
    %c0_i32 = arith.constant 0 : i32
    %c0_i32_0 = arith.constant 0 : i32
    %c0_i32_1 = arith.constant 0 : i32
    return %c0_i32, %c0_i32_0 : i32, i32
  }
  func.func @transform_50(%arg0: i32) -> (i32, i32) {
    %c0_i32 = arith.constant 0 : i32
    %c0_i32_0 = arith.constant 0 : i32
    %c0_i32_1 = arith.constant 0 : i32
    return %c0_i32, %c0_i32_0 : i32, i32
  }
  func.func @transform_51(%arg0: i32) -> (i32, i32) {
    %add3A = arith.constant 0 : i32
    %add3A_0 = arith.addi %arg0, %add3A : i32
    %c0_i32 = arith.constant 0 : i32
    %c0_i32_1 = arith.constant 0 : i32
    return %add3A_0, %c0_i32 : i32, i32
  }
}

</mosaic_0001>

<sc_bundles>
// kernel: kernel.11.cloned.1.call-start
scs
__scs_entry_jumppad:
0x0: {  	(pc) =	sbr.rel $0x88, $3  }
0x1: {  	(tag) =	ssettag $0x0;
	lr =	simm.s32 $0x1  }
0x2: {  	[smem:$0x3F71] =	sst lr;
	_ =	strace $0xD0000000  }
0x3: {  	_ = 	snop  }
0x4: {  	_ = 	snop  }
0x5: {  	_ = 	snop  }
0x6: {  	_ = 	snop  }
0x7: {  	_ = 	snop  }
__scs_overlays_trampoline_lowered:
0x8: {  	[smem:$0x3F80] =	sst s0  }
0x9: {  	[smem:$0x3F81] =	sst s1  }
0xa: {  	[smem:$0x3F82] =	sst s2  }
0xb: {  	[smem:$0x3F83] =	sst s3  }
0xc: {  	[smem:$0x3F84] =	sst s4  }
0xd: {  	[smem:$0x3F85] =	sst s5  }
0xe: {  	[smem:$0x3F86] =	sst s6  }
0xf: {  	[smem:$0x3F87] =	sst s7  }
0x10: {  	[smem:$0x3F88] =	sst s8  }
0x11: {  	[smem:$0x3F89] =	sst s9;
	s0 =	simm.s32 @!p0 $0x0  }
0x12: {  	s1 =	sld [smem:$0x3F6F];
	s0 =	simm.s32 @p0 $0x1  }
0x13: {  	[smem:$0x3F8A] =	sst s0;
	s0 =	simm.s32 @!p1 $0x0  }
0x14: {  	s2 =	sld [smem:$0x3F6E];
	s0 =	simm.s32 @p1 $0x1  }
0x15: {  	[smem:$0x3F8B] =	sst s0;
	s0 =	simm.s32 @!p2 $0x0  }
0x16: {  	s3 =	sld [smem:$0x3FDB];
	s0 =	simm.s32 @p2 $0x1  }
0x17: {  	s4 =	simm.s32 $0x1BF5;
	[smem:$0x3F8D] =	sst s0  }
0x18: {  	s0 =	sld [smem:$0x3F70];
	_ =	swait.ge [sflag:s4], $0x0  }
0x19: {  	s7 =	sld [smem:$0x3F71]  }
0x1a: {  	s8 =	sadd.s32 $0xFFFFE003, lr  }
0x1b: {  	s9 =	sadd.s32 $0xFFFFFEF7, lr;
	s5 =	simm.s32 $0xFFFFFFFF;
	p2 =	slt.u32 s8, $0xFFFFF086  }
0x1c: {  	p1 =	slt.u32 s9, $0xF7A;
	s5 =	simm.s32 @!p2 $0x0  }
0x1d: {  	s5 =	simm.s32 @p1 $0x1;
	p0 =	seq.s32 s7, s2  }
0x1e: {  	s7 =	smul.u32 @!p0 $0xF7A, s2;
	p2 =	seq.s32 @!p0 s5, $0x0  }
0x1f: {  	s9 =	smul.u32 $0xF7A, s1;
	s8 =	simm.s32 @!p0 $0x1BF5;
	p2 =	por !p2, p0  }
0x20: {  	[sflag:s8] =	ssyncset.s32 @!p0 $0xFFFFF086;
	s6 =	sadd.s32 @!p0 s3, s7;
	s7 =	simm.s32 @!p0 $0x108  }
0x21: {  	s3 =	sadd.s32 s3, s9;
	s6 =	sadd.s32 @!p0 $0x88, s6;
	s7 =	simm.s32 @p2 $0x1082  }
0x22: {  	[simem:s7], [sflag:s8] =	dma.local @!p0 [hbm:s6], $0xF7A  }
0x23: {  	s9 =	sor.u32 $0xD0000000, s2;
	s6 =	simm.s32 $0x108;
	_ =	swait.ge @!p0 [sflag:s8], $0x0  }
0x24: {  	s3 =	sadd.s32 $0x88, s3;
	s6 =	simm.s32 @!p1 $0x1082;
	[sflag:s4] =	ssyncset.s32 $0xFFFFF086  }
0x25: {  	[simem:s6], [sflag:s4] =	dma.local [hbm:s3], $0xF7A  }
0x26: {  	[smem:$0x3F71] =	sst s1;
	(tag) =	ssettag s2;
	_ =	strace s9  }
0x27: {  	s1 =	sld [smem:$0x3F81]  }
0x28: {  	s2 =	sld [smem:$0x3F82]  }
0x29: {  	s4 =	sld [smem:$0x3F84]  }
0x2a: {  	p0 =	seq.s32 s5, $0x0;
	s5 =	sld [smem:$0x3F85]  }
0x2b: {  	s6 =	sld [smem:$0x3F86]  }
0x2c: {  	s7 =	sld [smem:$0x3F87]  }
0x2d: {  	s3 =	simm.s32 $0x108;
	s8 =	sld [smem:$0x3F88]  }
0x2e: {  	s3 =	simm.s32 @!p0 $0x1082;
	s9 =	sld [smem:$0x3F89]  }
0x2f: {  	lr =	sadd.s32 s0, s3;
	s0 =	sld [smem:$0x3F80]  }
0x30: {  	s3 =	sld [smem:$0x3F83]  }
0x31: {  	[smem:$0x3F8C] =	sst s10  }
0x32: {  	s10 =	sld [smem:$0x3F8A];
	_ =	sdelay $0x3  }
0x33: {  	p0 =	seq.s32 s10, $0x1;
	s10 =	sld [smem:$0x3F8C];
	_ =	sdelay $0x3  }
0x34: {  	[smem:$0x3F8C] =	sst s10  }
0x35: {  	s10 =	sld [smem:$0x3F8B];
	_ =	sdelay $0x3  }
0x36: {  	p1 =	seq.s32 s10, $0x1;
	s10 =	sld [smem:$0x3F8C];
	_ =	sdelay $0x3  }
0x37: {  	[smem:$0x3F8C] =	sst s10  }
0x38: {  	s10 =	sld [smem:$0x3F8D]  }
0x39: {  	_ = 	snop;
	(pc) =	sbr.ind lr, $3  }
0x3a: {  	_ = 	snop  }
0x3b: {  	_ = 	snop  }
0x3c: {  	p2 =	seq.s32 s10, $0x1;
	s10 =	sld [smem:$0x3F8C]  }
0x3d: {  	_ =	shalt  }
0x3e: {  	_ =	shalt  }
0x3f: {  	_ =	shalt  }
0x40: {  	_ =	shalt  }
0x41: {  	_ =	shalt  }
0x42: {  	_ =	shalt  }
0x43: {  	_ =	shalt  }
0x44: {  	_ =	shalt  }
0x45: {  	_ =	shalt  }
0x46: {  	_ =	shalt  }
0x47: {  	_ =	shalt  }
0x48: {  	_ =	shalt  }
0x49: {  	_ =	shalt  }
0x4a: {  	_ =	shalt  }
0x4b: {  	_ =	shalt  }
0x4c: {  	_ =	shalt  }
0x4d: {  	_ =	shalt  }
0x4e: {  	_ =	shalt  }
0x4f: {  	_ =	shalt  }
0x50: {  	_ =	shalt  }
0x51: {  	_ =	shalt  }
0x52: {  	_ =	shalt  }
0x53: {  	_ =	shalt  }
0x54: {  	_ =	shalt  }
0x55: {  	_ =	shalt  }
0x56: {  	_ =	shalt  }
0x57: {  	_ =	shalt  }
0x58: {  	_ =	shalt  }
0x59: {  	_ =	shalt  }
0x5a: {  	_ =	shalt  }
0x5b: {  	_ =	shalt  }
0x5c: {  	_ =	shalt  }
0x5d: {  	_ =	shalt  }
0x5e: {  	_ =	shalt  }
0x5f: {  	_ =	shalt  }
0x60: {  	_ =	shalt  }
0x61: {  	_ =	shalt  }
0x62: {  	_ =	shalt  }
0x63: {  	_ =	shalt  }
0x64: {  	_ =	shalt  }
0x65: {  	_ =	shalt  }
0x66: {  	_ =	shalt  }
0x67: {  	_ =	shalt  }
0x68: {  	_ =	shalt  }
0x69: {  	_ =	shalt  }
0x6a: {  	_ =	shalt  }
0x6b: {  	_ =	shalt  }
0x6c: {  	_ =	shalt  }
0x6d: {  	_ =	shalt  }
0x6e: {  	_ =	shalt  }
0x6f: {  	_ =	shalt  }
0x70: {  	_ =	shalt  }
0x71: {  	_ =	shalt  }
0x72: {  	_ =	shalt  }
0x73: {  	_ =	shalt  }
0x74: {  	_ =	shalt  }
0x75: {  	_ =	shalt  }
0x76: {  	_ =	shalt  }
0x77: {  	_ =	shalt  }
0x78: {  	_ =	shalt  }
0x79: {  	_ =	shalt  }
0x7a: {  	_ =	shalt  }
0x7b: {  	_ =	shalt  }
0x7c: {  	_ =	shalt  }
0x7d: {  	_ =	shalt  }
0x7e: {  	_ =	shalt  }
0x7f: {  	_ =	shalt  }
0x80: {  	_ =	shalt  }
0x81: {  	_ =	shalt  }
0x82: {  	_ =	shalt  }
0x83: {  	_ =	shalt  }
0x84: {  	_ =	shalt  }
0x85: {  	_ =	shalt  }
0x86: {  	_ =	shalt  }
0x87: {  	_ =	shalt  }
.Lfunc_end0:
.L_simem_size_0:
called_computation.1_lowered:
.L_overlay_start_0:
0x88: {  	s2 =	sld [smem:$0x3FD9]  }
0x89: {  	s3 =	sld [smem:$0x3FFE];
	_ =	sdelay $0x1  }
0x8a: {  	s1 =	srdreg.scid  }
0x8b: {  	s0 =	sand.u32 $0x1, s1  }
0x8c: {  	s16 =	sshll.u32 s0, $0xA;
	s2 =	sadd.s32 s3, s2  }
0x8d: {  	s2 =	sadd.s32 s2, s16  }
0x8e: {  	[smem:$0x3F98] =	sst s2  }
0x8f: {  	_ = 	snop  }
0x90: {  	(tm) =	ssettm $0x1  }
0x91: {  	s17 =	sld [smem:$0x3FFB];
	_ =	sdelay $0x3  }
0x92: {  	_ =	strace s17  }
0x93: {  	s2 =	sld [smem:$0x3FFC];
	_ =	sdelay $0x3  }
0x94: {  	_ =	strace s2  }
0x95: {  	s2 =	sld [smem:$0x3FFD];
	_ =	sdelay $0x3  }
0x96: {  	_ =	strace s2  }
0x97: {  	_ =	strace $0x8FFFFFFF  }
0x98: {  	s18 =	sld [smem:$0x3FDB];
	_ =	sdelay $0x1  }
0x99: {  	s19 =	simm.s32 $_scs_section_size  }
0x9a: {  	s4 =	simm.s32 $_size__tile_overlayer_lowered;
	s5 =	simm.s32 $_tile_overlayer_lowered  }
0x9b: {  	s22 =	simm.s32 $0x1BFF;
	s21 =	sshll.u32 s5, $0x1;
	s2 =	sadd.s32 s19, s18  }
0x9c: {  	s6 =	simm.s32 $0x0;
	s20 =	sshll.u32 s4, $0x1;
	s4 =	sadd.s32 s21, s2  }
0x9d: {  	[timem:s6], [sflag:s22] =	dma.local [hbm:s4], s20  }
0x9e: {  	_ =	swait.ge [sflag:s22], s20  }
0x9f: {  	s3 =	ssub.s32 $0x0, s20;
	[sflag:s22] =	ssyncset.done $0x0  }
0xa0: {  	[sflag:s22] =	ssyncadd.s32 s3;
	_ =	sdelay $0x1  }
0xa1: {  	s23 =	simm.s32 $0x1B8B  }
0xa2: {  	_ =	swait.ge [sflag:s23], $0x1  }
0xa3: {  	[sflag:s23] =	ssyncset.done $0x0  }
0xa4: {  	s25 =	simm.s32 $0x1B8E;
	s24 =	sld [smem:$0x3FFE];
	[sflag:s23] =	ssyncadd.s32 $0xFFFFFFFF  }
0xa5: {  	s26 =	simm.s32 $execute0_lowered;
	[smem:$0x3FD2] =	sst s25  }
0xa6: {  	s4 =	sshll.u32 s26, $0x1;
	_ =	strace $0x80000049;
	[dreg:$0x1] =	wrdreg $0xFFFFFFFF  }
0xa7: {  	s28 =	simm.s32 $_size_execute0_lowered;
	s2 =	sadd.s32 s2, s4;
	[dreg:$0x0] =	wrdreg $0x0  }
0xa8: {  	s4 =	sshll.u32 s28, $0x1;
	[dreg:$0x2] =	wrdreg s2  }
0xa9: {  	[dreg:$0x3] =	wrdreg s4  }
0xaa: {  	[dreg:$0x4] =	wrdreg $0xC0  }
0xab: {  	_ =	task [dreg:s6], $0x5FFFF  }
0xac: {  	[dreg:$0x1] =	wrdreg $0xFFFFFFFF  }
0xad: {  	[dreg:$0x0] =	wrdreg $0x60  }
0xae: {  	[dreg:$0x2] =	wrdreg s24  }
0xaf: {  	[dreg:$0x3] =	wrdreg $0xC1000  }
0xb0: {  	[dreg:$0x4] =	wrdreg $0x9  }
0xb1: {  	_ =	task.clear_ibuf [dreg:s6], $0x5FFFF;
	_ =	strace $0x90000049  }
0xb2: {  	s29 =	simm.s32 $0x9;
	_ =	strace $0x8000004B  }
0xb3: {  	_ =	swait.ge [sflag:s29], $0x1  }
0xb4: {  	[sflag:s29] =	ssyncadd.s32 $0xFFFFFFFF  }
0xb5: {  	_ =	strace $0x9000004B  }
0xb6: {  	_ =	sfence  }
0xb7: {  	s30 =	sld [smem:$0x0];
	_ =	sdelay $0x2  }
0xb8: {  	s31 =	sshll.u32 s1, $0xD;
	s1 =	sshrl.u32 s1, $0x2  }
0xb9: {  	s3 =	sand.u32 $0x4000, s31;
	s1 =	sadd.s32 s1, s30  }
0xba: {  	s0 =	sor.u32 s3, s0;
	s1 =	sshll.u32 s1, $0x11  }
0xbb: {  	s0 =	sor.u32 s1, s0  }
0xbc: {  	s0 =	sadd.s32 $0x8F2B, s0  }
0xbd: {  	[sflag:s0] =	ssyncadd.remote.s32 $0x1  }
0xbe: {  	_ =	sfence.sel $0xFFFF  }
0xbf: {  	[dreg:$0x0] =	wrdreg $0xFFFFFFFF;
	(pc) =	sbr.abs _section_cstart, $3  }
0xc0: {  	[dreg:$0x1] =	wrdreg $0xFFFFFFFF  }
0xc1: {  	_ =	task.clear_ibuf [dreg:s6], $0x2FFFF;
	_ =	strace $0x9FFFFFFF  }
0xc2: {  	(tm) =	ssettm $0x7FFFFFFF  }
0xc3: {  	_ =	shalt  }
tec
execute0_lowered:
.L_overlay_start_1:
0x0: {  	(tag) =	ssettag $0x1  }
0x1: {  	s0 =	stileid.u32;
	s8 =	rddreg [dreg:$0x0]  }
0x2: {  	s1 =	srdreg.scid;
	s2 =	rddreg [dreg:$0x1]  }
0x3: {  	s3 =	simm.s32 $0x0;
	s20 =	simm.s32 $0x4100;
	s6 =	smul.u32 $0x620, s0  }
0x4: {  	s21 =	simm.s32 $0x2;
	s22 =	simm.s32 $0x80;
	s10 =	smul.u32 $0x3100, s0  }
0x5: {  	s23 =	simm.s32 $0x100;
	s24 =	simm.s32 $0x1;
	s11 =	smul.u32 $0x278, s0  }
0x6: {  	s7 =	sand.u32 $0x1, s1;
	[smem:$0x7FF] =	sst s3;
	s13 =	smul.u32 $0x4F000, s0  }
0x7: {  	s4 =	sadd.s32 $0xD5200, s8;
	s5 =	sadd.s32 $0x87000, s8;
	s9 =	smul.u32 $0x31000, s7  }
0x8: {  	s12 =	smul.u32 $0x2780, s7;
	_ =	strace $0x8000004A;
	s30 =	ssub.s32 $0x2, s7  }
0x9: {  	s17 =	sadd.s32 s6, s8;
	s28 =	sshrl.u32 s13, $0x2;
	s14 =	sshrl.u32 s30, $0x1  }
0xa: {  	s25 =	sadd.s32 s10, s9;
	s26 =	sadd.s32 s11, s12;
	s15 =	ssub.s32 s30, s14  }
0xb: {  	s14 =	sadd.s32 $0x1C2200, s17;
	s17 =	sadd.s32 $0x1D4800, s17;
	s6 =	sshrl.u32 s25, $0x3  }
0xc: {  	s9 =	sshll.u32 s26, $0x4;
	s19 =	sadd.s32 s6, s8;
	s6 =	sadd.s32 s28, s2  }
0xd: {  	s25 =	simm.s32 $0x8100;
	s29 =	sadd.s32 s9, s8;
	s7 =	sadd.s32 $0x10000, s6  }
0xe: {  	s15 =	smax.u32 s15, $0x1;
	s31 =	sadd.s32 $0x172400, s29;
	s9 =	sadd.s32 $0x123400, s29  }
0xf: {  	s10 =	sadd.s32 $0x1F3200, s29;
	s11 =	sadd.s32 $0x4000, s6;
	s12 =	sadd.s32 $0x8000, s6  }
0x10: {  	s26 =	simm.s32 $0x0;
	s13 =	sadd.s32 $0x1DAA00, s19;
	s16 =	sadd.s32 $0x1E6E00, s19  }
0x11: {  	v0 =	vimm.f32 $0.0e+00;
	v1 =	vimm.f32 $1.000000000e+00;
	s18 =	sadd.s32 $0xC000, s6;
	s19 =	sadd.s32 $0x1C8400, s19;
	[dreg:$0x3] =	wrdreg s31  }
.LBB2_1:
0x12: {  	s28 =	simm.s32 $0x0;
	s29 =	simm.s32 $0x200  }
.LBB2_2:
0x13: {  	p0 =	sne.s32 s29, $0xFE00;
	[tilespmem:s28+$0x4170] =	vst v0  }
0x14: {  	[tilespmem:s28+$0x4100] =	vst v0  }
0x15: {  	[tilespmem:s28+$0x4110] =	vst v0  }
.Ltmp0:
0x16: {  	[tilespmem:s28+$0x4120] =	vst v0;
	(pc) =	sbr.rel @p0 .LBB2_2-.Ltmp0, $4  }
0x17: {  	[tilespmem:s28+$0x4130] =	vst v0  }
0x18: {  	[tilespmem:s28+$0x4140] =	vst v0  }
0x19: {  	[tilespmem:s28+$0x4150] =	vst v0  }
0x1a: {  	[tilespmem:s28+$0x4160] =	vst v0;
	s28 =	sshra.s32 s29, $0x2;
	s29 =	sadd.s32 $0x200, s29  }
0x1b: {  	[tilespmem:s28+$0x4170] =	vst v0  }
0x1c: {  	[tilespmem:s28+$0x4100] =	vst v0  }
0x1d: {  	[tilespmem:s28+$0x4110] =	vst v0  }
0x1e: {  	[tilespmem:s28+$0x4120] =	vst v0  }
0x1f: {  	[tilespmem:s28+$0x4130] =	vst v0  }
0x20: {  	[tilespmem:s28+$0x4140] =	vst v0  }
0x21: {  	[tilespmem:s28+$0x4150] =	vst v0  }
0x22: {  	[tilespmem:s28+$0x4160] =	vst v0;
	s28 =	simm.s32 $0x0;
	s29 =	simm.s32 $0x200  }
.LBB2_4:
0x23: {  	p0 =	sne.s32 s29, $0xFE00;
	[tilespmem:s28+$0x8170] =	vst v1  }
0x24: {  	[tilespmem:s28+$0x8100] =	vst v1  }
0x25: {  	[tilespmem:s28+$0x8110] =	vst v1  }
.Ltmp1:
0x26: {  	[tilespmem:s28+$0x8120] =	vst v1;
	(pc) =	sbr.rel @p0 .LBB2_4-.Ltmp1, $4  }
0x27: {  	[tilespmem:s28+$0x8130] =	vst v1  }
0x28: {  	[tilespmem:s28+$0x8140] =	vst v1  }
0x29: {  	[tilespmem:s28+$0x8150] =	vst v1  }
0x2a: {  	[tilespmem:s28+$0x8160] =	vst v1;
	s28 =	sshra.s32 s29, $0x2;
	s29 =	sadd.s32 $0x200, s29  }
0x2b: {  	[tilespmem:s28+$0x8170] =	vst v1  }
0x2c: {  	[tilespmem:s28+$0x8100] =	vst v1  }
0x2d: {  	[tilespmem:s28+$0x8110] =	vst v1  }
0x2e: {  	[tilespmem:s28+$0x8120] =	vst v1  }
0x2f: {  	[tilespmem:s28+$0x8130] =	vst v1  }
0x30: {  	[tilespmem:s28+$0x8140] =	vst v1  }
0x31: {  	[tilespmem:s28+$0x8150] =	vst v1  }
0x32: {  	[tilespmem:s28+$0x8160] =	vst v1  }
0x33: {  	[spmem:s6] =	stream.linear.scatter [tilespmem:s20], [sflag:$0x2], $0x4000, $0x38;
	[tilespmem:$0x1FD00] =	vst v63  }
0x34: {  	_ =	swait.ge [sflag:s21], $0x4000  }
0x35: {  	[sflag:s21] =	ssyncset.done $0x0  }
0x36: {  	[sflag:s21] =	ssyncadd.s32 $0xFFFFC000  }
0x37: {  	[spmem:s11] =	stream.linear.scatter [tilespmem:s20], [sflag:$0x2], $0x4000, $0x38;
	[tilespmem:$0x1FD00] =	vst v63  }
0x38: {  	_ =	swait.ge [sflag:s21], $0x4000  }
0x39: {  	[sflag:s21] =	ssyncset.done $0x0  }
0x3a: {  	[sflag:s21] =	ssyncadd.s32 $0xFFFFC000  }
0x3b: {  	[spmem:s12] =	stream.linear.scatter [tilespmem:s20], [sflag:$0x2], $0x4000, $0x38;
	[tilespmem:$0x1FD00] =	vst v63  }
0x3c: {  	_ =	swait.ge [sflag:s21], $0x4000  }
0x3d: {  	[sflag:s21] =	ssyncset.done $0x0  }
0x3e: {  	[sflag:s21] =	ssyncadd.s32 $0xFFFFC000  }
0x3f: {  	[spmem:s18] =	stream.linear.scatter [tilespmem:s20], [sflag:$0x2], $0x4000, $0x38;
	[tilespmem:$0x1FD00] =	vst v63  }
0x40: {  	_ =	swait.ge [sflag:s21], $0x4000  }
0x41: {  	[sflag:s21] =	ssyncset.done $0x0  }
0x42: {  	[sflag:s21] =	ssyncadd.s32 $0xFFFFC000  }
0x43: {  	[spmem:s7] =	stream.linear.scatter [tilespmem:s20], [sflag:$0x2], $0x3C00, $0x38;
	[tilespmem:$0x1FD00] =	vst v63  }
0x44: {  	_ =	swait.ge [sflag:s21], $0x3C00  }
0x45: {  	[sflag:s21] =	ssyncset.done $0x0  }
0x46: {  	[sflag:s21] =	ssyncadd.s32 $0xFFFFC400  }
0x47: {  	s28 =	sadd.s32 $0x0, s13;
	[bflag:$0x0] =	sbarrier.arrive $0xFFFF  }
0x48: {  	[tilespmem:s3], [sflag:$0x2] =	stream.linear.gather [hbm4b:s28+s3], $0x80, $0x38;
	[tilespmem:$0x1FD00] =	vst v63  }
0x49: {  	_ =	swait.ge [sflag:s21], $0x80  }
0x4a: {  	[sflag:s21] =	ssyncset.done $0x0  }
0x4b: {  	s28 =	sadd.s32 $0x0, s14;
	[sflag:s21] =	ssyncadd.s32 $0xFFFFFF80  }
0x4c: {  	[tilespmem:s22], [sflag:$0x2] =	stream.linear.gather [hbm4b:s28+s3], $0x80, $0x38;
	[tilespmem:$0x1FD00] =	vst v63  }
0x4d: {  	_ =	swait.ge [sflag:s21], $0x80  }
0x4e: {  	[sflag:s21] =	ssyncset.done $0x0  }
0x4f: {  	[sflag:s21] =	ssyncadd.s32 $0xFFFFFF80  }
0x50: {  	[tilespmem:s23], [sflag:$0x1] =	stream.indirect.gather [hbm4b:s4+s22], $0x80, s3, s22, $0xb8;
	[tilespmem:$0x1FD00] =	vst v63  }
0x51: {  	_ =	swait.ge [sflag:s24], $0x4000  }
0x52: {  	[sflag:s24] =	ssyncset.done $0x0  }
0x53: {  	[sflag:s24] =	ssyncadd.s32 $0xFFFFC000  }
0x54: {  	[spmem:s2] =	stream.indirect.scatter.add.f32 [tilespmem:s23], [sflag:$0x2], $0x80, s22, s22, $0xb8;
	[tilespmem:$0x1FD00] =	vst v63  }
0x55: {  	_ =	swait.ge [sflag:s21], $0x4000  }
0x56: {  	s29 =	simm.s32 $0x20;
	s28 =	simm.s32 $0x10;
	[sflag:s21] =	ssyncset.done $0x0  }
.LBB2_6:
0x57: {  	s30 =	sadd.s32 s28, s13  }
0x58: {  	[sflag:s21] =	ssyncadd.s32 $0xFFFFC000;
	s31 =	smov.u32 s29;
	s1 =	sadd.s32 $0x10, s29  }
0x59: {  	[tilespmem:s3], [sflag:$0x2] =	stream.linear.gather [hbm4b:s30+s3], $0x80, $0x38;
	[tilespmem:$0x1FD00] =	vst v63  }
0x5a: {  	p0 =	sne.s32 s29, $0x610;
	_ =	swait.ge [sflag:s21], $0x80  }
0x5b: {  	[sflag:s21] =	ssyncset.done $0x0  }
0x5c: {  	s29 =	sadd.s32 s28, s14;
	s28 =	smov.u32 s31;
	[sflag:s21] =	ssyncadd.s32 $0xFFFFFF80  }
0x5d: {  	[tilespmem:s22], [sflag:$0x2] =	stream.linear.gather [hbm4b:s29+s3], $0x80, $0x38;
	[tilespmem:$0x1FD00] =	vst v63  }
0x5e: {  	_ =	swait.ge [sflag:s21], $0x80  }
0x5f: {  	[sflag:s21] =	ssyncset.done $0x0  }
0x60: {  	[sflag:s21] =	ssyncadd.s32 $0xFFFFFF80  }
0x61: {  	[tilespmem:s23], [sflag:$0x1] =	stream.indirect.gather [hbm4b:s4+s22], $0x80, s3, s22, $0xb8;
	[tilespmem:$0x1FD00] =	vst v63  }
0x62: {  	_ =	swait.ge [sflag:s24], $0x4000  }
.Ltmp2:
0x63: {  	[sflag:s24] =	ssyncset.done $0x0;
	(pc) =	sbr.rel @p0 .LBB2_6-.Ltmp2, $4  }
0x64: {  	[sflag:s24] =	ssyncadd.s32 $0xFFFFC000  }
0x65: {  	[spmem:s2] =	stream.indirect.scatter.add.f32 [tilespmem:s23], [sflag:$0x2], $0x80, s22, s22, $0xb8;
	[tilespmem:$0x1FD00] =	vst v63  }
0x66: {  	_ =	swait.ge [sflag:s21], $0x4000  }
0x67: {  	s29 =	smov.u32 s1;
	[sflag:s21] =	ssyncset.done $0x0  }
0x68: {  	s1 =	sadd.s32 s28, s13;
	[sflag:s21] =	ssyncadd.s32 $0xFFFFC000  }
0x69: {  	[tilespmem:s3], [sflag:$0x2] =	stream.linear.gather [hbm4b:s1+s3], $0x80, $0x38;
	[tilespmem:$0x1FD00] =	vst v63  }
0x6a: {  	_ =	swait.ge [sflag:s21], $0x80  }
0x6b: {  	[sflag:s21] =	ssyncset.done $0x0  }
0x6c: {  	s8 =	sadd.s32 s28, s14;
	[sflag:s21] =	ssyncadd.s32 $0xFFFFFF80  }
0x6d: {  	[tilespmem:s22], [sflag:$0x2] =	stream.linear.gather [hbm4b:s8+s3], $0x80, $0x38;
	[tilespmem:$0x1FD00] =	vst v63  }
0x6e: {  	_ =	swait.ge [sflag:s21], $0x80  }
0x6f: {  	[sflag:s21] =	ssyncset.done $0x0  }
0x70: {  	[sflag:s21] =	ssyncadd.s32 $0xFFFFFF80  }
0x71: {  	[tilespmem:s23], [sflag:$0x1] =	stream.indirect.gather [hbm4b:s4+s22], $0x80, s3, s22, $0xb8;
	[tilespmem:$0x1FD00] =	vst v63  }
0x72: {  	_ =	swait.ge [sflag:s24], $0x4000  }
0x73: {  	[sflag:s24] =	ssyncset.done $0x0  }
0x74: {  	[sflag:s24] =	ssyncadd.s32 $0xFFFFC000  }
0x75: {  	[spmem:s2] =	stream.indirect.scatter.add.f32 [tilespmem:s23], [sflag:$0x2], $0x80, s22, s22, $0xb8;
	[tilespmem:$0x1FD00] =	vst v63  }
0x76: {  	_ =	swait.ge [sflag:s21], $0x4000  }
0x77: {  	[sflag:s21] =	ssyncset.done $0x0  }
0x78: {  	s0 =	stileid.u32;
	[sflag:s21] =	ssyncadd.s32 $0xFFFFC000  }
0x79: {  	s0 =	sshll.u32 s0, $0x6;
	[bflag:$0x0] =	sbarrier.arrive $0xFFFF  }
0x7a: {  	s29 =	sshrl.u32 s6, $0x3;
	s28 =	sor.u32 $0x1C02, s0;
	s8 =	rddreg [dreg:$0x3]  }
0x7b: {  	[hbm:s8], [sflag:s28] =	dma.local [spmem:s29], $0x2780  }
0x7c: {  	_ =	swait.ge [sflag:s21], $0x2780  }
0x7d: {  	[sflag:s21] =	ssyncset.done $0x0  }
0x7e: {  	[sflag:s21] =	ssyncadd.s32 $0xFFFFD880  }
0x7f: {  	[bflag:$0x0] =	sbarrier.arrive $0xFFFF  }
0x80: {  	[spmem:s6] =	stream.linear.scatter [tilespmem:s20], [sflag:$0x2], $0x4000, $0x38;
	[tilespmem:$0x1FD00] =	vst v63  }
0x81: {  	_ =	swait.ge [sflag:s21], $0x4000  }
0x82: {  	[sflag:s21] =	ssyncset.done $0x0  }
0x83: {  	[sflag:s21] =	ssyncadd.s32 $0xFFFFC000  }
0x84: {  	[spmem:s11] =	stream.linear.scatter [tilespmem:s20], [sflag:$0x2], $0x4000, $0x38;
	[tilespmem:$0x1FD00] =	vst v63  }
0x85: {  	_ =	swait.ge [sflag:s21], $0x4000  }
0x86: {  	[sflag:s21] =	ssyncset.done $0x0  }
0x87: {  	[sflag:s21] =	ssyncadd.s32 $0xFFFFC000  }
0x88: {  	[spmem:s12] =	stream.linear.scatter [tilespmem:s20], [sflag:$0x2], $0x4000, $0x38;
	[tilespmem:$0x1FD00] =	vst v63  }
0x89: {  	_ =	swait.ge [sflag:s21], $0x4000  }
0x8a: {  	[sflag:s21] =	ssyncset.done $0x0  }
0x8b: {  	[sflag:s21] =	ssyncadd.s32 $0xFFFFC000  }
0x8c: {  	[spmem:s18] =	stream.linear.scatter [tilespmem:s20], [sflag:$0x2], $0x4000, $0x38;
	[tilespmem:$0x1FD00] =	vst v63  }
0x8d: {  	_ =	swait.ge [sflag:s21], $0x4000  }
0x8e: {  	[sflag:s21] =	ssyncset.done $0x0  }
0x8f: {  	[sflag:s21] =	ssyncadd.s32 $0xFFFFC000  }
0x90: {  	[spmem:s7] =	stream.linear.scatter [tilespmem:s20], [sflag:$0x2], $0x3C00, $0x38;
	[tilespmem:$0x1FD00] =	vst v63  }
0x91: {  	_ =	swait.ge [sflag:s21], $0x3C00  }
0x92: {  	[sflag:s21] =	ssyncset.done $0x0  }
0x93: {  	[sflag:s21] =	ssyncadd.s32 $0xFFFFC400  }
0x94: {  	s0 =	sadd.s32 $0x0, s16;
	[bflag:$0x0] =	sbarrier.arrive $0xFFFF  }
0x95: {  	[tilespmem:s3], [sflag:$0x2] =	stream.linear.gather [hbm4b:s0+s3], $0x80, $0x38;
	[tilespmem:$0x1FD00] =	vst v63  }
0x96: {  	_ =	swait.ge [sflag:s21], $0x80  }
0x97: {  	[sflag:s21] =	ssyncset.done $0x0  }
0x98: {  	s8 =	sadd.s32 $0x0, s17;
	[sflag:s21] =	ssyncadd.s32 $0xFFFFFF80  }
0x99: {  	[tilespmem:s22], [sflag:$0x2] =	stream.linear.gather [hbm4b:s8+s3], $0x80, $0x38;
	[tilespmem:$0x1FD00] =	vst v63  }
0x9a: {  	_ =	swait.ge [sflag:s21], $0x80  }
0x9b: {  	[sflag:s21] =	ssyncset.done $0x0  }
0x9c: {  	[sflag:s21] =	ssyncadd.s32 $0xFFFFFF80  }
0x9d: {  	[tilespmem:s23], [sflag:$0x1] =	stream.indirect.gather [hbm4b:s5+s22], $0x80, s3, s22, $0xb8;
	[tilespmem:$0x1FD00] =	vst v63  }
0x9e: {  	_ =	swait.ge [sflag:s24], $0x4000  }
0x9f: {  	[sflag:s24] =	ssyncset.done $0x0  }
0xa0: {  	[sflag:s24] =	ssyncadd.s32 $0xFFFFC000  }
0xa1: {  	[spmem:s2] =	stream.indirect.scatter.add.f32 [tilespmem:s23], [sflag:$0x2], $0x80, s22, s22, $0xb8;
	[tilespmem:$0x1FD00] =	vst v63  }
0xa2: {  	_ =	swait.ge [sflag:s21], $0x4000  }
0xa3: {  	s30 =	simm.s32 $0x10;
	s31 =	simm.s32 $0x20;
	[sflag:s21] =	ssyncset.done $0x0  }
.LBB2_8:
0xa4: {  	s1 =	sadd.s32 s30, s16  }
0xa5: {  	[sflag:s21] =	ssyncadd.s32 $0xFFFFC000;
	s0 =	smov.u32 s31;
	s8 =	sadd.s32 $0x10, s31  }
0xa6: {  	[tilespmem:s3], [sflag:$0x2] =	stream.linear.gather [hbm4b:s1+s3], $0x80, $0x38;
	[tilespmem:$0x1FD00] =	vst v63  }
0xa7: {  	p0 =	sne.s32 s31, $0x610;
	_ =	swait.ge [sflag:s21], $0x80  }
0xa8: {  	[sflag:s21] =	ssyncset.done $0x0  }
0xa9: {  	s1 =	sadd.s32 s30, s17;
	s30 =	smov.u32 s0;
	[sflag:s21] =	ssyncadd.s32 $0xFFFFFF80  }
0xaa: {  	[tilespmem:s22], [sflag:$0x2] =	stream.linear.gather [hbm4b:s1+s3], $0x80, $0x38;
	[tilespmem:$0x1FD00] =	vst v63  }
0xab: {  	_ =	swait.ge [sflag:s21], $0x80  }
0xac: {  	[sflag:s21] =	ssyncset.done $0x0  }
0xad: {  	[sflag:s21] =	ssyncadd.s32 $0xFFFFFF80  }
0xae: {  	[tilespmem:s23], [sflag:$0x1] =	stream.indirect.gather [hbm4b:s5+s22], $0x80, s3, s22, $0xb8;
	[tilespmem:$0x1FD00] =	vst v63  }
0xaf: {  	_ =	swait.ge [sflag:s24], $0x4000  }
.Ltmp3:
0xb0: {  	[sflag:s24] =	ssyncset.done $0x0;
	(pc) =	sbr.rel @p0 .LBB2_8-.Ltmp3, $4  }
0xb1: {  	[sflag:s24] =	ssyncadd.s32 $0xFFFFC000  }
0xb2: {  	[spmem:s2] =	stream.indirect.scatter.add.f32 [tilespmem:s23], [sflag:$0x2], $0x80, s22, s22, $0xb8;
	[tilespmem:$0x1FD00] =	vst v63  }
0xb3: {  	_ =	swait.ge [sflag:s21], $0x4000  }
0xb4: {  	s31 =	smov.u32 s8;
	[sflag:s21] =	ssyncset.done $0x0  }
0xb5: {  	s0 =	sadd.s32 s30, s16;
	[sflag:s21] =	ssyncadd.s32 $0xFFFFC000  }
0xb6: {  	[tilespmem:s3], [sflag:$0x2] =	stream.linear.gather [hbm4b:s0+s3], $0x80, $0x38;
	[tilespmem:$0x1FD00] =	vst v63  }
0xb7: {  	_ =	swait.ge [sflag:s21], $0x80  }
0xb8: {  	[sflag:s21] =	ssyncset.done $0x0  }
0xb9: {  	s1 =	sadd.s32 s30, s17;
	[sflag:s21] =	ssyncadd.s32 $0xFFFFFF80  }
0xba: {  	[tilespmem:s22], [sflag:$0x2] =	stream.linear.gather [hbm4b:s1+s3], $0x80, $0x38;
	[tilespmem:$0x1FD00] =	vst v63  }
0xbb: {  	_ =	swait.ge [sflag:s21], $0x80  }
0xbc: {  	[sflag:s21] =	ssyncset.done $0x0  }
0xbd: {  	[sflag:s21] =	ssyncadd.s32 $0xFFFFFF80  }
0xbe: {  	[tilespmem:s23], [sflag:$0x1] =	stream.indirect.gather [hbm4b:s5+s22], $0x80, s3, s22, $0xb8;
	[tilespmem:$0x1FD00] =	vst v63  }
0xbf: {  	_ =	swait.ge [sflag:s24], $0x4000  }
0xc0: {  	[sflag:s24] =	ssyncset.done $0x0  }
0xc1: {  	[sflag:s24] =	ssyncadd.s32 $0xFFFFC000  }
0xc2: {  	[spmem:s2] =	stream.indirect.scatter.add.f32 [tilespmem:s23], [sflag:$0x2], $0x80, s22, s22, $0xb8;
	[tilespmem:$0x1FD00] =	vst v63  }
0xc3: {  	_ =	swait.ge [sflag:s21], $0x4000  }
0xc4: {  	[sflag:s21] =	ssyncset.done $0x0  }
0xc5: {  	[sflag:s21] =	ssyncadd.s32 $0xFFFFC000  }
0xc6: {  	[bflag:$0x0] =	sbarrier.arrive $0xFFFF  }
0xc7: {  	[hbm:s9], [sflag:s28] =	dma.local [spmem:s29], $0x2780  }
0xc8: {  	_ =	swait.ge [sflag:s21], $0x2780  }
0xc9: {  	[sflag:s21] =	ssyncset.done $0x0  }
0xca: {  	[sflag:s21] =	ssyncadd.s32 $0xFFFFD880  }
0xcb: {  	[bflag:$0x0] =	sbarrier.arrive $0xFFFF  }
0xcc: {  	[spmem:s6] =	stream.linear.scatter [tilespmem:s20], [sflag:$0x2], $0x4000, $0x38;
	[tilespmem:$0x1FD00] =	vst v63  }
0xcd: {  	_ =	swait.ge [sflag:s21], $0x4000  }
0xce: {  	[sflag:s21] =	ssyncset.done $0x0  }
0xcf: {  	[sflag:s21] =	ssyncadd.s32 $0xFFFFC000  }
0xd0: {  	[spmem:s11] =	stream.linear.scatter [tilespmem:s20], [sflag:$0x2], $0x4000, $0x38;
	[tilespmem:$0x1FD00] =	vst v63  }
0xd1: {  	_ =	swait.ge [sflag:s21], $0x4000  }
0xd2: {  	[sflag:s21] =	ssyncset.done $0x0  }
0xd3: {  	[sflag:s21] =	ssyncadd.s32 $0xFFFFC000  }
0xd4: {  	[spmem:s12] =	stream.linear.scatter [tilespmem:s20], [sflag:$0x2], $0x4000, $0x38;
	[tilespmem:$0x1FD00] =	vst v63  }
0xd5: {  	_ =	swait.ge [sflag:s21], $0x4000  }
0xd6: {  	[sflag:s21] =	ssyncset.done $0x0  }
0xd7: {  	[sflag:s21] =	ssyncadd.s32 $0xFFFFC000  }
0xd8: {  	[spmem:s18] =	stream.linear.scatter [tilespmem:s20], [sflag:$0x2], $0x4000, $0x38;
	[tilespmem:$0x1FD00] =	vst v63  }
0xd9: {  	_ =	swait.ge [sflag:s21], $0x4000  }
0xda: {  	[sflag:s21] =	ssyncset.done $0x0  }
0xdb: {  	[sflag:s21] =	ssyncadd.s32 $0xFFFFC000  }
0xdc: {  	[spmem:s7] =	stream.linear.scatter [tilespmem:s20], [sflag:$0x2], $0x3C00, $0x38;
	[tilespmem:$0x1FD00] =	vst v63  }
0xdd: {  	_ =	swait.ge [sflag:s21], $0x3C00  }
0xde: {  	[sflag:s21] =	ssyncset.done $0x0  }
0xdf: {  	[sflag:s21] =	ssyncadd.s32 $0xFFFFC400  }
0xe0: {  	s8 =	sadd.s32 $0x0, s19;
	[bflag:$0x0] =	sbarrier.arrive $0xFFFF  }
0xe1: {  	[tilespmem:s22], [sflag:$0x2] =	stream.linear.gather [hbm4b:s8+s3], $0x80, $0x38;
	[tilespmem:$0x1FD00] =	vst v63  }
0xe2: {  	_ =	swait.ge [sflag:s21], $0x80  }
0xe3: {  	[sflag:s21] =	ssyncset.done $0x0  }
0xe4: {  	[sflag:s21] =	ssyncadd.s32 $0xFFFFFF80  }
0xe5: {  	[spmem:s2] =	stream.indirect.scatter.add.f32 [tilespmem:s25], [sflag:$0x2], $0x80, s22, s22, $0xb8;
	[tilespmem:$0x1FD00] =	vst v63  }
0xe6: {  	_ =	swait.ge [sflag:s21], $0x4000  }
0xe7: {  	s30 =	simm.s32 $0x10;
	s31 =	simm.s32 $0x20;
	[sflag:s21] =	ssyncset.done $0x0  }
.LBB2_10:
0xe8: {  	s0 =	sadd.s32 s30, s19  }
0xe9: {  	[sflag:s21] =	ssyncadd.s32 $0xFFFFC000;
	s30 =	smov.u32 s31;
	s1 =	sadd.s32 $0x10, s31  }
0xea: {  	[tilespmem:s22], [sflag:$0x2] =	stream.linear.gather [hbm4b:s0+s3], $0x80, $0x38;
	[tilespmem:$0x1FD00] =	vst v63  }
0xeb: {  	p0 =	sne.s32 s31, $0x610;
	_ =	swait.ge [sflag:s21], $0x80  }
.Ltmp4:
0xec: {  	[sflag:s21] =	ssyncset.done $0x0;
	(pc) =	sbr.rel @p0 .LBB2_10-.Ltmp4, $4  }
0xed: {  	[sflag:s21] =	ssyncadd.s32 $0xFFFFFF80  }
0xee: {  	[spmem:s2] =	stream.indirect.scatter.add.f32 [tilespmem:s25], [sflag:$0x2], $0x80, s22, s22, $0xb8;
	[tilespmem:$0x1FD00] =	vst v63  }
0xef: {  	_ =	swait.ge [sflag:s21], $0x4000  }
0xf0: {  	s31 =	smov.u32 s1;
	[sflag:s21] =	ssyncset.done $0x0  }
0xf1: {  	s0 =	sadd.s32 s30, s19;
	[sflag:s21] =	ssyncadd.s32 $0xFFFFC000  }
0xf2: {  	[tilespmem:s22], [sflag:$0x2] =	stream.linear.gather [hbm4b:s0+s3], $0x80, $0x38;
	[tilespmem:$0x1FD00] =	vst v63  }
0xf3: {  	_ =	swait.ge [sflag:s21], $0x80  }
0xf4: {  	[sflag:s21] =	ssyncset.done $0x0  }
0xf5: {  	[sflag:s21] =	ssyncadd.s32 $0xFFFFFF80  }
0xf6: {  	[spmem:s2] =	stream.indirect.scatter.add.f32 [tilespmem:s25], [sflag:$0x2], $0x80, s22, s22, $0xb8;
	[tilespmem:$0x1FD00] =	vst v63  }
0xf7: {  	_ =	swait.ge [sflag:s21], $0x4000  }
0xf8: {  	s26 =	sadd.s32 $0x1, s26;
	[sflag:s21] =	ssyncset.done $0x0  }
0xf9: {  	p0 =	sne.s32 s26, s15;
	[sflag:s21] =	ssyncadd.s32 $0xFFFFC000  }
.Ltmp5:
0xfa: {  	[bflag:$0x0] =	sbarrier.arrive $0xFFFF;
	(pc) =	sbr.rel @p0 .LBB2_1-.Ltmp5, $4  }
0xfb: {  	[hbm:s10], [sflag:s28] =	dma.local [spmem:s29], $0x2780  }
0xfc: {  	_ =	swait.ge [sflag:s21], $0x2780  }
0xfd: {  	[sflag:s21] =	ssyncset.done $0x0  }
0xfe: {  	[sflag:s21] =	ssyncadd.s32 $0xFFFFD880  }
0xff: {  	_ =	sfence.sel $0x180000  }
0x100: {  	[bflag:$0x0] =	sbarrier.arrive $0xFFFF  }
0x101: {  	_ =	strace $0x9000004A  }
0x102: {  	s0 =	stileid.u32;
	[bflag:$0x2] =	sbarrier.arrive $0xFFFF  }
0x103: {  	p0 =	sne.s32 s0, $0x0;
	s0 =	rddreg [dreg:$0x2]  }
0x104: {  	s0 =	sadd.s32 @!p0 $0x100000, s0  }
0x105: {  	[sflag:s0] =	ssyncadd.tile.s32 @!p0 $0x1;
	_ =	shalt  }
.Lfunc_end2:
_tile_overlayer_lowered:
.L_overlay_start_2:
0x106: {  	(tag) =	ssettag $0x2  }
0x107: {  	s0 =	rddreg [dreg:$0x0];
	s2 =	stileid.u32  }
0x108: {  	s1 =	rddreg [dreg:$0x1];
	p0 =	sne.s32 s2, $0x0  }
0x109: {  	s3 =	rddreg [dreg:$0x2];
	[bflag:$0x3] =	sbarrier.arrive $0xFFFF;
	s2 =	simm.s32 @!p0 $0x1C02  }
0x10a: {  	[timem:s3], [sflag:s2] =	dma.local @!p0 [hbm:s0], s1  }
0x10b: {  	s0 =	simm.s32 @!p0 $0x2  }
0x10c: {  	_ =	swait.ge @!p0 [sflag:s0], s1  }
0x10d: {  	s1 =	ssub.s32 @!p0 $0x0, s1;
	[sflag:s0] =	ssyncset.done @!p0 $0x0  }
0x10e: {  	[sflag:s0] =	ssyncadd.s32 @!p0 s1  }
0x10f: {  	[bflag:$0x3] =	sbarrier.arrive $0xFFFF  }
0x110: {  	_ =	shalt  }

// kernel: kernel.8.cloned.1.call-start
scs
__scs_entry_jumppad:
0x0: {  	(pc) =	sbr.rel $0x88, $3  }
0x1: {  	(tag) =	ssettag $0x0;
	lr =	simm.s32 $0x1  }
0x2: {  	[smem:$0x3F71] =	sst lr;
	_ =	strace $0xD0000000  }
0x3: {  	_ = 	snop  }
0x4: {  	_ = 	snop  }
0x5: {  	_ = 	snop  }
0x6: {  	_ = 	snop  }
0x7: {  	_ = 	snop  }
__scs_overlays_trampoline_lowered:
0x8: {  	[smem:$0x3F80] =	sst s0  }
0x9: {  	[smem:$0x3F81] =	sst s1  }
0xa: {  	[smem:$0x3F82] =	sst s2  }
0xb: {  	[smem:$0x3F83] =	sst s3  }
0xc: {  	[smem:$0x3F84] =	sst s4  }
0xd: {  	[smem:$0x3F85] =	sst s5  }
0xe: {  	[smem:$0x3F86] =	sst s6  }
0xf: {  	[smem:$0x3F87] =	sst s7  }
0x10: {  	[smem:$0x3F88] =	sst s8  }
0x11: {  	[smem:$0x3F89] =	sst s9;
	s0 =	simm.s32 @!p0 $0x0  }
0x12: {  	s1 =	sld [smem:$0x3F6F];
	s0 =	simm.s32 @p0 $0x1  }
0x13: {  	[smem:$0x3F8A] =	sst s0;
	s0 =	simm.s32 @!p1 $0x0  }
0x14: {  	s2 =	sld [smem:$0x3F6E];
	s0 =	simm.s32 @p1 $0x1  }
0x15: {  	[smem:$0x3F8B] =	sst s0;
	s0 =	simm.s32 @!p2 $0x0  }
0x16: {  	s3 =	sld [smem:$0x3FDB];
	s0 =	simm.s32 @p2 $0x1  }
0x17: {  	s4 =	simm.s32 $0x1BF5;
	[smem:$0x3F8D] =	sst s0  }
0x18: {  	s0 =	sld [smem:$0x3F70];
	_ =	swait.ge [sflag:s4], $0x0  }
0x19: {  	s7 =	sld [smem:$0x3F71]  }
0x1a: {  	s8 =	sadd.s32 $0xFFFFE003, lr  }
0x1b: {  	s9 =	sadd.s32 $0xFFFFFEF7, lr;
	s5 =	simm.s32 $0xFFFFFFFF;
	p2 =	slt.u32 s8, $0xFFFFF086  }
0x1c: {  	p1 =	slt.u32 s9, $0xF7A;
	s5 =	simm.s32 @!p2 $0x0  }
0x1d: {  	s5 =	simm.s32 @p1 $0x1;
	p0 =	seq.s32 s7, s2  }
0x1e: {  	s7 =	smul.u32 @!p0 $0xF7A, s2;
	p2 =	seq.s32 @!p0 s5, $0x0  }
0x1f: {  	s9 =	smul.u32 $0xF7A, s1;
	s8 =	simm.s32 @!p0 $0x1BF5;
	p2 =	por !p2, p0  }
0x20: {  	[sflag:s8] =	ssyncset.s32 @!p0 $0xFFFFF086;
	s6 =	sadd.s32 @!p0 s3, s7;
	s7 =	simm.s32 @!p0 $0x108  }
0x21: {  	s3 =	sadd.s32 s3, s9;
	s6 =	sadd.s32 @!p0 $0x88, s6;
	s7 =	simm.s32 @p2 $0x1082  }
0x22: {  	[simem:s7], [sflag:s8] =	dma.local @!p0 [hbm:s6], $0xF7A  }
0x23: {  	s9 =	sor.u32 $0xD0000000, s2;
	s6 =	simm.s32 $0x108;
	_ =	swait.ge @!p0 [sflag:s8], $0x0  }
0x24: {  	s3 =	sadd.s32 $0x88, s3;
	s6 =	simm.s32 @!p1 $0x1082;
	[sflag:s4] =	ssyncset.s32 $0xFFFFF086  }
0x25: {  	[simem:s6], [sflag:s4] =	dma.local [hbm:s3], $0xF7A  }
0x26: {  	[smem:$0x3F71] =	sst s1;
	(tag) =	ssettag s2;
	_ =	strace s9  }
0x27: {  	s1 =	sld [smem:$0x3F81]  }
0x28: {  	s2 =	sld [smem:$0x3F82]  }
0x29: {  	s4 =	sld [smem:$0x3F84]  }
0x2a: {  	p0 =	seq.s32 s5, $0x0;
	s5 =	sld [smem:$0x3F85]  }
0x2b: {  	s6 =	sld [smem:$0x3F86]  }
0x2c: {  	s7 =	sld [smem:$0x3F87]  }
0x2d: {  	s3 =	simm.s32 $0x108;
	s8 =	sld [smem:$0x3F88]  }
0x2e: {  	s3 =	simm.s32 @!p0 $0x1082;
	s9 =	sld [smem:$0x3F89]  }
0x2f: {  	lr =	sadd.s32 s0, s3;
	s0 =	sld [smem:$0x3F80]  }
0x30: {  	s3 =	sld [smem:$0x3F83]  }
0x31: {  	[smem:$0x3F8C] =	sst s10  }
0x32: {  	s10 =	sld [smem:$0x3F8A];
	_ =	sdelay $0x3  }
0x33: {  	p0 =	seq.s32 s10, $0x1;
	s10 =	sld [smem:$0x3F8C];
	_ =	sdelay $0x3  }
0x34: {  	[smem:$0x3F8C] =	sst s10  }
0x35: {  	s10 =	sld [smem:$0x3F8B];
	_ =	sdelay $0x3  }
0x36: {  	p1 =	seq.s32 s10, $0x1;
	s10 =	sld [smem:$0x3F8C];
	_ =	sdelay $0x3  }
0x37: {  	[smem:$0x3F8C] =	sst s10  }
0x38: {  	s10 =	sld [smem:$0x3F8D]  }
0x39: {  	_ = 	snop;
	(pc) =	sbr.ind lr, $3  }
0x3a: {  	_ = 	snop  }
0x3b: {  	_ = 	snop  }
0x3c: {  	p2 =	seq.s32 s10, $0x1;
	s10 =	sld [smem:$0x3F8C]  }
0x3d: {  	_ =	shalt  }
0x3e: {  	_ =	shalt  }
0x3f: {  	_ =	shalt  }
0x40: {  	_ =	shalt  }
0x41: {  	_ =	shalt  }
0x42: {  	_ =	shalt  }
0x43: {  	_ =	shalt  }
0x44: {  	_ =	shalt  }
0x45: {  	_ =	shalt  }
0x46: {  	_ =	shalt  }
0x47: {  	_ =	shalt  }
0x48: {  	_ =	shalt  }
0x49: {  	_ =	shalt  }
0x4a: {  	_ =	shalt  }
0x4b: {  	_ =	shalt  }
0x4c: {  	_ =	shalt  }
0x4d: {  	_ =	shalt  }
0x4e: {  	_ =	shalt  }
0x4f: {  	_ =	shalt  }
0x50: {  	_ =	shalt  }
0x51: {  	_ =	shalt  }
0x52: {  	_ =	shalt  }
0x53: {  	_ =	shalt  }
0x54: {  	_ =	shalt  }
0x55: {  	_ =	shalt  }
0x56: {  	_ =	shalt  }
0x57: {  	_ =	shalt  }
0x58: {  	_ =	shalt  }
0x59: {  	_ =	shalt  }
0x5a: {  	_ =	shalt  }
0x5b: {  	_ =	shalt  }
0x5c: {  	_ =	shalt  }
0x5d: {  	_ =	shalt  }
0x5e: {  	_ =	shalt  }
0x5f: {  	_ =	shalt  }
0x60: {  	_ =	shalt  }
0x61: {  	_ =	shalt  }
0x62: {  	_ =	shalt  }
0x63: {  	_ =	shalt  }
0x64: {  	_ =	shalt  }
0x65: {  	_ =	shalt  }
0x66: {  	_ =	shalt  }
0x67: {  	_ =	shalt  }
0x68: {  	_ =	shalt  }
0x69: {  	_ =	shalt  }
0x6a: {  	_ =	shalt  }
0x6b: {  	_ =	shalt  }
0x6c: {  	_ =	shalt  }
0x6d: {  	_ =	shalt  }
0x6e: {  	_ =	shalt  }
0x6f: {  	_ =	shalt  }
0x70: {  	_ =	shalt  }
0x71: {  	_ =	shalt  }
0x72: {  	_ =	shalt  }
0x73: {  	_ =	shalt  }
0x74: {  	_ =	shalt  }
0x75: {  	_ =	shalt  }
0x76: {  	_ =	shalt  }
0x77: {  	_ =	shalt  }
0x78: {  	_ =	shalt  }
0x79: {  	_ =	shalt  }
0x7a: {  	_ =	shalt  }
0x7b: {  	_ =	shalt  }
0x7c: {  	_ =	shalt  }
0x7d: {  	_ =	shalt  }
0x7e: {  	_ =	shalt  }
0x7f: {  	_ =	shalt  }
0x80: {  	_ =	shalt  }
0x81: {  	_ =	shalt  }
0x82: {  	_ =	shalt  }
0x83: {  	_ =	shalt  }
0x84: {  	_ =	shalt  }
0x85: {  	_ =	shalt  }
0x86: {  	_ =	shalt  }
0x87: {  	_ =	shalt  }
.Lfunc_end0:
.L_simem_size_0:
called_computation_lowered:
.L_overlay_start_0:
0x88: {  	s2 =	sld [smem:$0x3FD9]  }
0x89: {  	s3 =	sld [smem:$0x3FFE];
	_ =	sdelay $0x1  }
0x8a: {  	s1 =	srdreg.scid  }
0x8b: {  	s0 =	sand.u32 $0x1, s1  }
0x8c: {  	s16 =	sshll.u32 s0, $0xA;
	s2 =	sadd.s32 s3, s2  }
0x8d: {  	s2 =	sadd.s32 s2, s16  }
0x8e: {  	[smem:$0x3F98] =	sst s2  }
0x8f: {  	_ = 	snop  }
0x90: {  	(tm) =	ssettm $0x1  }
0x91: {  	s17 =	sld [smem:$0x3FFB];
	_ =	sdelay $0x3  }
0x92: {  	_ =	strace s17  }
0x93: {  	s2 =	sld [smem:$0x3FFC];
	_ =	sdelay $0x3  }
0x94: {  	_ =	strace s2  }
0x95: {  	s2 =	sld [smem:$0x3FFD];
	_ =	sdelay $0x3  }
0x96: {  	_ =	strace s2  }
0x97: {  	_ =	strace $0x8FFFFFFF  }
0x98: {  	s18 =	sld [smem:$0x3FDB];
	_ =	sdelay $0x1  }
0x99: {  	s19 =	simm.s32 $_scs_section_size  }
0x9a: {  	s4 =	simm.s32 $_size__tile_overlayer_lowered;
	s5 =	simm.s32 $_tile_overlayer_lowered  }
0x9b: {  	s22 =	simm.s32 $0x1BFF;
	s21 =	sshll.u32 s5, $0x1;
	s2 =	sadd.s32 s19, s18  }
0x9c: {  	s6 =	simm.s32 $0x0;
	s20 =	sshll.u32 s4, $0x1;
	s4 =	sadd.s32 s21, s2  }
0x9d: {  	[timem:s6], [sflag:s22] =	dma.local [hbm:s4], s20  }
0x9e: {  	_ =	swait.ge [sflag:s22], s20  }
0x9f: {  	s3 =	ssub.s32 $0x0, s20;
	[sflag:s22] =	ssyncset.done $0x0  }
0xa0: {  	[sflag:s22] =	ssyncadd.s32 s3;
	_ =	sdelay $0x1  }
0xa1: {  	s23 =	simm.s32 $0x1B8B  }
0xa2: {  	_ =	swait.ge [sflag:s23], $0x1  }
0xa3: {  	[sflag:s23] =	ssyncset.done $0x0  }
0xa4: {  	s25 =	simm.s32 $0x1B8E;
	s24 =	sld [smem:$0x3FFE];
	[sflag:s23] =	ssyncadd.s32 $0xFFFFFFFF  }
0xa5: {  	s26 =	simm.s32 $execute0_lowered;
	[smem:$0x3FD2] =	sst s25  }
0xa6: {  	s4 =	sshll.u32 s26, $0x1;
	_ =	strace $0x80000046;
	[dreg:$0x1] =	wrdreg $0xFFFFFFFF  }
0xa7: {  	s28 =	simm.s32 $_size_execute0_lowered;
	s2 =	sadd.s32 s2, s4;
	[dreg:$0x0] =	wrdreg $0x0  }
0xa8: {  	s4 =	sshll.u32 s28, $0x1;
	[dreg:$0x2] =	wrdreg s2  }
0xa9: {  	[dreg:$0x3] =	wrdreg s4  }
0xaa: {  	[dreg:$0x4] =	wrdreg $0xC0  }
0xab: {  	_ =	task [dreg:s6], $0x5FFFF  }
0xac: {  	[dreg:$0x1] =	wrdreg $0xFFFFFFFF  }
0xad: {  	[dreg:$0x0] =	wrdreg $0x60  }
0xae: {  	[dreg:$0x2] =	wrdreg s24  }
0xaf: {  	[dreg:$0x3] =	wrdreg $0xC1000  }
0xb0: {  	[dreg:$0x4] =	wrdreg $0x9  }
0xb1: {  	_ =	task.clear_ibuf [dreg:s6], $0x5FFFF;
	_ =	strace $0x90000046  }
0xb2: {  	s29 =	simm.s32 $0x9;
	_ =	strace $0x80000048  }
0xb3: {  	_ =	swait.ge [sflag:s29], $0x1  }
0xb4: {  	[sflag:s29] =	ssyncadd.s32 $0xFFFFFFFF  }
0xb5: {  	_ =	strace $0x90000048  }
0xb6: {  	_ =	sfence  }
0xb7: {  	s30 =	sld [smem:$0x0];
	_ =	sdelay $0x2  }
0xb8: {  	s31 =	sshll.u32 s1, $0xD;
	s1 =	sshrl.u32 s1, $0x2  }
0xb9: {  	s3 =	sand.u32 $0x4000, s31;
	s1 =	sadd.s32 s1, s30  }
0xba: {  	s0 =	sor.u32 s3, s0;
	s1 =	sshll.u32 s1, $0x11  }
0xbb: {  	s0 =	sor.u32 s1, s0  }
0xbc: {  	s0 =	sadd.s32 $0x8F2B, s0  }
0xbd: {  	[sflag:s0] =	ssyncadd.remote.s32 $0x1  }
0xbe: {  	_ =	sfence.sel $0xFFFF  }
0xbf: {  	[dreg:$0x0] =	wrdreg $0xFFFFFFFF;
	(pc) =	sbr.abs _section_cstart, $3  }
0xc0: {  	[dreg:$0x1] =	wrdreg $0xFFFFFFFF  }
0xc1: {  	_ =	task.clear_ibuf [dreg:s6], $0x2FFFF;
	_ =	strace $0x9FFFFFFF  }
0xc2: {  	(tm) =	ssettm $0x7FFFFFFF  }
0xc3: {  	_ =	shalt  }
tec
execute0_lowered:
.L_overlay_start_1:
0x0: {  	(tag) =	ssettag $0x1  }
0x1: {  	s0 =	stileid.u32;
	s5 =	rddreg [dreg:$0x0]  }
0x2: {  	s1 =	srdreg.scid;
	s2 =	rddreg [dreg:$0x1];
	s3 =	simm.s32 $0x0  }
0x3: {  	s19 =	simm.s32 $0x4100;
	s20 =	simm.s32 $0x2;
	s6 =	smul.u32 $0x620, s0  }
0x4: {  	s21 =	simm.s32 $0x80;
	s22 =	simm.s32 $0x100;
	s8 =	smul.u32 $0x3100, s0  }
0x5: {  	s23 =	simm.s32 $0x1;
	s24 =	simm.s32 $0x8100;
	s9 =	smul.u32 $0x278, s0  }
0x6: {  	s7 =	sand.u32 $0x1, s1;
	[smem:$0x7FF] =	sst s3;
	s11 =	smul.u32 $0x4F000, s0  }
0x7: {  	s25 =	simm.s32 $0x0;
	s4 =	smul.u32 $0x31000, s7;
	_ =	strace $0x80000047  }
0x8: {  	s10 =	smul.u32 $0x2780, s7;
	s7 =	ssub.s32 $0x2, s7;
	s17 =	sadd.s32 s6, s5  }
0x9: {  	s28 =	sshrl.u32 s11, $0x2;
	s30 =	sshrl.u32 s7, $0x1;
	s8 =	sadd.s32 s8, s4  }
0xa: {  	s4 =	sadd.s32 $0x87000, s5;
	s26 =	sadd.s32 s9, s10;
	s31 =	ssub.s32 s7, s30  }
0xb: {  	s15 =	sadd.s32 $0x20600, s17;
	s17 =	sadd.s32 $0x26800, s17;
	s6 =	sshll.u32 s26, $0x4  }
0xc: {  	s8 =	sshrl.u32 s8, $0x3;
	s10 =	smax.u32 s31, $0x1;
	s29 =	sadd.s32 s6, s5  }
0xd: {  	s18 =	sadd.s32 s8, s5;
	s5 =	sadd.s32 s28, s2;
	s7 =	sadd.s32 $0x173200, s29  }
0xe: {  	s6 =	sadd.s32 $0x10000, s5;
	s8 =	sadd.s32 $0x124200, s29;
	s9 =	sadd.s32 $0xD5200, s29  }
0xf: {  	s11 =	sadd.s32 $0x4000, s5;
	s12 =	sadd.s32 $0x8000, s5;
	s13 =	sadd.s32 $0xC000, s5  }
0x10: {  	v0 =	vimm.f32 $0.0e+00;
	v1 =	vimm.f32 $1.000000000e+00;
	s14 =	sadd.s32 $0x7E00, s18;
	s16 =	sadd.s32 $0x14200, s18;
	s18 =	sadd.s32 $0x2CA00, s18  }
.LBB2_1:
0x11: {  	s26 =	simm.s32 $0x0;
	s28 =	simm.s32 $0x200  }
.LBB2_2:
0x12: {  	p0 =	sne.s32 s28, $0xFE00;
	[tilespmem:s26+$0x4170] =	vst v0  }
0x13: {  	[tilespmem:s26+$0x4100] =	vst v0  }
0x14: {  	[tilespmem:s26+$0x4110] =	vst v0  }
.Ltmp0:
0x15: {  	[tilespmem:s26+$0x4120] =	vst v0;
	(pc) =	sbr.rel @p0 .LBB2_2-.Ltmp0, $4  }
0x16: {  	[tilespmem:s26+$0x4130] =	vst v0  }
0x17: {  	[tilespmem:s26+$0x4140] =	vst v0  }
0x18: {  	[tilespmem:s26+$0x4150] =	vst v0  }
0x19: {  	[tilespmem:s26+$0x4160] =	vst v0;
	s26 =	sshra.s32 s28, $0x2;
	s28 =	sadd.s32 $0x200, s28  }
0x1a: {  	[tilespmem:s26+$0x4170] =	vst v0  }
0x1b: {  	[tilespmem:s26+$0x4100] =	vst v0  }
0x1c: {  	[tilespmem:s26+$0x4110] =	vst v0  }
0x1d: {  	[tilespmem:s26+$0x4120] =	vst v0  }
0x1e: {  	[tilespmem:s26+$0x4130] =	vst v0  }
0x1f: {  	[tilespmem:s26+$0x4140] =	vst v0  }
0x20: {  	[tilespmem:s26+$0x4150] =	vst v0  }
0x21: {  	[tilespmem:s26+$0x4160] =	vst v0;
	s26 =	simm.s32 $0x0;
	s28 =	simm.s32 $0x200  }
.LBB2_4:
0x22: {  	p0 =	sne.s32 s28, $0xFE00;
	[tilespmem:s26+$0x8170] =	vst v1  }
0x23: {  	[tilespmem:s26+$0x8100] =	vst v1  }
0x24: {  	[tilespmem:s26+$0x8110] =	vst v1  }
.Ltmp1:
0x25: {  	[tilespmem:s26+$0x8120] =	vst v1;
	(pc) =	sbr.rel @p0 .LBB2_4-.Ltmp1, $4  }
0x26: {  	[tilespmem:s26+$0x8130] =	vst v1  }
0x27: {  	[tilespmem:s26+$0x8140] =	vst v1  }
0x28: {  	[tilespmem:s26+$0x8150] =	vst v1  }
0x29: {  	[tilespmem:s26+$0x8160] =	vst v1;
	s26 =	sshra.s32 s28, $0x2;
	s28 =	sadd.s32 $0x200, s28  }
0x2a: {  	[tilespmem:s26+$0x8170] =	vst v1  }
0x2b: {  	[tilespmem:s26+$0x8100] =	vst v1  }
0x2c: {  	[tilespmem:s26+$0x8110] =	vst v1  }
0x2d: {  	[tilespmem:s26+$0x8120] =	vst v1  }
0x2e: {  	[tilespmem:s26+$0x8130] =	vst v1  }
0x2f: {  	[tilespmem:s26+$0x8140] =	vst v1  }
0x30: {  	[tilespmem:s26+$0x8150] =	vst v1  }
0x31: {  	[tilespmem:s26+$0x8160] =	vst v1  }
0x32: {  	[spmem:s5] =	stream.linear.scatter [tilespmem:s19], [sflag:$0x2], $0x4000, $0x38;
	[tilespmem:$0x1FD00] =	vst v63  }
0x33: {  	_ =	swait.ge [sflag:s20], $0x4000  }
0x34: {  	[sflag:s20] =	ssyncset.done $0x0  }
0x35: {  	[sflag:s20] =	ssyncadd.s32 $0xFFFFC000  }
0x36: {  	[spmem:s11] =	stream.linear.scatter [tilespmem:s19], [sflag:$0x2], $0x4000, $0x38;
	[tilespmem:$0x1FD00] =	vst v63  }
0x37: {  	_ =	swait.ge [sflag:s20], $0x4000  }
0x38: {  	[sflag:s20] =	ssyncset.done $0x0  }
0x39: {  	[sflag:s20] =	ssyncadd.s32 $0xFFFFC000  }
0x3a: {  	[spmem:s12] =	stream.linear.scatter [tilespmem:s19], [sflag:$0x2], $0x4000, $0x38;
	[tilespmem:$0x1FD00] =	vst v63  }
0x3b: {  	_ =	swait.ge [sflag:s20], $0x4000  }
0x3c: {  	[sflag:s20] =	ssyncset.done $0x0  }
0x3d: {  	[sflag:s20] =	ssyncadd.s32 $0xFFFFC000  }
0x3e: {  	[spmem:s13] =	stream.linear.scatter [tilespmem:s19], [sflag:$0x2], $0x4000, $0x38;
	[tilespmem:$0x1FD00] =	vst v63  }
0x3f: {  	_ =	swait.ge [sflag:s20], $0x4000  }
0x40: {  	[sflag:s20] =	ssyncset.done $0x0  }
0x41: {  	[sflag:s20] =	ssyncadd.s32 $0xFFFFC000  }
0x42: {  	[spmem:s6] =	stream.linear.scatter [tilespmem:s19], [sflag:$0x2], $0x3C00, $0x38;
	[tilespmem:$0x1FD00] =	vst v63  }
0x43: {  	_ =	swait.ge [sflag:s20], $0x3C00  }
0x44: {  	[sflag:s20] =	ssyncset.done $0x0  }
0x45: {  	[sflag:s20] =	ssyncadd.s32 $0xFFFFC400  }
0x46: {  	s30 =	sadd.s32 $0x0, s14;
	[bflag:$0x0] =	sbarrier.arrive $0xFFFF  }
0x47: {  	[tilespmem:s3], [sflag:$0x2] =	stream.linear.gather [hbm4b:s30+s3], $0x80, $0x38;
	[tilespmem:$0x1FD00] =	vst v63  }
0x48: {  	_ =	swait.ge [sflag:s20], $0x80  }
0x49: {  	[sflag:s20] =	ssyncset.done $0x0  }
0x4a: {  	s31 =	sadd.s32 $0x0, s15;
	[sflag:s20] =	ssyncadd.s32 $0xFFFFFF80  }
0x4b: {  	[tilespmem:s21], [sflag:$0x2] =	stream.linear.gather [hbm4b:s31+s3], $0x80, $0x38;
	[tilespmem:$0x1FD00] =	vst v63  }
0x4c: {  	_ =	swait.ge [sflag:s20], $0x80  }
0x4d: {  	[sflag:s20] =	ssyncset.done $0x0  }
0x4e: {  	[sflag:s20] =	ssyncadd.s32 $0xFFFFFF80  }
0x4f: {  	[tilespmem:s22], [sflag:$0x1] =	stream.indirect.gather [hbm4b:s4+s21], $0x80, s3, s21, $0xb8;
	[tilespmem:$0x1FD00] =	vst v63  }
0x50: {  	_ =	swait.ge [sflag:s23], $0x4000  }
0x51: {  	[sflag:s23] =	ssyncset.done $0x0  }
0x52: {  	[sflag:s23] =	ssyncadd.s32 $0xFFFFC000  }
0x53: {  	[spmem:s2] =	stream.indirect.scatter.add.f32 [tilespmem:s22], [sflag:$0x2], $0x80, s21, s21, $0xb8;
	[tilespmem:$0x1FD00] =	vst v63  }
0x54: {  	_ =	swait.ge [sflag:s20], $0x4000  }
0x55: {  	s26 =	simm.s32 $0x10;
	s28 =	simm.s32 $0x20;
	[sflag:s20] =	ssyncset.done $0x0  }
.LBB2_6:
0x56: {  	s29 =	sadd.s32 s26, s14  }
0x57: {  	[sflag:s20] =	ssyncadd.s32 $0xFFFFC000;
	s30 =	smov.u32 s28;
	s31 =	sadd.s32 $0x10, s28  }
0x58: {  	[tilespmem:s3], [sflag:$0x2] =	stream.linear.gather [hbm4b:s29+s3], $0x80, $0x38;
	[tilespmem:$0x1FD00] =	vst v63  }
0x59: {  	p0 =	sne.s32 s28, $0x610;
	_ =	swait.ge [sflag:s20], $0x80  }
0x5a: {  	[sflag:s20] =	ssyncset.done $0x0  }
0x5b: {  	s28 =	sadd.s32 s26, s15;
	s26 =	smov.u32 s30;
	[sflag:s20] =	ssyncadd.s32 $0xFFFFFF80  }
0x5c: {  	[tilespmem:s21], [sflag:$0x2] =	stream.linear.gather [hbm4b:s28+s3], $0x80, $0x38;
	[tilespmem:$0x1FD00] =	vst v63  }
0x5d: {  	_ =	swait.ge [sflag:s20], $0x80  }
0x5e: {  	[sflag:s20] =	ssyncset.done $0x0  }
0x5f: {  	[sflag:s20] =	ssyncadd.s32 $0xFFFFFF80  }
0x60: {  	[tilespmem:s22], [sflag:$0x1] =	stream.indirect.gather [hbm4b:s4+s21], $0x80, s3, s21, $0xb8;
	[tilespmem:$0x1FD00] =	vst v63  }
0x61: {  	_ =	swait.ge [sflag:s23], $0x4000  }
.Ltmp2:
0x62: {  	[sflag:s23] =	ssyncset.done $0x0;
	(pc) =	sbr.rel @p0 .LBB2_6-.Ltmp2, $4  }
0x63: {  	[sflag:s23] =	ssyncadd.s32 $0xFFFFC000  }
0x64: {  	[spmem:s2] =	stream.indirect.scatter.add.f32 [tilespmem:s22], [sflag:$0x2], $0x80, s21, s21, $0xb8;
	[tilespmem:$0x1FD00] =	vst v63  }
0x65: {  	_ =	swait.ge [sflag:s20], $0x4000  }
0x66: {  	s28 =	smov.u32 s31;
	[sflag:s20] =	ssyncset.done $0x0  }
0x67: {  	s28 =	sadd.s32 s26, s14;
	[sflag:s20] =	ssyncadd.s32 $0xFFFFC000  }
0x68: {  	[tilespmem:s3], [sflag:$0x2] =	stream.linear.gather [hbm4b:s28+s3], $0x80, $0x38;
	[tilespmem:$0x1FD00] =	vst v63  }
0x69: {  	_ =	swait.ge [sflag:s20], $0x80  }
0x6a: {  	[sflag:s20] =	ssyncset.done $0x0  }
0x6b: {  	s1 =	sadd.s32 s26, s15;
	[sflag:s20] =	ssyncadd.s32 $0xFFFFFF80  }
0x6c: {  	[tilespmem:s21], [sflag:$0x2] =	stream.linear.gather [hbm4b:s1+s3], $0x80, $0x38;
	[tilespmem:$0x1FD00] =	vst v63  }
0x6d: {  	_ =	swait.ge [sflag:s20], $0x80  }
0x6e: {  	[sflag:s20] =	ssyncset.done $0x0  }
0x6f: {  	[sflag:s20] =	ssyncadd.s32 $0xFFFFFF80  }
0x70: {  	[tilespmem:s22], [sflag:$0x1] =	stream.indirect.gather [hbm4b:s4+s21], $0x80, s3, s21, $0xb8;
	[tilespmem:$0x1FD00] =	vst v63  }
0x71: {  	_ =	swait.ge [sflag:s23], $0x4000  }
0x72: {  	[sflag:s23] =	ssyncset.done $0x0  }
0x73: {  	[sflag:s23] =	ssyncadd.s32 $0xFFFFC000  }
0x74: {  	[spmem:s2] =	stream.indirect.scatter.add.f32 [tilespmem:s22], [sflag:$0x2], $0x80, s21, s21, $0xb8;
	[tilespmem:$0x1FD00] =	vst v63  }
0x75: {  	_ =	swait.ge [sflag:s20], $0x4000  }
0x76: {  	s0 =	stileid.u32;
	[sflag:s20] =	ssyncset.done $0x0  }
0x77: {  	s31 =	sshll.u32 s0, $0x6;
	[sflag:s20] =	ssyncadd.s32 $0xFFFFC000  }
0x78: {  	s28 =	sshrl.u32 s5, $0x3;
	s26 =	sor.u32 $0x1C02, s31;
	[bflag:$0x0] =	sbarrier.arrive $0xFFFF  }
0x79: {  	[hbm:s7], [sflag:s26] =	dma.local [spmem:s28], $0x2780  }
0x7a: {  	_ =	swait.ge [sflag:s20], $0x2780  }
0x7b: {  	[sflag:s20] =	ssyncset.done $0x0  }
0x7c: {  	[sflag:s20] =	ssyncadd.s32 $0xFFFFD880  }
0x7d: {  	[bflag:$0x0] =	sbarrier.arrive $0xFFFF  }
0x7e: {  	[spmem:s5] =	stream.linear.scatter [tilespmem:s19], [sflag:$0x2], $0x4000, $0x38;
	[tilespmem:$0x1FD00] =	vst v63  }
0x7f: {  	_ =	swait.ge [sflag:s20], $0x4000  }
0x80: {  	[sflag:s20] =	ssyncset.done $0x0  }
0x81: {  	[sflag:s20] =	ssyncadd.s32 $0xFFFFC000  }
0x82: {  	[spmem:s11] =	stream.linear.scatter [tilespmem:s19], [sflag:$0x2], $0x4000, $0x38;
	[tilespmem:$0x1FD00] =	vst v63  }
0x83: {  	_ =	swait.ge [sflag:s20], $0x4000  }
0x84: {  	[sflag:s20] =	ssyncset.done $0x0  }
0x85: {  	[sflag:s20] =	ssyncadd.s32 $0xFFFFC000  }
0x86: {  	[spmem:s12] =	stream.linear.scatter [tilespmem:s19], [sflag:$0x2], $0x4000, $0x38;
	[tilespmem:$0x1FD00] =	vst v63  }
0x87: {  	_ =	swait.ge [sflag:s20], $0x4000  }
0x88: {  	[sflag:s20] =	ssyncset.done $0x0  }
0x89: {  	[sflag:s20] =	ssyncadd.s32 $0xFFFFC000  }
0x8a: {  	[spmem:s13] =	stream.linear.scatter [tilespmem:s19], [sflag:$0x2], $0x4000, $0x38;
	[tilespmem:$0x1FD00] =	vst v63  }
0x8b: {  	_ =	swait.ge [sflag:s20], $0x4000  }
0x8c: {  	[sflag:s20] =	ssyncset.done $0x0  }
0x8d: {  	[sflag:s20] =	ssyncadd.s32 $0xFFFFC000  }
0x8e: {  	[spmem:s6] =	stream.linear.scatter [tilespmem:s19], [sflag:$0x2], $0x3C00, $0x38;
	[tilespmem:$0x1FD00] =	vst v63  }
0x8f: {  	_ =	swait.ge [sflag:s20], $0x3C00  }
0x90: {  	[sflag:s20] =	ssyncset.done $0x0  }
0x91: {  	[sflag:s20] =	ssyncadd.s32 $0xFFFFC400  }
0x92: {  	s29 =	sadd.s32 $0x0, s16;
	[bflag:$0x0] =	sbarrier.arrive $0xFFFF  }
0x93: {  	[tilespmem:s3], [sflag:$0x2] =	stream.linear.gather [hbm4b:s29+s3], $0x80, $0x38;
	[tilespmem:$0x1FD00] =	vst v63  }
0x94: {  	_ =	swait.ge [sflag:s20], $0x80  }
0x95: {  	[sflag:s20] =	ssyncset.done $0x0  }
0x96: {  	s29 =	sadd.s32 $0x0, s17;
	[sflag:s20] =	ssyncadd.s32 $0xFFFFFF80  }
0x97: {  	[tilespmem:s21], [sflag:$0x2] =	stream.linear.gather [hbm4b:s29+s3], $0x80, $0x38;
	[tilespmem:$0x1FD00] =	vst v63  }
0x98: {  	_ =	swait.ge [sflag:s20], $0x80  }
0x99: {  	[sflag:s20] =	ssyncset.done $0x0  }
0x9a: {  	[sflag:s20] =	ssyncadd.s32 $0xFFFFFF80  }
0x9b: {  	[tilespmem:s22], [sflag:$0x1] =	stream.indirect.gather [hbm4b:s4+s21], $0x80, s3, s21, $0xb8;
	[tilespmem:$0x1FD00] =	vst v63  }
0x9c: {  	_ =	swait.ge [sflag:s23], $0x4000  }
0x9d: {  	[sflag:s23] =	ssyncset.done $0x0  }
0x9e: {  	[sflag:s23] =	ssyncadd.s32 $0xFFFFC000  }
0x9f: {  	[spmem:s2] =	stream.indirect.scatter.add.f32 [tilespmem:s22], [sflag:$0x2], $0x80, s21, s21, $0xb8;
	[tilespmem:$0x1FD00] =	vst v63  }
0xa0: {  	_ =	swait.ge [sflag:s20], $0x4000  }
0xa1: {  	s30 =	simm.s32 $0x20;
	s29 =	simm.s32 $0x10;
	[sflag:s20] =	ssyncset.done $0x0  }
.LBB2_8:
0xa2: {  	s31 =	sadd.s32 s29, s16  }
0xa3: {  	[sflag:s20] =	ssyncadd.s32 $0xFFFFC000;
	s1 =	smov.u32 s30;
	s0 =	sadd.s32 $0x10, s30  }
0xa4: {  	[tilespmem:s3], [sflag:$0x2] =	stream.linear.gather [hbm4b:s31+s3], $0x80, $0x38;
	[tilespmem:$0x1FD00] =	vst v63  }
0xa5: {  	p0 =	sne.s32 s30, $0x610;
	_ =	swait.ge [sflag:s20], $0x80  }
0xa6: {  	[sflag:s20] =	ssyncset.done $0x0  }
0xa7: {  	s30 =	sadd.s32 s29, s17;
	s29 =	smov.u32 s1;
	[sflag:s20] =	ssyncadd.s32 $0xFFFFFF80  }
0xa8: {  	[tilespmem:s21], [sflag:$0x2] =	stream.linear.gather [hbm4b:s30+s3], $0x80, $0x38;
	[tilespmem:$0x1FD00] =	vst v63  }
0xa9: {  	_ =	swait.ge [sflag:s20], $0x80  }
0xaa: {  	[sflag:s20] =	ssyncset.done $0x0  }
0xab: {  	[sflag:s20] =	ssyncadd.s32 $0xFFFFFF80  }
0xac: {  	[tilespmem:s22], [sflag:$0x1] =	stream.indirect.gather [hbm4b:s4+s21], $0x80, s3, s21, $0xb8;
	[tilespmem:$0x1FD00] =	vst v63  }
0xad: {  	_ =	swait.ge [sflag:s23], $0x4000  }
.Ltmp3:
0xae: {  	[sflag:s23] =	ssyncset.done $0x0;
	(pc) =	sbr.rel @p0 .LBB2_8-.Ltmp3, $4  }
0xaf: {  	[sflag:s23] =	ssyncadd.s32 $0xFFFFC000  }
0xb0: {  	[spmem:s2] =	stream.indirect.scatter.add.f32 [tilespmem:s22], [sflag:$0x2], $0x80, s21, s21, $0xb8;
	[tilespmem:$0x1FD00] =	vst v63  }
0xb1: {  	_ =	swait.ge [sflag:s20], $0x4000  }
0xb2: {  	s30 =	smov.u32 s0;
	[sflag:s20] =	ssyncset.done $0x0  }
0xb3: {  	s0 =	sadd.s32 s29, s16;
	[sflag:s20] =	ssyncadd.s32 $0xFFFFC000  }
0xb4: {  	[tilespmem:s3], [sflag:$0x2] =	stream.linear.gather [hbm4b:s0+s3], $0x80, $0x38;
	[tilespmem:$0x1FD00] =	vst v63  }
0xb5: {  	_ =	swait.ge [sflag:s20], $0x80  }
0xb6: {  	[sflag:s20] =	ssyncset.done $0x0  }
0xb7: {  	s1 =	sadd.s32 s29, s17;
	[sflag:s20] =	ssyncadd.s32 $0xFFFFFF80  }
0xb8: {  	[tilespmem:s21], [sflag:$0x2] =	stream.linear.gather [hbm4b:s1+s3], $0x80, $0x38;
	[tilespmem:$0x1FD00] =	vst v63  }
0xb9: {  	_ =	swait.ge [sflag:s20], $0x80  }
0xba: {  	[sflag:s20] =	ssyncset.done $0x0  }
0xbb: {  	[sflag:s20] =	ssyncadd.s32 $0xFFFFFF80  }
0xbc: {  	[tilespmem:s22], [sflag:$0x1] =	stream.indirect.gather [hbm4b:s4+s21], $0x80, s3, s21, $0xb8;
	[tilespmem:$0x1FD00] =	vst v63  }
0xbd: {  	_ =	swait.ge [sflag:s23], $0x4000  }
0xbe: {  	[sflag:s23] =	ssyncset.done $0x0  }
0xbf: {  	[sflag:s23] =	ssyncadd.s32 $0xFFFFC000  }
0xc0: {  	[spmem:s2] =	stream.indirect.scatter.add.f32 [tilespmem:s22], [sflag:$0x2], $0x80, s21, s21, $0xb8;
	[tilespmem:$0x1FD00] =	vst v63  }
0xc1: {  	_ =	swait.ge [sflag:s20], $0x4000  }
0xc2: {  	[sflag:s20] =	ssyncset.done $0x0  }
0xc3: {  	[sflag:s20] =	ssyncadd.s32 $0xFFFFC000  }
0xc4: {  	[bflag:$0x0] =	sbarrier.arrive $0xFFFF  }
0xc5: {  	[hbm:s8], [sflag:s26] =	dma.local [spmem:s28], $0x2780  }
0xc6: {  	_ =	swait.ge [sflag:s20], $0x2780  }
0xc7: {  	[sflag:s20] =	ssyncset.done $0x0  }
0xc8: {  	[sflag:s20] =	ssyncadd.s32 $0xFFFFD880  }
0xc9: {  	[bflag:$0x0] =	sbarrier.arrive $0xFFFF  }
0xca: {  	[spmem:s5] =	stream.linear.scatter [tilespmem:s19], [sflag:$0x2], $0x4000, $0x38;
	[tilespmem:$0x1FD00] =	vst v63  }
0xcb: {  	_ =	swait.ge [sflag:s20], $0x4000  }
0xcc: {  	[sflag:s20] =	ssyncset.done $0x0  }
0xcd: {  	[sflag:s20] =	ssyncadd.s32 $0xFFFFC000  }
0xce: {  	[spmem:s11] =	stream.linear.scatter [tilespmem:s19], [sflag:$0x2], $0x4000, $0x38;
	[tilespmem:$0x1FD00] =	vst v63  }
0xcf: {  	_ =	swait.ge [sflag:s20], $0x4000  }
0xd0: {  	[sflag:s20] =	ssyncset.done $0x0  }
0xd1: {  	[sflag:s20] =	ssyncadd.s32 $0xFFFFC000  }
0xd2: {  	[spmem:s12] =	stream.linear.scatter [tilespmem:s19], [sflag:$0x2], $0x4000, $0x38;
	[tilespmem:$0x1FD00] =	vst v63  }
0xd3: {  	_ =	swait.ge [sflag:s20], $0x4000  }
0xd4: {  	[sflag:s20] =	ssyncset.done $0x0  }
0xd5: {  	[sflag:s20] =	ssyncadd.s32 $0xFFFFC000  }
0xd6: {  	[spmem:s13] =	stream.linear.scatter [tilespmem:s19], [sflag:$0x2], $0x4000, $0x38;
	[tilespmem:$0x1FD00] =	vst v63  }
0xd7: {  	_ =	swait.ge [sflag:s20], $0x4000  }
0xd8: {  	[sflag:s20] =	ssyncset.done $0x0  }
0xd9: {  	[sflag:s20] =	ssyncadd.s32 $0xFFFFC000  }
0xda: {  	[spmem:s6] =	stream.linear.scatter [tilespmem:s19], [sflag:$0x2], $0x3C00, $0x38;
	[tilespmem:$0x1FD00] =	vst v63  }
0xdb: {  	_ =	swait.ge [sflag:s20], $0x3C00  }
0xdc: {  	[sflag:s20] =	ssyncset.done $0x0  }
0xdd: {  	[sflag:s20] =	ssyncadd.s32 $0xFFFFC400  }
0xde: {  	s31 =	sadd.s32 $0x0, s18;
	[bflag:$0x0] =	sbarrier.arrive $0xFFFF  }
0xdf: {  	[tilespmem:s21], [sflag:$0x2] =	stream.linear.gather [hbm4b:s31+s3], $0x80, $0x38;
	[tilespmem:$0x1FD00] =	vst v63  }
0xe0: {  	_ =	swait.ge [sflag:s20], $0x80  }
0xe1: {  	[sflag:s20] =	ssyncset.done $0x0  }
0xe2: {  	[sflag:s20] =	ssyncadd.s32 $0xFFFFFF80  }
0xe3: {  	[spmem:s2] =	stream.indirect.scatter.add.f32 [tilespmem:s24], [sflag:$0x2], $0x80, s21, s21, $0xb8;
	[tilespmem:$0x1FD00] =	vst v63  }
0xe4: {  	_ =	swait.ge [sflag:s20], $0x4000  }
0xe5: {  	s29 =	simm.s32 $0x10;
	s30 =	simm.s32 $0x20;
	[sflag:s20] =	ssyncset.done $0x0  }
.LBB2_10:
0xe6: {  	s0 =	sadd.s32 s29, s18  }
0xe7: {  	[sflag:s20] =	ssyncadd.s32 $0xFFFFC000;
	s29 =	smov.u32 s30;
	s1 =	sadd.s32 $0x10, s30  }
0xe8: {  	[tilespmem:s21], [sflag:$0x2] =	stream.linear.gather [hbm4b:s0+s3], $0x80, $0x38;
	[tilespmem:$0x1FD00] =	vst v63  }
0xe9: {  	p0 =	sne.s32 s30, $0x610;
	_ =	swait.ge [sflag:s20], $0x80  }
.Ltmp4:
0xea: {  	[sflag:s20] =	ssyncset.done $0x0;
	(pc) =	sbr.rel @p0 .LBB2_10-.Ltmp4, $4  }
0xeb: {  	[sflag:s20] =	ssyncadd.s32 $0xFFFFFF80  }
0xec: {  	[spmem:s2] =	stream.indirect.scatter.add.f32 [tilespmem:s24], [sflag:$0x2], $0x80, s21, s21, $0xb8;
	[tilespmem:$0x1FD00] =	vst v63  }
0xed: {  	_ =	swait.ge [sflag:s20], $0x4000  }
0xee: {  	s30 =	smov.u32 s1;
	[sflag:s20] =	ssyncset.done $0x0  }
0xef: {  	s0 =	sadd.s32 s29, s18;
	[sflag:s20] =	ssyncadd.s32 $0xFFFFC000  }
0xf0: {  	[tilespmem:s21], [sflag:$0x2] =	stream.linear.gather [hbm4b:s0+s3], $0x80, $0x38;
	[tilespmem:$0x1FD00] =	vst v63  }
0xf1: {  	_ =	swait.ge [sflag:s20], $0x80  }
0xf2: {  	[sflag:s20] =	ssyncset.done $0x0  }
0xf3: {  	[sflag:s20] =	ssyncadd.s32 $0xFFFFFF80  }
0xf4: {  	[spmem:s2] =	stream.indirect.scatter.add.f32 [tilespmem:s24], [sflag:$0x2], $0x80, s21, s21, $0xb8;
	[tilespmem:$0x1FD00] =	vst v63  }
0xf5: {  	_ =	swait.ge [sflag:s20], $0x4000  }
0xf6: {  	s25 =	sadd.s32 $0x1, s25;
	[sflag:s20] =	ssyncset.done $0x0  }
0xf7: {  	p0 =	sne.s32 s25, s10;
	[sflag:s20] =	ssyncadd.s32 $0xFFFFC000  }
.Ltmp5:
0xf8: {  	[bflag:$0x0] =	sbarrier.arrive $0xFFFF;
	(pc) =	sbr.rel @p0 .LBB2_1-.Ltmp5, $4  }
0xf9: {  	[hbm:s9], [sflag:s26] =	dma.local [spmem:s28], $0x2780  }
0xfa: {  	_ =	swait.ge [sflag:s20], $0x2780  }
0xfb: {  	[sflag:s20] =	ssyncset.done $0x0  }
0xfc: {  	[sflag:s20] =	ssyncadd.s32 $0xFFFFD880  }
0xfd: {  	_ =	sfence.sel $0x180000  }
0xfe: {  	[bflag:$0x0] =	sbarrier.arrive $0xFFFF  }
0xff: {  	_ =	strace $0x90000047  }
0x100: {  	s0 =	stileid.u32;
	[bflag:$0x2] =	sbarrier.arrive $0xFFFF  }
0x101: {  	p0 =	sne.s32 s0, $0x0;
	s0 =	rddreg [dreg:$0x2]  }
0x102: {  	s0 =	sadd.s32 @!p0 $0x100000, s0  }
0x103: {  	[sflag:s0] =	ssyncadd.tile.s32 @!p0 $0x1;
	_ =	shalt  }
.Lfunc_end2:
_tile_overlayer_lowered:
.L_overlay_start_2:
0x104: {  	(tag) =	ssettag $0x2  }
0x105: {  	s0 =	rddreg [dreg:$0x0];
	s2 =	stileid.u32  }
0x106: {  	s1 =	rddreg [dreg:$0x1];
	p0 =	sne.s32 s2, $0x0  }
0x107: {  	s3 =	rddreg [dreg:$0x2];
	[bflag:$0x3] =	sbarrier.arrive $0xFFFF;
	s2 =	simm.s32 @!p0 $0x1C02  }
0x108: {  	[timem:s3], [sflag:s2] =	dma.local @!p0 [hbm:s0], s1  }
0x109: {  	s0 =	simm.s32 @!p0 $0x2  }
0x10a: {  	_ =	swait.ge @!p0 [sflag:s0], s1  }
0x10b: {  	s1 =	ssub.s32 @!p0 $0x0, s1;
	[sflag:s0] =	ssyncset.done @!p0 $0x0  }
0x10c: {  	[sflag:s0] =	ssyncadd.s32 @!p0 s1  }
0x10d: {  	[bflag:$0x3] =	sbarrier.arrive $0xFFFF  }
0x10e: {  	_ =	shalt  }

</sc_bundles>
